<compile_context>
chip_gen: v7x
topology: tpu7x:2x2x1
jax: 0.10.2.dev20260603
libtpu: 0.0.44.dev20260713+nightly
codegen_flags: <defaults>
</compile_context>

<pallas_src>
import functools

import jax
import jax.numpy as jnp
import numpy as np
from jax import lax
from jax.experimental import pallas as pl
from jax.experimental.pallas import tpu as pltpu
from jax.experimental.pallas import tpu_sc as plsc

TOKENS = 32768
D_MODEL = 768
NUM_CHILDREN = 64
NE = NUM_CHILDREN

BT = 4096
QT = TOKENS // 128
QB = BT // 128
NC, NS, L = 2, 16, 16
NW = NC * NS
TOK_PER_W = TOKENS // NW
BLK = 256
QBLK = BLK // 128
FLAT = BLK * NE
NBLK = TOK_PER_W // BLK
NPAIR = BLK // (2 * L)
UNROLL = 8
NEG_INF = float(np.finfo(np.float32).min)


def _mmT_body(x_ref, w_ref, b_ref, o_ref):
    for qi in range(QB):
        xq = x_ref[pl.ds(qi * 128, 128), :]
        lt = lax.dot_general(
            w_ref[...], xq,
            (((1,), (1,)), ((), ())),
            preferred_element_type=jnp.float32,
        ) + b_ref[...]
        o_ref[qi] = lt


def _matmul_logits_t(x, W, bcol):
    return pl.pallas_call(
        _mmT_body,
        grid=(TOKENS // BT,),
        in_specs=[
            pl.BlockSpec((BT, D_MODEL), lambda i: (i, 0)),
            pl.BlockSpec((NE, D_MODEL), lambda i: (0, 0)),
            pl.BlockSpec((NE, 1), lambda i: (0, 0)),
        ],
        out_specs=pl.BlockSpec((QB, NE, 128), lambda i: (i, 0, 0)),
        out_shape=jax.ShapeDtypeStruct((QT, NE, 128), jnp.float32),
        compiler_params=pltpu.CompilerParams(
            dimension_semantics=("arbitrary",),
        ),
    )(x, W, bcol)


def _merge22(h1, l1, ih1, il1, h2, l2, ih2, il2):
    c1 = h1 >= h2
    hi = jnp.where(c1, h1, h2)
    ihi = jnp.where(c1, ih1, ih2)
    m = jnp.where(c1, h2, h1)
    im = jnp.where(c1, ih2, ih1)
    c2 = l1 >= l2
    lc = jnp.where(c2, l1, l2)
    ilc = jnp.where(c2, il1, il2)
    c3 = m >= lc
    lo = jnp.where(c3, m, lc)
    ilo = jnp.where(c3, im, ilc)
    return hi, lo, ihi, ilo


def _top2_tree8(vals, consts):
    t2 = []
    for p in range(4):
        a, b = vals[2 * p], vals[2 * p + 1]
        c = a >= b
        t2.append((jnp.where(c, a, b), jnp.where(c, b, a),
                   jnp.where(c, consts[2 * p], consts[2 * p + 1]),
                   jnp.where(c, consts[2 * p + 1], consts[2 * p])))
    m1 = _merge22(*t2[0], *t2[1])
    m2 = _merge22(*t2[2], *t2[3])
    return _merge22(*m1, *m2)


def _route_body(lt_hbm, out_hbm,
                kt0, kt1, ob0, ob1, idx1, idx2,
                sin0, sin1, so0, so1):
    wid = lax.axis_index("s") * NC + lax.axis_index("c")
    tok0 = wid * TOK_PER_W
    base = tok0 * NE
    ktb = (kt0, kt1)
    obb = (ob0, ob1)
    sin = (sin0, sin1)
    sout = (so0, so1)

    q00 = tok0 // 128
    in_dmas = [
        pltpu.async_copy(lt_hbm.at[pl.ds(q00, QBLK), :, :], kt0, sin0),
        pltpu.async_copy(lt_hbm.at[pl.ds(q00 + QBLK, QBLK), :, :], kt1, sin1),
    ]

    lanes = lax.iota(jnp.int32, L)
    lanes64 = lanes * NE
    neg = jnp.full((L,), NEG_INF, jnp.float32)
    zero_i = jnp.zeros((L,), jnp.int32)
    zero_f = jnp.zeros((L,), jnp.float32)
    consts = [jnp.full((L,), t, jnp.int32) for t in range(UNROLL)]

    def zloop(i, _):
        for k in range(8):
            ob0[pl.ds(i * 128 + k * L, L)] = zero_f
            ob1[pl.ds(i * 128 + k * L, L)] = zero_f
        return 0
    lax.fori_loop(0, FLAT // 128, zloop, 0)

    out_dmas = [None, None]
    for g in range(NBLK):
        bsel = g % 2
        kt = ktb[bsel]
        ob = obb[bsel]
        in_dmas[bsel].wait()
        if out_dmas[bsel] is not None:
            out_dmas[bsel].wait()

            def rloop(up, _):
                off = bsel * BLK + up * (2 * L)
                for d in range(2):
                    o1 = idx1[pl.ds(off + d * L, L)]
                    o2 = idx2[pl.ds(off + d * L, L)]
                    plsc.store_scatter(ob, [o1], zero_f)
                    plsc.store_scatter(ob, [o2], zero_f)
                return 0
            lax.fori_loop(0, NPAIR, rloop, 0)

        def pair(up, _):
            ua = up * (2 * L)
            qa = ua // 128
            ca = ua % 128

            def step(s, carry):
                ha, la, iha, ila, hb, lb, ihb, ilb = carry
                s8 = s * UNROLL
                va = [kt[qa, s8 + t, pl.ds(ca, L)] for t in range(UNROLL)]
                vb = [kt[qa, s8 + t, pl.ds(ca + L, L)] for t in range(UNROLL)]
                s8v = jnp.full((L,), 1, jnp.int32) * s8
                tha, tla, tia, tila = _top2_tree8(va, consts)
                thb, tlb, tib, tilb = _top2_tree8(vb, consts)
                ha, la, iha, ila = _merge22(
                    ha, la, iha, ila, tha, tla, tia + s8v, tila + s8v)
                hb, lb, ihb, ilb = _merge22(
                    hb, lb, ihb, ilb, thb, tlb, tib + s8v, tilb + s8v)
                return (ha, la, iha, ila, hb, lb, ihb, ilb)

            init = (neg, neg, zero_i, zero_i, neg, neg, zero_i, zero_i)
            (ha, la, iha, ila,
             hb, lb, ihb, ilb) = lax.fori_loop(0, NE // UNROLL, step, init)

            ta = ua * NE + lanes64
            tb = ta + L * NE
            off = bsel * BLK + up * (2 * L)
            for d, (h, l, ih, il, tvec) in enumerate(
                    ((ha, la, iha, ila, ta), (hb, lb, ihb, ilb, tb))):
                ex = jnp.exp(l - h)
                w1 = 1.0 / (1.0 + ex)
                w2 = ex * w1
                s1 = tvec + ih
                s2 = tvec + il
                plsc.store_scatter(ob, [s1], w1)
                plsc.store_scatter(ob, [s2], w2)
                idx1[pl.ds(off + d * L, L)] = s1
                idx2[pl.ds(off + d * L, L)] = s2
            return 0

        lax.fori_loop(0, NPAIR, pair, 0)

        out_dmas[bsel] = pltpu.async_copy(
            ob, out_hbm.at[pl.ds(base + g * FLAT, FLAT)], sout[bsel])
        if g + 2 < NBLK:
            in_dmas[bsel] = pltpu.async_copy(
                lt_hbm.at[pl.ds(q00 + (g + 2) * QBLK, QBLK), :, :],
                kt, sin[bsel])

    out_dmas[0].wait()
    out_dmas[1].wait()


def _route(logits_t):
    mesh = plsc.VectorSubcoreMesh(core_axis_name="c", subcore_axis_name="s")
    return pl.kernel(
        _route_body,
        out_type=jax.ShapeDtypeStruct((TOKENS * NE,), jnp.float32),
        mesh=mesh,
        compiler_params=pltpu.CompilerParams(needs_layout_passes=False),
        scratch_types=[
            pltpu.VMEM((QBLK, NE, 128), jnp.float32),
            pltpu.VMEM((QBLK, NE, 128), jnp.float32),
            pltpu.VMEM((FLAT,), jnp.float32),
            pltpu.VMEM((FLAT,), jnp.float32),
            pltpu.VMEM((2 * BLK,), jnp.int32),
            pltpu.VMEM((2 * BLK,), jnp.int32),
        ] + [pltpu.SemaphoreType.DMA] * 4,
    )(logits_t)


def kernel(payload_tensor, W, b):
    bcol = b.reshape(NE, 1)
    lt = _matmul_logits_t(payload_tensor, W, bcol)
    out_flat = _route(lt)
    return out_flat.reshape(TOKENS, NE)

# --- scband reference (transcript-rebuilt; emitter-appended) ---
"""Pipeline reference for scband-hmoe-gate-top-k-35880156791060 (READ-ONLY COPY).

The authoritative reference and input builder live on the scoring server;
editing this copy changes nothing except your own understanding.
"""

import jax, jax.numpy as jnp
import numpy as np

TOKENS = 32768
D_MODEL = 768
NUM_CHILDREN = 64
TOP_K = 2

def setup_inputs(seed: int = 0) -> dict:
    key = jax.random.key(seed)
    k1, k2, k3 = jax.random.split(key, 3)
    payload_tensor = jax.random.normal(k1, (TOKENS, D_MODEL), dtype=jnp.float32)
    # nn.Linear(input_dim, num_children): weight [num_children, input_dim], bias [num_children]
    bound = 1.0 / np.sqrt(D_MODEL)
    W = jax.random.uniform(k2, (NUM_CHILDREN, D_MODEL), minval=-bound, maxval=bound, dtype=jnp.float32)
    b = jax.random.uniform(k3, (NUM_CHILDREN,), minval=-bound, maxval=bound, dtype=jnp.float32)
    return {"payload_tensor": payload_tensor, "W": W, "b": b}

def reference(payload_tensor, W, b):
    # routing_logits = Linear(x)
    routing_logits = payload_tensor @ W.T + b
    # eval mode: no noise added (self.training is False)
    # top-k selection
    topk_logits, topk_indices = jax.lax.top_k(routing_logits, TOP_K)
    # mask = full(-inf); mask.scatter_(-1, topk_indices, topk_logits)
    rows = jnp.arange(routing_logits.shape[0])[:, None]
    mask = jnp.full_like(routing_logits, -jnp.inf)
    mask = mask.at[rows, topk_indices].set(topk_logits)
    # softmax over masked logits -> sparse routing weights
    routing_weights = jax.nn.softmax(mask, axis=-1)
    return routing_weights

if __name__ == "__main__":
    import jax
    _d = setup_inputs()
    print(jax.jit(kernel)(*tuple(_d.values())))

</pallas_src>

<mosaic_0001>
#map = affine_map<(d0, d1) -> (0, 0, 0)>
#map1 = affine_map<(d0, d1) -> (0)>
module attributes {stable_mosaic.version = 14 : i64} {
  func.func @_route_body(%arg0: i32, %arg1: i32, %arg2: memref<256x64x128xf32, #tpu.memory_space<hbm>>, %arg3: memref<2097152xf32, #tpu.memory_space<hbm>>, %arg4: memref<2x64x128xf32, #tpu.memory_space<vmem>>, %arg5: memref<2x64x128xf32, #tpu.memory_space<vmem>>, %arg6: memref<16384xf32, #tpu.memory_space<vmem>>, %arg7: memref<16384xf32, #tpu.memory_space<vmem>>, %arg8: memref<512xi32, #tpu.memory_space<vmem>>, %arg9: memref<512xi32, #tpu.memory_space<vmem>>, %arg10: memref<!tpu.dma_semaphore, #tpu.memory_space<semaphore_mem>>, %arg11: memref<!tpu.dma_semaphore, #tpu.memory_space<semaphore_mem>>, %arg12: memref<!tpu.dma_semaphore, #tpu.memory_space<semaphore_mem>>, %arg13: memref<!tpu.dma_semaphore, #tpu.memory_space<semaphore_mem>>) attributes {dimension_semantics = [#tpu.dimension_semantics<core_parallel>, #tpu.dimension_semantics<subcore_parallel>], iteration_bounds = array<i64: 2, 16>, scalar_prefetch = 0 : i64, scratch_operands = 10 : i64, tpu.core_type = #tpu.core_type<sc_vector_subcore>, window_params = [{transform_indices = #map}, {transform_indices = #map1}]} {
    %mul3A = arith.constant 2 : i32
    %mul3A_0 = arith.muli %arg1, %mul3A : i32
    %add3A = arith.addi %mul3A_0, %arg0 : i32
    %mul3A_1 = arith.constant 1024 : i32
    %mul3A_2 = arith.muli %add3A, %mul3A_1 : i32
    %mul3A_3 = arith.constant 64 : i32
    %mul3A_4 = arith.muli %mul3A_2, %mul3A_3 : i32
    %jit3A = arith.constant 128 : i32
    %div3A = arith.divsi %mul3A_2, %jit3A : i32
    %sign3A = arith.constant 0 : i32
    %sign3A_5 = arith.cmpi sgt, %mul3A_2, %sign3A : i32
    %sign3A_6 = arith.extui %sign3A_5 : i1 to i32
    %sign3A_7 = arith.constant 0 : i32
    %sign3A_8 = arith.cmpi slt, %mul3A_2, %sign3A_7 : i32
    %sign3A_9 = arith.extui %sign3A_8 : i1 to i32
    %sign3A_10 = arith.subi %sign3A_6, %sign3A_9 : i32
    %sign3A_11 = arith.constant 0 : i32
    %sign3A_12 = arith.cmpi sgt, %jit3A, %sign3A_11 : i32
    %sign3A_13 = arith.extui %sign3A_12 : i1 to i32
    %sign3A_14 = arith.constant 0 : i32
    %sign3A_15 = arith.cmpi slt, %jit3A, %sign3A_14 : i32
    %sign3A_16 = arith.extui %sign3A_15 : i1 to i32
    %sign3A_17 = arith.subi %sign3A_13, %sign3A_16 : i32
    %ne3A = arith.cmpi ne, %sign3A_10, %sign3A_17 : i32
    %rem3A = arith.remsi %mul3A_2, %jit3A : i32
    %ne3A_18 = arith.constant 0 : i32
    %ne3A_19 = arith.cmpi ne, %rem3A, %ne3A_18 : i32
    %and3A = arith.andi %ne3A, %ne3A_19 : i1
    %sub3A = arith.constant 1 : i32
    %sub3A_20 = arith.subi %div3A, %sub3A : i32
    %select_n3A = arith.select %and3A, %sub3A_20, %div3A : i32
    %dma_start3A = arith.constant 0 : i32
    %dma_start3A_21 = arith.constant 0 : i32
    %dma_start3A_22 = tpu.memref_slice %arg2[%select_n3A, %dma_start3A, %dma_start3A_21] : memref<256x64x128xf32, #tpu.memory_space<hbm>> -> memref<2x64x128xf32, #tpu.memory_space<hbm>>
    %dma_start3A_23 = arith.constant 0 : i32
    %dma_start3A_24 = arith.constant 0 : i32
    %dma_start3A_25 = tpu.memref_slice %arg2[%select_n3A, %dma_start3A_23, %dma_start3A_24] : memref<256x64x128xf32, #tpu.memory_space<hbm>> -> memref<2x64x128xf32, #tpu.memory_space<hbm>>
    tpu.enqueue_dma source(%dma_start3A_25 : memref<2x64x128xf32, #tpu.memory_space<hbm>>) target(%arg4 : memref<2x64x128xf32, #tpu.memory_space<vmem>>) target_semaphore(%arg10 : memref<!tpu.dma_semaphore, #tpu.memory_space<semaphore_mem>>)
    %add3A_26 = arith.constant 2 : i32
    %add3A_27 = arith.addi %select_n3A, %add3A_26 : i32
    %dma_start3A_28 = arith.constant 0 : i32
    %dma_start3A_29 = arith.constant 0 : i32
    %dma_start3A_30 = tpu.memref_slice %arg2[%add3A_27, %dma_start3A_28, %dma_start3A_29] : memref<256x64x128xf32, #tpu.memory_space<hbm>> -> memref<2x64x128xf32, #tpu.memory_space<hbm>>
    %dma_start3A_31 = arith.constant 0 : i32
    %dma_start3A_32 = arith.constant 0 : i32
    %dma_start3A_33 = tpu.memref_slice %arg2[%add3A_27, %dma_start3A_31, %dma_start3A_32] : memref<256x64x128xf32, #tpu.memory_space<hbm>> -> memref<2x64x128xf32, #tpu.memory_space<hbm>>
    tpu.enqueue_dma source(%dma_start3A_33 : memref<2x64x128xf32, #tpu.memory_space<hbm>>) target(%arg5 : memref<2x64x128xf32, #tpu.memory_space<vmem>>) target_semaphore(%arg11 : memref<!tpu.dma_semaphore, #tpu.memory_space<semaphore_mem>>)
    %iota3A = tpu.iota {dimensions = array<i32: 0>} : vector<16xi32>
    %mul3A_34 = arith.constant 64 : i32
    %mul3A_35 = vector.broadcast %mul3A_34 : i32 to vector<16xi32>
    %mul3A_36 = arith.muli %iota3A, %mul3A_35 : vector<16xi32>
    %broadcast_in_dim3A = arith.constant -3.40282347E+38 : f32
    %broadcast_in_dim3A_37 = vector.broadcast %broadcast_in_dim3A : f32 to vector<16xf32>
    %broadcast_in_dim3A_38 = arith.constant 0 : i32
    %broadcast_in_dim3A_39 = vector.broadcast %broadcast_in_dim3A_38 : i32 to vector<16xi32>
    %broadcast_in_dim3A_40 = arith.constant 0.000000e+00 : f32
    %broadcast_in_dim3A_41 = vector.broadcast %broadcast_in_dim3A_40 : f32 to vector<16xf32>
    %broadcast_in_dim3A_42 = arith.constant 0 : i32
    %broadcast_in_dim3A_43 = vector.broadcast %broadcast_in_dim3A_42 : i32 to vector<16xi32>
    %broadcast_in_dim3A_44 = arith.constant 1 : i32
    %broadcast_in_dim3A_45 = vector.broadcast %broadcast_in_dim3A_44 : i32 to vector<16xi32>
    %broadcast_in_dim3A_46 = arith.constant 2 : i32
    %broadcast_in_dim3A_47 = vector.broadcast %broadcast_in_dim3A_46 : i32 to vector<16xi32>
    %broadcast_in_dim3A_48 = arith.constant 3 : i32
    %broadcast_in_dim3A_49 = vector.broadcast %broadcast_in_dim3A_48 : i32 to vector<16xi32>
    %broadcast_in_dim3A_50 = arith.constant 4 : i32
    %broadcast_in_dim3A_51 = vector.broadcast %broadcast_in_dim3A_50 : i32 to vector<16xi32>
    %broadcast_in_dim3A_52 = arith.constant 5 : i32
    %broadcast_in_dim3A_53 = vector.broadcast %broadcast_in_dim3A_52 : i32 to vector<16xi32>
    %broadcast_in_dim3A_54 = arith.constant 6 : i32
    %broadcast_in_dim3A_55 = vector.broadcast %broadcast_in_dim3A_54 : i32 to vector<16xi32>
    %broadcast_in_dim3A_56 = arith.constant 7 : i32
    %broadcast_in_dim3A_57 = vector.broadcast %broadcast_in_dim3A_56 : i32 to vector<16xi32>
    %scan3A = arith.constant 0 : i32
    %scan3A_58 = arith.constant 0 : i32
    %scan3A_59 = arith.constant 128 : i32
    %scan3A_60 = arith.addi %scan3A_58, %scan3A_59 : i32
    %scan3A_61 = arith.constant 1 : i32
    %scan3A_62 = scf.for %scan3A_169 = %scan3A_58 to %scan3A_60 step %scan3A_61 iter_args(%scan3A_170 = %scan3A) -> (i32)  : i32 {
      %mul3A_171 = arith.constant 128 : i32
      %mul3A_172 = arith.muli %scan3A_169, %mul3A_171 : i32
      %add3A_173 = arith.constant 0 : i32
      %add3A_174 = arith.addi %mul3A_172, %add3A_173 : i32
      %swap3A = arith.index_cast %add3A_174 : i32 to index
      %swap3A_175 = tpu.vector_load %arg6[%swap3A] {strides = array<i32>} : memref<16384xf32, #tpu.memory_space<vmem>>, vector<16xf32>,
      tpu.vector_store %arg6[%swap3A], %broadcast_in_dim3A_41 {strides = array<i32>} : memref<16384xf32, #tpu.memory_space<vmem>>, vector<16xf32>,
      %mul3A_176 = arith.constant 128 : i32
      %mul3A_177 = arith.muli %scan3A_169, %mul3A_176 : i32
      %add3A_178 = arith.constant 0 : i32
      %add3A_179 = arith.addi %mul3A_177, %add3A_178 : i32
      %swap3A_180 = arith.index_cast %add3A_179 : i32 to index
      %swap3A_181 = tpu.vector_load %arg7[%swap3A_180] {strides = array<i32>} : memref<16384xf32, #tpu.memory_space<vmem>>, vector<16xf32>,
      tpu.vector_store %arg7[%swap3A_180], %broadcast_in_dim3A_41 {strides = array<i32>} : memref<16384xf32, #tpu.memory_space<vmem>>, vector<16xf32>,
      %mul3A_182 = arith.constant 128 : i32
      %mul3A_183 = arith.muli %scan3A_169, %mul3A_182 : i32
      %add3A_184 = arith.constant 16 : i32
      %add3A_185 = arith.addi %mul3A_183, %add3A_184 : i32
      %swap3A_186 = arith.index_cast %add3A_185 : i32 to index
      %swap3A_187 = tpu.vector_load %arg6[%swap3A_186] {strides = array<i32>} : memref<16384xf32, #tpu.memory_space<vmem>>, vector<16xf32>,
      tpu.vector_store %arg6[%swap3A_186], %broadcast_in_dim3A_41 {strides = array<i32>} : memref<16384xf32, #tpu.memory_space<vmem>>, vector<16xf32>,
      %mul3A_188 = arith.constant 128 : i32
      %mul3A_189 = arith.muli %scan3A_169, %mul3A_188 : i32
      %add3A_190 = arith.constant 16 : i32
      %add3A_191 = arith.addi %mul3A_189, %add3A_190 : i32
      %swap3A_192 = arith.index_cast %add3A_191 : i32 to index
      %swap3A_193 = tpu.vector_load %arg7[%swap3A_192] {strides = array<i32>} : memref<16384xf32, #tpu.memory_space<vmem>>, vector<16xf32>,
      tpu.vector_store %arg7[%swap3A_192], %broadcast_in_dim3A_41 {strides = array<i32>} : memref<16384xf32, #tpu.memory_space<vmem>>, vector<16xf32>,
      %mul3A_194 = arith.constant 128 : i32
      %mul3A_195 = arith.muli %scan3A_169, %mul3A_194 : i32
      %add3A_196 = arith.constant 32 : i32
      %add3A_197 = arith.addi %mul3A_195, %add3A_196 : i32
      %swap3A_198 = arith.index_cast %add3A_197 : i32 to index
      %swap3A_199 = tpu.vector_load %arg6[%swap3A_198] {strides = array<i32>} : memref<16384xf32, #tpu.memory_space<vmem>>, vector<16xf32>,
      tpu.vector_store %arg6[%swap3A_198], %broadcast_in_dim3A_41 {strides = array<i32>} : memref<16384xf32, #tpu.memory_space<vmem>>, vector<16xf32>,
      %mul3A_200 = arith.constant 128 : i32
      %mul3A_201 = arith.muli %scan3A_169, %mul3A_200 : i32
      %add3A_202 = arith.constant 32 : i32
      %add3A_203 = arith.addi %mul3A_201, %add3A_202 : i32
      %swap3A_204 = arith.index_cast %add3A_203 : i32 to index
      %swap3A_205 = tpu.vector_load %arg7[%swap3A_204] {strides = array<i32>} : memref<16384xf32, #tpu.memory_space<vmem>>, vector<16xf32>,
      tpu.vector_store %arg7[%swap3A_204], %broadcast_in_dim3A_41 {strides = array<i32>} : memref<16384xf32, #tpu.memory_space<vmem>>, vector<16xf32>,
      %mul3A_206 = arith.constant 128 : i32
      %mul3A_207 = arith.muli %scan3A_169, %mul3A_206 : i32
      %add3A_208 = arith.constant 48 : i32
      %add3A_209 = arith.addi %mul3A_207, %add3A_208 : i32
      %swap3A_210 = arith.index_cast %add3A_209 : i32 to index
      %swap3A_211 = tpu.vector_load %arg6[%swap3A_210] {strides = array<i32>} : memref<16384xf32, #tpu.memory_space<vmem>>, vector<16xf32>,
      tpu.vector_store %arg6[%swap3A_210], %broadcast_in_dim3A_41 {strides = array<i32>} : memref<16384xf32, #tpu.memory_space<vmem>>, vector<16xf32>,
      %mul3A_212 = arith.constant 128 : i32
      %mul3A_213 = arith.muli %scan3A_169, %mul3A_212 : i32
      %add3A_214 = arith.constant 48 : i32
      %add3A_215 = arith.addi %mul3A_213, %add3A_214 : i32
      %swap3A_216 = arith.index_cast %add3A_215 : i32 to index
      %swap3A_217 = tpu.vector_load %arg7[%swap3A_216] {strides = array<i32>} : memref<16384xf32, #tpu.memory_space<vmem>>, vector<16xf32>,
      tpu.vector_store %arg7[%swap3A_216], %broadcast_in_dim3A_41 {strides = array<i32>} : memref<16384xf32, #tpu.memory_space<vmem>>, vector<16xf32>,
      %mul3A_218 = arith.constant 128 : i32
      %mul3A_219 = arith.muli %scan3A_169, %mul3A_218 : i32
      %add3A_220 = arith.constant 64 : i32
      %add3A_221 = arith.addi %mul3A_219, %add3A_220 : i32
      %swap3A_222 = arith.index_cast %add3A_221 : i32 to index
      %swap3A_223 = tpu.vector_load %arg6[%swap3A_222] {strides = array<i32>} : memref<16384xf32, #tpu.memory_space<vmem>>, vector<16xf32>,
      tpu.vector_store %arg6[%swap3A_222], %broadcast_in_dim3A_41 {strides = array<i32>} : memref<16384xf32, #tpu.memory_space<vmem>>, vector<16xf32>,
      %mul3A_224 = arith.constant 128 : i32
      %mul3A_225 = arith.muli %scan3A_169, %mul3A_224 : i32
      %add3A_226 = arith.constant 64 : i32
      %add3A_227 = arith.addi %mul3A_225, %add3A_226 : i32
      %swap3A_228 = arith.index_cast %add3A_227 : i32 to index
      %swap3A_229 = tpu.vector_load %arg7[%swap3A_228] {strides = array<i32>} : memref<16384xf32, #tpu.memory_space<vmem>>, vector<16xf32>,
      tpu.vector_store %arg7[%swap3A_228], %broadcast_in_dim3A_41 {strides = array<i32>} : memref<16384xf32, #tpu.memory_space<vmem>>, vector<16xf32>,
      %mul3A_230 = arith.constant 128 : i32
      %mul3A_231 = arith.muli %scan3A_169, %mul3A_230 : i32
      %add3A_232 = arith.constant 80 : i32
      %add3A_233 = arith.addi %mul3A_231, %add3A_232 : i32
      %swap3A_234 = arith.index_cast %add3A_233 : i32 to index
      %swap3A_235 = tpu.vector_load %arg6[%swap3A_234] {strides = array<i32>} : memref<16384xf32, #tpu.memory_space<vmem>>, vector<16xf32>,
      tpu.vector_store %arg6[%swap3A_234], %broadcast_in_dim3A_41 {strides = array<i32>} : memref<16384xf32, #tpu.memory_space<vmem>>, vector<16xf32>,
      %mul3A_236 = arith.constant 128 : i32
      %mul3A_237 = arith.muli %scan3A_169, %mul3A_236 : i32
      %add3A_238 = arith.constant 80 : i32
      %add3A_239 = arith.addi %mul3A_237, %add3A_238 : i32
      %swap3A_240 = arith.index_cast %add3A_239 : i32 to index
      %swap3A_241 = tpu.vector_load %arg7[%swap3A_240] {strides = array<i32>} : memref<16384xf32, #tpu.memory_space<vmem>>, vector<16xf32>,
      tpu.vector_store %arg7[%swap3A_240], %broadcast_in_dim3A_41 {strides = array<i32>} : memref<16384xf32, #tpu.memory_space<vmem>>, vector<16xf32>,
      %mul3A_242 = arith.constant 128 : i32
      %mul3A_243 = arith.muli %scan3A_169, %mul3A_242 : i32
      %add3A_244 = arith.constant 96 : i32
      %add3A_245 = arith.addi %mul3A_243, %add3A_244 : i32
      %swap3A_246 = arith.index_cast %add3A_245 : i32 to index
      %swap3A_247 = tpu.vector_load %arg6[%swap3A_246] {strides = array<i32>} : memref<16384xf32, #tpu.memory_space<vmem>>, vector<16xf32>,
      tpu.vector_store %arg6[%swap3A_246], %broadcast_in_dim3A_41 {strides = array<i32>} : memref<16384xf32, #tpu.memory_space<vmem>>, vector<16xf32>,
      %mul3A_248 = arith.constant 128 : i32
      %mul3A_249 = arith.muli %scan3A_169, %mul3A_248 : i32
      %add3A_250 = arith.constant 96 : i32
      %add3A_251 = arith.addi %mul3A_249, %add3A_250 : i32
      %swap3A_252 = arith.index_cast %add3A_251 : i32 to index
      %swap3A_253 = tpu.vector_load %arg7[%swap3A_252] {strides = array<i32>} : memref<16384xf32, #tpu.memory_space<vmem>>, vector<16xf32>,
      tpu.vector_store %arg7[%swap3A_252], %broadcast_in_dim3A_41 {strides = array<i32>} : memref<16384xf32, #tpu.memory_space<vmem>>, vector<16xf32>,
      %mul3A_254 = arith.constant 128 : i32
      %mul3A_255 = arith.muli %scan3A_169, %mul3A_254 : i32
      %add3A_256 = arith.constant 112 : i32
      %add3A_257 = arith.addi %mul3A_255, %add3A_256 : i32
      %swap3A_258 = arith.index_cast %add3A_257 : i32 to index
      %swap3A_259 = tpu.vector_load %arg6[%swap3A_258] {strides = array<i32>} : memref<16384xf32, #tpu.memory_space<vmem>>, vector<16xf32>,
      tpu.vector_store %arg6[%swap3A_258], %broadcast_in_dim3A_41 {strides = array<i32>} : memref<16384xf32, #tpu.memory_space<vmem>>, vector<16xf32>,
      %mul3A_260 = arith.constant 128 : i32
      %mul3A_261 = arith.muli %scan3A_169, %mul3A_260 : i32
      %add3A_262 = arith.constant 112 : i32
      %add3A_263 = arith.addi %mul3A_261, %add3A_262 : i32
      %swap3A_264 = arith.index_cast %add3A_263 : i32 to index
      %swap3A_265 = tpu.vector_load %arg7[%swap3A_264] {strides = array<i32>} : memref<16384xf32, #tpu.memory_space<vmem>>, vector<16xf32>,
      tpu.vector_store %arg7[%swap3A_264], %broadcast_in_dim3A_41 {strides = array<i32>} : memref<16384xf32, #tpu.memory_space<vmem>>, vector<16xf32>,
      %scan3A_266 = arith.constant 0 : i32
      scf.yield %scan3A_266 : i32
    }
    %scan3A_63 = arith.constant 128 : i32
    %dma_wait3A = arith.constant 0 : i32
    %dma_wait3A_64 = arith.constant 0 : i32
    %dma_wait3A_65 = tpu.memref_slice %arg2[%select_n3A, %dma_wait3A, %dma_wait3A_64] : memref<256x64x128xf32, #tpu.memory_space<hbm>> -> memref<2x64x128xf32, #tpu.memory_space<hbm>>
    %dma_wait3A_66 = arith.constant 0 : i32
    %dma_wait3A_67 = arith.constant 0 : i32
    %dma_wait3A_68 = tpu.memref_slice %arg2[%select_n3A, %dma_wait3A_66, %dma_wait3A_67] : memref<256x64x128xf32, #tpu.memory_space<hbm>> -> memref<2x64x128xf32, #tpu.memory_space<hbm>>
    tpu.wait_dma2 semaphore(%arg10 : memref<!tpu.dma_semaphore, #tpu.memory_space<semaphore_mem>>) src(%dma_wait3A_68 : memref<2x64x128xf32, #tpu.memory_space<hbm>>) dst(%arg4 : memref<2x64x128xf32, #tpu.memory_space<vmem>>)
    %scan3A_69 = arith.constant 0 : i32
    %scan3A_70 = arith.constant 0 : i32
    %scan3A_71 = arith.constant 8 : i32
    %scan3A_72 = arith.addi %scan3A_70, %scan3A_71 : i32
    %scan3A_73 = arith.constant 1 : i32
    %scan3A_74 = scf.for %scan3A_169 = %scan3A_70 to %scan3A_72 step %scan3A_73 iter_args(%scan3A_170 = %scan3A_69) -> (i32)  : i32 {
      %mul3A_171 = arith.constant 32 : i32
      %mul3A_172 = arith.muli %scan3A_169, %mul3A_171 : i32
      %jit3A_173 = arith.constant 128 : i32
      %div3A_174 = arith.divsi %mul3A_172, %jit3A_173 : i32
      %sign3A_175 = arith.constant 0 : i32
      %sign3A_176 = arith.cmpi sgt, %mul3A_172, %sign3A_175 : i32
      %sign3A_177 = arith.extui %sign3A_176 : i1 to i32
      %sign3A_178 = arith.constant 0 : i32
      %sign3A_179 = arith.cmpi slt, %mul3A_172, %sign3A_178 : i32
      %sign3A_180 = arith.extui %sign3A_179 : i1 to i32
      %sign3A_181 = arith.subi %sign3A_177, %sign3A_180 : i32
      %sign3A_182 = arith.constant 0 : i32
      %sign3A_183 = arith.cmpi sgt, %jit3A_173, %sign3A_182 : i32
      %sign3A_184 = arith.extui %sign3A_183 : i1 to i32
      %sign3A_185 = arith.constant 0 : i32
      %sign3A_186 = arith.cmpi slt, %jit3A_173, %sign3A_185 : i32
      %sign3A_187 = arith.extui %sign3A_186 : i1 to i32
      %sign3A_188 = arith.subi %sign3A_184, %sign3A_187 : i32
      %ne3A_189 = arith.cmpi ne, %sign3A_181, %sign3A_188 : i32
      %rem3A_190 = arith.remsi %mul3A_172, %jit3A_173 : i32
      %ne3A_191 = arith.constant 0 : i32
      %ne3A_192 = arith.cmpi ne, %rem3A_190, %ne3A_191 : i32
      %and3A_193 = arith.andi %ne3A_189, %ne3A_192 : i1
      %sub3A_194 = arith.constant 1 : i32
      %sub3A_195 = arith.subi %div3A_174, %sub3A_194 : i32
      %select_n3A_196 = arith.select %and3A_193, %sub3A_195, %div3A_174 : i32
      %jit3A_197 = arith.constant 128 : i32
      %eq3A = arith.constant 0 : i32
      %eq3A_198 = arith.cmpi eq, %jit3A_197, %eq3A : i32
      %jit3A_199 = arith.constant 1 : i32
      %select_n3A_200 = arith.select %eq3A_198, %jit3A_199, %jit3A_197 : i32
      %rem3A_201 = arith.remsi %mul3A_172, %select_n3A_200 : i32
      %ne3A_202 = arith.constant 0 : i32
      %ne3A_203 = arith.cmpi ne, %rem3A_201, %ne3A_202 : i32
      %lt3A = arith.constant 0 : i32
      %lt3A_204 = arith.cmpi slt, %rem3A_201, %lt3A : i32
      %lt3A_205 = arith.constant 0 : i32
      %lt3A_206 = arith.cmpi slt, %select_n3A_200, %lt3A_205 : i32
      %ne3A_207 = arith.xori %lt3A_204, %lt3A_206 : i1
      %and3A_208 = arith.andi %ne3A_207, %ne3A_203 : i1
      %add3A_209 = arith.addi %rem3A_201, %select_n3A_200 : i32
      %select_n3A_210 = arith.select %and3A_208, %add3A_209, %rem3A_201 : i32
      %scan3A_211 = arith.constant 0 : i32
      %scan3A_212 = arith.constant 8 : i32
      %scan3A_213 = arith.addi %scan3A_211, %scan3A_212 : i32
      %scan3A_214 = arith.constant 1 : i32
      %scan3A_215:8 = scf.for %scan3A_265 = %scan3A_211 to %scan3A_213 step %scan3A_214 iter_args(%scan3A_266 = %broadcast_in_dim3A_37, %scan3A_267 = %broadcast_in_dim3A_37, %scan3A_268 = %broadcast_in_dim3A_39, %scan3A_269 = %broadcast_in_dim3A_39, %scan3A_270 = %broadcast_in_dim3A_37, %scan3A_271 = %broadcast_in_dim3A_37, %scan3A_272 = %broadcast_in_dim3A_39, %scan3A_273 = %broadcast_in_dim3A_39) -> (vector<16xf32>, vector<16xf32>, vector<16xi32>, vector<16xi32>, vector<16xf32>, vector<16xf32>, vector<16xi32>, vector<16xi32>)  : i32 {
        %mul3A_274 = arith.constant 8 : i32
        %mul3A_275 = arith.muli %scan3A_265, %mul3A_274 : i32
        %add3A_276 = arith.constant 0 : i32
        %add3A_277 = arith.addi %mul3A_275, %add3A_276 : i32
        %get3A = arith.index_cast %select_n3A_196 : i32 to index
        %get3A_278 = arith.index_cast %add3A_277 : i32 to index
        %get3A_279 = arith.index_cast %select_n3A_210 : i32 to index
        %get3A_280 = tpu.vector_load %arg4[%get3A, %get3A_278, %get3A_279] {strides = array<i32>} : memref<2x64x128xf32, #tpu.memory_space<vmem>>, vector<16xf32>,
        %add3A_281 = arith.constant 1 : i32
        %add3A_282 = arith.addi %mul3A_275, %add3A_281 : i32
        %get3A_283 = arith.index_cast %select_n3A_196 : i32 to index
        %get3A_284 = arith.index_cast %add3A_282 : i32 to index
        %get3A_285 = arith.index_cast %select_n3A_210 : i32 to index
        %get3A_286 = tpu.vector_load %arg4[%get3A_283, %get3A_284, %get3A_285] {strides = array<i32>} : memref<2x64x128xf32, #tpu.memory_space<vmem>>, vector<16xf32>,
        %add3A_287 = arith.constant 2 : i32
        %add3A_288 = arith.addi %mul3A_275, %add3A_287 : i32
        %get3A_289 = arith.index_cast %select_n3A_196 : i32 to index
        %get3A_290 = arith.index_cast %add3A_288 : i32 to index
        %get3A_291 = arith.index_cast %select_n3A_210 : i32 to index
        %get3A_292 = tpu.vector_load %arg4[%get3A_289, %get3A_290, %get3A_291] {strides = array<i32>} : memref<2x64x128xf32, #tpu.memory_space<vmem>>, vector<16xf32>,
        %add3A_293 = arith.constant 3 : i32
        %add3A_294 = arith.addi %mul3A_275, %add3A_293 : i32
        %get3A_295 = arith.index_cast %select_n3A_196 : i32 to index
        %get3A_296 = arith.index_cast %add3A_294 : i32 to index
        %get3A_297 = arith.index_cast %select_n3A_210 : i32 to index
        %get3A_298 = tpu.vector_load %arg4[%get3A_295, %get3A_296, %get3A_297] {strides = array<i32>} : memref<2x64x128xf32, #tpu.memory_space<vmem>>, vector<16xf32>,
        %add3A_299 = arith.constant 4 : i32
        %add3A_300 = arith.addi %mul3A_275, %add3A_299 : i32
        %get3A_301 = arith.index_cast %select_n3A_196 : i32 to index
        %get3A_302 = arith.index_cast %add3A_300 : i32 to index
        %get3A_303 = arith.index_cast %select_n3A_210 : i32 to index
        %get3A_304 = tpu.vector_load %arg4[%get3A_301, %get3A_302, %get3A_303] {strides = array<i32>} : memref<2x64x128xf32, #tpu.memory_space<vmem>>, vector<16xf32>,
        %add3A_305 = arith.constant 5 : i32
        %add3A_306 = arith.addi %mul3A_275, %add3A_305 : i32
        %get3A_307 = arith.index_cast %select_n3A_196 : i32 to index
        %get3A_308 = arith.index_cast %add3A_306 : i32 to index
        %get3A_309 = arith.index_cast %select_n3A_210 : i32 to index
        %get3A_310 = tpu.vector_load %arg4[%get3A_307, %get3A_308, %get3A_309] {strides = array<i32>} : memref<2x64x128xf32, #tpu.memory_space<vmem>>, vector<16xf32>,
        %add3A_311 = arith.constant 6 : i32
        %add3A_312 = arith.addi %mul3A_275, %add3A_311 : i32
        %get3A_313 = arith.index_cast %select_n3A_196 : i32 to index
        %get3A_314 = arith.index_cast %add3A_312 : i32 to index
        %get3A_315 = arith.index_cast %select_n3A_210 : i32 to index
        %get3A_316 = tpu.vector_load %arg4[%get3A_313, %get3A_314, %get3A_315] {strides = array<i32>} : memref<2x64x128xf32, #tpu.memory_space<vmem>>, vector<16xf32>,
        %add3A_317 = arith.constant 7 : i32
        %add3A_318 = arith.addi %mul3A_275, %add3A_317 : i32
        %get3A_319 = arith.index_cast %select_n3A_196 : i32 to index
        %get3A_320 = arith.index_cast %add3A_318 : i32 to index
        %get3A_321 = arith.index_cast %select_n3A_210 : i32 to index
        %get3A_322 = tpu.vector_load %arg4[%get3A_319, %get3A_320, %get3A_321] {strides = array<i32>} : memref<2x64x128xf32, #tpu.memory_space<vmem>>, vector<16xf32>,
        %add3A_323 = arith.constant 0 : i32
        %add3A_324 = arith.addi %mul3A_275, %add3A_323 : i32
        %add3A_325 = arith.constant 16 : i32
        %add3A_326 = arith.addi %select_n3A_210, %add3A_325 : i32
        %get3A_327 = arith.index_cast %select_n3A_196 : i32 to index
        %get3A_328 = arith.index_cast %add3A_324 : i32 to index
        %get3A_329 = arith.index_cast %add3A_326 : i32 to index
        %get3A_330 = tpu.vector_load %arg4[%get3A_327, %get3A_328, %get3A_329] {strides = array<i32>} : memref<2x64x128xf32, #tpu.memory_space<vmem>>, vector<16xf32>,
        %add3A_331 = arith.constant 1 : i32
        %add3A_332 = arith.addi %mul3A_275, %add3A_331 : i32
        %add3A_333 = arith.constant 16 : i32
        %add3A_334 = arith.addi %select_n3A_210, %add3A_333 : i32
        %get3A_335 = arith.index_cast %select_n3A_196 : i32 to index
        %get3A_336 = arith.index_cast %add3A_332 : i32 to index
        %get3A_337 = arith.index_cast %add3A_334 : i32 to index
        %get3A_338 = tpu.vector_load %arg4[%get3A_335, %get3A_336, %get3A_337] {strides = array<i32>} : memref<2x64x128xf32, #tpu.memory_space<vmem>>, vector<16xf32>,
        %add3A_339 = arith.constant 2 : i32
        %add3A_340 = arith.addi %mul3A_275, %add3A_339 : i32
        %add3A_341 = arith.constant 16 : i32
        %add3A_342 = arith.addi %select_n3A_210, %add3A_341 : i32
        %get3A_343 = arith.index_cast %select_n3A_196 : i32 to index
        %get3A_344 = arith.index_cast %add3A_340 : i32 to index
        %get3A_345 = arith.index_cast %add3A_342 : i32 to index
        %get3A_346 = tpu.vector_load %arg4[%get3A_343, %get3A_344, %get3A_345] {strides = array<i32>} : memref<2x64x128xf32, #tpu.memory_space<vmem>>, vector<16xf32>,
        %add3A_347 = arith.constant 3 : i32
        %add3A_348 = arith.addi %mul3A_275, %add3A_347 : i32
        %add3A_349 = arith.constant 16 : i32
        %add3A_350 = arith.addi %select_n3A_210, %add3A_349 : i32
        %get3A_351 = arith.index_cast %select_n3A_196 : i32 to index
        %get3A_352 = arith.index_cast %add3A_348 : i32 to index
        %get3A_353 = arith.index_cast %add3A_350 : i32 to index
        %get3A_354 = tpu.vector_load %arg4[%get3A_351, %get3A_352, %get3A_353] {strides = array<i32>} : memref<2x64x128xf32, #tpu.memory_space<vmem>>, vector<16xf32>,
        %add3A_355 = arith.constant 4 : i32
        %add3A_356 = arith.addi %mul3A_275, %add3A_355 : i32
        %add3A_357 = arith.constant 16 : i32
        %add3A_358 = arith.addi %select_n3A_210, %add3A_357 : i32
        %get3A_359 = arith.index_cast %select_n3A_196 : i32 to index
        %get3A_360 = arith.index_cast %add3A_356 : i32 to index
        %get3A_361 = arith.index_cast %add3A_358 : i32 to index
        %get3A_362 = tpu.vector_load %arg4[%get3A_359, %get3A_360, %get3A_361] {strides = array<i32>} : memref<2x64x128xf32, #tpu.memory_space<vmem>>, vector<16xf32>,
        %add3A_363 = arith.constant 5 : i32
        %add3A_364 = arith.addi %mul3A_275, %add3A_363 : i32
        %add3A_365 = arith.constant 16 : i32
        %add3A_366 = arith.addi %select_n3A_210, %add3A_365 : i32
        %get3A_367 = arith.index_cast %select_n3A_196 : i32 to index
        %get3A_368 = arith.index_cast %add3A_364 : i32 to index
        %get3A_369 = arith.index_cast %add3A_366 : i32 to index
        %get3A_370 = tpu.vector_load %arg4[%get3A_367, %get3A_368, %get3A_369] {strides = array<i32>} : memref<2x64x128xf32, #tpu.memory_space<vmem>>, vector<16xf32>,
        %add3A_371 = arith.constant 6 : i32
        %add3A_372 = arith.addi %mul3A_275, %add3A_371 : i32
        %add3A_373 = arith.constant 16 : i32
        %add3A_374 = arith.addi %select_n3A_210, %add3A_373 : i32
        %get3A_375 = arith.index_cast %select_n3A_196 : i32 to index
        %get3A_376 = arith.index_cast %add3A_372 : i32 to index
        %get3A_377 = arith.index_cast %add3A_374 : i32 to index
        %get3A_378 = tpu.vector_load %arg4[%get3A_375, %get3A_376, %get3A_377] {strides = array<i32>} : memref<2x64x128xf32, #tpu.memory_space<vmem>>, vector<16xf32>,
        %add3A_379 = arith.constant 7 : i32
        %add3A_380 = arith.addi %mul3A_275, %add3A_379 : i32
        %add3A_381 = arith.constant 16 : i32
        %add3A_382 = arith.addi %select_n3A_210, %add3A_381 : i32
        %get3A_383 = arith.index_cast %select_n3A_196 : i32 to index
        %get3A_384 = arith.index_cast %add3A_380 : i32 to index
        %get3A_385 = arith.index_cast %add3A_382 : i32 to index
        %get3A_386 = tpu.vector_load %arg4[%get3A_383, %get3A_384, %get3A_385] {strides = array<i32>} : memref<2x64x128xf32, #tpu.memory_space<vmem>>, vector<16xf32>,
        %broadcast_in_dim3A_387 = arith.constant 1 : i32
        %broadcast_in_dim3A_388 = vector.broadcast %broadcast_in_dim3A_387 : i32 to vector<16xi32>
        %mul3A_389 = vector.broadcast %mul3A_275 : i32 to vector<16xi32>
        %mul3A_390 = arith.muli %broadcast_in_dim3A_388, %mul3A_389 : vector<16xi32>
        %ge3A = arith.cmpf oge, %get3A_280, %get3A_286 : vector<16xf32>
        %select_n3A_391 = arith.select %ge3A, %get3A_280, %get3A_286 : vector<16xi1>, vector<16xf32>
        %select_n3A_392 = arith.select %ge3A, %get3A_286, %get3A_280 : vector<16xi1>, vector<16xf32>
        %select_n3A_393 = arith.select %ge3A, %broadcast_in_dim3A_43, %broadcast_in_dim3A_45 : vector<16xi1>, vector<16xi32>
        %select_n3A_394 = arith.select %ge3A, %broadcast_in_dim3A_45, %broadcast_in_dim3A_43 : vector<16xi1>, vector<16xi32>
        %ge3A_395 = arith.cmpf oge, %get3A_292, %get3A_298 : vector<16xf32>
        %select_n3A_396 = arith.select %ge3A_395, %get3A_292, %get3A_298 : vector<16xi1>, vector<16xf32>
        %select_n3A_397 = arith.select %ge3A_395, %get3A_298, %get3A_292 : vector<16xi1>, vector<16xf32>
        %select_n3A_398 = arith.select %ge3A_395, %broadcast_in_dim3A_47, %broadcast_in_dim3A_49 : vector<16xi1>, vector<16xi32>
        %select_n3A_399 = arith.select %ge3A_395, %broadcast_in_dim3A_49, %broadcast_in_dim3A_47 : vector<16xi1>, vector<16xi32>
        %ge3A_400 = arith.cmpf oge, %get3A_304, %get3A_310 : vector<16xf32>
        %select_n3A_401 = arith.select %ge3A_400, %get3A_304, %get3A_310 : vector<16xi1>, vector<16xf32>
        %select_n3A_402 = arith.select %ge3A_400, %get3A_310, %get3A_304 : vector<16xi1>, vector<16xf32>
        %select_n3A_403 = arith.select %ge3A_400, %broadcast_in_dim3A_51, %broadcast_in_dim3A_53 : vector<16xi1>, vector<16xi32>
        %select_n3A_404 = arith.select %ge3A_400, %broadcast_in_dim3A_53, %broadcast_in_dim3A_51 : vector<16xi1>, vector<16xi32>
        %ge3A_405 = arith.cmpf oge, %get3A_316, %get3A_322 : vector<16xf32>
        %select_n3A_406 = arith.select %ge3A_405, %get3A_316, %get3A_322 : vector<16xi1>, vector<16xf32>
        %select_n3A_407 = arith.select %ge3A_405, %get3A_322, %get3A_316 : vector<16xi1>, vector<16xf32>
        %select_n3A_408 = arith.select %ge3A_405, %broadcast_in_dim3A_55, %broadcast_in_dim3A_57 : vector<16xi1>, vector<16xi32>
        %select_n3A_409 = arith.select %ge3A_405, %broadcast_in_dim3A_57, %broadcast_in_dim3A_55 : vector<16xi1>, vector<16xi32>
        %ge3A_410 = arith.cmpf oge, %select_n3A_391, %select_n3A_396 : vector<16xf32>
        %select_n3A_411 = arith.select %ge3A_410, %select_n3A_391, %select_n3A_396 : vector<16xi1>, vector<16xf32>
        %select_n3A_412 = arith.select %ge3A_410, %select_n3A_393, %select_n3A_398 : vector<16xi1>, vector<16xi32>
        %select_n3A_413 = arith.select %ge3A_410, %select_n3A_396, %select_n3A_391 : vector<16xi1>, vector<16xf32>
        %select_n3A_414 = arith.select %ge3A_410, %select_n3A_398, %select_n3A_393 : vector<16xi1>, vector<16xi32>
        %ge3A_415 = arith.cmpf oge, %select_n3A_392, %select_n3A_397 : vector<16xf32>
        %select_n3A_416 = arith.select %ge3A_415, %select_n3A_392, %select_n3A_397 : vector<16xi1>, vector<16xf32>
        %select_n3A_417 = arith.select %ge3A_415, %select_n3A_394, %select_n3A_399 : vector<16xi1>, vector<16xi32>
        %ge3A_418 = arith.cmpf oge, %select_n3A_413, %select_n3A_416 : vector<16xf32>
        %select_n3A_419 = arith.select %ge3A_418, %select_n3A_413, %select_n3A_416 : vector<16xi1>, vector<16xf32>
        %select_n3A_420 = arith.select %ge3A_418, %select_n3A_414, %select_n3A_417 : vector<16xi1>, vector<16xi32>
        %ge3A_421 = arith.cmpf oge, %select_n3A_401, %select_n3A_406 : vector<16xf32>
        %select_n3A_422 = arith.select %ge3A_421, %select_n3A_401, %select_n3A_406 : vector<16xi1>, vector<16xf32>
        %select_n3A_423 = arith.select %ge3A_421, %select_n3A_403, %select_n3A_408 : vector<16xi1>, vector<16xi32>
        %select_n3A_424 = arith.select %ge3A_421, %select_n3A_406, %select_n3A_401 : vector<16xi1>, vector<16xf32>
        %select_n3A_425 = arith.select %ge3A_421, %select_n3A_408, %select_n3A_403 : vector<16xi1>, vector<16xi32>
        %ge3A_426 = arith.cmpf oge, %select_n3A_402, %select_n3A_407 : vector<16xf32>
        %select_n3A_427 = arith.select %ge3A_426, %select_n3A_402, %select_n3A_407 : vector<16xi1>, vector<16xf32>
        %select_n3A_428 = arith.select %ge3A_426, %select_n3A_404, %select_n3A_409 : vector<16xi1>, vector<16xi32>
        %ge3A_429 = arith.cmpf oge, %select_n3A_424, %select_n3A_427 : vector<16xf32>
        %select_n3A_430 = arith.select %ge3A_429, %select_n3A_424, %select_n3A_427 : vector<16xi1>, vector<16xf32>
        %select_n3A_431 = arith.select %ge3A_429, %select_n3A_425, %select_n3A_428 : vector<16xi1>, vector<16xi32>
        %ge3A_432 = arith.cmpf oge, %select_n3A_411, %select_n3A_422 : vector<16xf32>
        %select_n3A_433 = arith.select %ge3A_432, %select_n3A_411, %select_n3A_422 : vector<16xi1>, vector<16xf32>
        %select_n3A_434 = arith.select %ge3A_432, %select_n3A_412, %select_n3A_423 : vector<16xi1>, vector<16xi32>
        %select_n3A_435 = arith.select %ge3A_432, %select_n3A_422, %select_n3A_411 : vector<16xi1>, vector<16xf32>
        %select_n3A_436 = arith.select %ge3A_432, %select_n3A_423, %select_n3A_412 : vector<16xi1>, vector<16xi32>
        %ge3A_437 = arith.cmpf oge, %select_n3A_419, %select_n3A_430 : vector<16xf32>
        %select_n3A_438 = arith.select %ge3A_437, %select_n3A_419, %select_n3A_430 : vector<16xi1>, vector<16xf32>
        %select_n3A_439 = arith.select %ge3A_437, %select_n3A_420, %select_n3A_431 : vector<16xi1>, vector<16xi32>
        %ge3A_440 = arith.cmpf oge, %select_n3A_435, %select_n3A_438 : vector<16xf32>
        %select_n3A_441 = arith.select %ge3A_440, %select_n3A_435, %select_n3A_438 : vector<16xi1>, vector<16xf32>
        %select_n3A_442 = arith.select %ge3A_440, %select_n3A_436, %select_n3A_439 : vector<16xi1>, vector<16xi32>
        %ge3A_443 = arith.cmpf oge, %get3A_330, %get3A_338 : vector<16xf32>
        %select_n3A_444 = arith.select %ge3A_443, %get3A_330, %get3A_338 : vector<16xi1>, vector<16xf32>
        %select_n3A_445 = arith.select %ge3A_443, %get3A_338, %get3A_330 : vector<16xi1>, vector<16xf32>
        %select_n3A_446 = arith.select %ge3A_443, %broadcast_in_dim3A_43, %broadcast_in_dim3A_45 : vector<16xi1>, vector<16xi32>
        %select_n3A_447 = arith.select %ge3A_443, %broadcast_in_dim3A_45, %broadcast_in_dim3A_43 : vector<16xi1>, vector<16xi32>
        %ge3A_448 = arith.cmpf oge, %get3A_346, %get3A_354 : vector<16xf32>
        %select_n3A_449 = arith.select %ge3A_448, %get3A_346, %get3A_354 : vector<16xi1>, vector<16xf32>
        %select_n3A_450 = arith.select %ge3A_448, %get3A_354, %get3A_346 : vector<16xi1>, vector<16xf32>
        %select_n3A_451 = arith.select %ge3A_448, %broadcast_in_dim3A_47, %broadcast_in_dim3A_49 : vector<16xi1>, vector<16xi32>
        %select_n3A_452 = arith.select %ge3A_448, %broadcast_in_dim3A_49, %broadcast_in_dim3A_47 : vector<16xi1>, vector<16xi32>
        %ge3A_453 = arith.cmpf oge, %get3A_362, %get3A_370 : vector<16xf32>
        %select_n3A_454 = arith.select %ge3A_453, %get3A_362, %get3A_370 : vector<16xi1>, vector<16xf32>
        %select_n3A_455 = arith.select %ge3A_453, %get3A_370, %get3A_362 : vector<16xi1>, vector<16xf32>
        %select_n3A_456 = arith.select %ge3A_453, %broadcast_in_dim3A_51, %broadcast_in_dim3A_53 : vector<16xi1>, vector<16xi32>
        %select_n3A_457 = arith.select %ge3A_453, %broadcast_in_dim3A_53, %broadcast_in_dim3A_51 : vector<16xi1>, vector<16xi32>
        %ge3A_458 = arith.cmpf oge, %get3A_378, %get3A_386 : vector<16xf32>
        %select_n3A_459 = arith.select %ge3A_458, %get3A_378, %get3A_386 : vector<16xi1>, vector<16xf32>
        %select_n3A_460 = arith.select %ge3A_458, %get3A_386, %get3A_378 : vector<16xi1>, vector<16xf32>
        %select_n3A_461 = arith.select %ge3A_458, %broadcast_in_dim3A_55, %broadcast_in_dim3A_57 : vector<16xi1>, vector<16xi32>
        %select_n3A_462 = arith.select %ge3A_458, %broadcast_in_dim3A_57, %broadcast_in_dim3A_55 : vector<16xi1>, vector<16xi32>
        %ge3A_463 = arith.cmpf oge, %select_n3A_444, %select_n3A_449 : vector<16xf32>
        %select_n3A_464 = arith.select %ge3A_463, %select_n3A_444, %select_n3A_449 : vector<16xi1>, vector<16xf32>
        %select_n3A_465 = arith.select %ge3A_463, %select_n3A_446, %select_n3A_451 : vector<16xi1>, vector<16xi32>
        %select_n3A_466 = arith.select %ge3A_463, %select_n3A_449, %select_n3A_444 : vector<16xi1>, vector<16xf32>
        %select_n3A_467 = arith.select %ge3A_463, %select_n3A_451, %select_n3A_446 : vector<16xi1>, vector<16xi32>
        %ge3A_468 = arith.cmpf oge, %select_n3A_445, %select_n3A_450 : vector<16xf32>
        %select_n3A_469 = arith.select %ge3A_468, %select_n3A_445, %select_n3A_450 : vector<16xi1>, vector<16xf32>
        %select_n3A_470 = arith.select %ge3A_468, %select_n3A_447, %select_n3A_452 : vector<16xi1>, vector<16xi32>
        %ge3A_471 = arith.cmpf oge, %select_n3A_466, %select_n3A_469 : vector<16xf32>
        %select_n3A_472 = arith.select %ge3A_471, %select_n3A_466, %select_n3A_469 : vector<16xi1>, vector<16xf32>
        %select_n3A_473 = arith.select %ge3A_471, %select_n3A_467, %select_n3A_470 : vector<16xi1>, vector<16xi32>
        %ge3A_474 = arith.cmpf oge, %select_n3A_454, %select_n3A_459 : vector<16xf32>
        %select_n3A_475 = arith.select %ge3A_474, %select_n3A_454, %select_n3A_459 : vector<16xi1>, vector<16xf32>
        %select_n3A_476 = arith.select %ge3A_474, %select_n3A_456, %select_n3A_461 : vector<16xi1>, vector<16xi32>
        %select_n3A_477 = arith.select %ge3A_474, %select_n3A_459, %select_n3A_454 : vector<16xi1>, vector<16xf32>
        %select_n3A_478 = arith.select %ge3A_474, %select_n3A_461, %select_n3A_456 : vector<16xi1>, vector<16xi32>
        %ge3A_479 = arith.cmpf oge, %select_n3A_455, %select_n3A_460 : vector<16xf32>
        %select_n3A_480 = arith.select %ge3A_479, %select_n3A_455, %select_n3A_460 : vector<16xi1>, vector<16xf32>
        %select_n3A_481 = arith.select %ge3A_479, %select_n3A_457, %select_n3A_462 : vector<16xi1>, vector<16xi32>
        %ge3A_482 = arith.cmpf oge, %select_n3A_477, %select_n3A_480 : vector<16xf32>
        %select_n3A_483 = arith.select %ge3A_482, %select_n3A_477, %select_n3A_480 : vector<16xi1>, vector<16xf32>
        %select_n3A_484 = arith.select %ge3A_482, %select_n3A_478, %select_n3A_481 : vector<16xi1>, vector<16xi32>
        %ge3A_485 = arith.cmpf oge, %select_n3A_464, %select_n3A_475 : vector<16xf32>
        %select_n3A_486 = arith.select %ge3A_485, %select_n3A_464, %select_n3A_475 : vector<16xi1>, vector<16xf32>
        %select_n3A_487 = arith.select %ge3A_485, %select_n3A_465, %select_n3A_476 : vector<16xi1>, vector<16xi32>
        %select_n3A_488 = arith.select %ge3A_485, %select_n3A_475, %select_n3A_464 : vector<16xi1>, vector<16xf32>
        %select_n3A_489 = arith.select %ge3A_485, %select_n3A_476, %select_n3A_465 : vector<16xi1>, vector<16xi32>
        %ge3A_490 = arith.cmpf oge, %select_n3A_472, %select_n3A_483 : vector<16xf32>
        %select_n3A_491 = arith.select %ge3A_490, %select_n3A_472, %select_n3A_483 : vector<16xi1>, vector<16xf32>
        %select_n3A_492 = arith.select %ge3A_490, %select_n3A_473, %select_n3A_484 : vector<16xi1>, vector<16xi32>
        %ge3A_493 = arith.cmpf oge, %select_n3A_488, %select_n3A_491 : vector<16xf32>
        %select_n3A_494 = arith.select %ge3A_493, %select_n3A_488, %select_n3A_491 : vector<16xi1>, vector<16xf32>
        %select_n3A_495 = arith.select %ge3A_493, %select_n3A_489, %select_n3A_492 : vector<16xi1>, vector<16xi32>
        %add3A_496 = arith.addi %select_n3A_434, %mul3A_390 : vector<16xi32>
        %add3A_497 = arith.addi %select_n3A_442, %mul3A_390 : vector<16xi32>
        %ge3A_498 = arith.cmpf oge, %scan3A_266, %select_n3A_433 : vector<16xf32>
        %select_n3A_499 = arith.select %ge3A_498, %scan3A_266, %select_n3A_433 : vector<16xi1>, vector<16xf32>
        %select_n3A_500 = arith.select %ge3A_498, %scan3A_268, %add3A_496 : vector<16xi1>, vector<16xi32>
        %select_n3A_501 = arith.select %ge3A_498, %select_n3A_433, %scan3A_266 : vector<16xi1>, vector<16xf32>
        %select_n3A_502 = arith.select %ge3A_498, %add3A_496, %scan3A_268 : vector<16xi1>, vector<16xi32>
        %ge3A_503 = arith.cmpf oge, %scan3A_267, %select_n3A_441 : vector<16xf32>
        %select_n3A_504 = arith.select %ge3A_503, %scan3A_267, %select_n3A_441 : vector<16xi1>, vector<16xf32>
        %select_n3A_505 = arith.select %ge3A_503, %scan3A_269, %add3A_497 : vector<16xi1>, vector<16xi32>
        %ge3A_506 = arith.cmpf oge, %select_n3A_501, %select_n3A_504 : vector<16xf32>
        %select_n3A_507 = arith.select %ge3A_506, %select_n3A_501, %select_n3A_504 : vector<16xi1>, vector<16xf32>
        %select_n3A_508 = arith.select %ge3A_506, %select_n3A_502, %select_n3A_505 : vector<16xi1>, vector<16xi32>
        %add3A_509 = arith.addi %select_n3A_487, %mul3A_390 : vector<16xi32>
        %add3A_510 = arith.addi %select_n3A_495, %mul3A_390 : vector<16xi32>
        %ge3A_511 = arith.cmpf oge, %scan3A_270, %select_n3A_486 : vector<16xf32>
        %select_n3A_512 = arith.select %ge3A_511, %scan3A_270, %select_n3A_486 : vector<16xi1>, vector<16xf32>
        %select_n3A_513 = arith.select %ge3A_511, %scan3A_272, %add3A_509 : vector<16xi1>, vector<16xi32>
        %select_n3A_514 = arith.select %ge3A_511, %select_n3A_486, %scan3A_270 : vector<16xi1>, vector<16xf32>
        %select_n3A_515 = arith.select %ge3A_511, %add3A_509, %scan3A_272 : vector<16xi1>, vector<16xi32>
        %ge3A_516 = arith.cmpf oge, %scan3A_271, %select_n3A_494 : vector<16xf32>
        %select_n3A_517 = arith.select %ge3A_516, %scan3A_271, %select_n3A_494 : vector<16xi1>, vector<16xf32>
        %select_n3A_518 = arith.select %ge3A_516, %scan3A_273, %add3A_510 : vector<16xi1>, vector<16xi32>
        %ge3A_519 = arith.cmpf oge, %select_n3A_514, %select_n3A_517 : vector<16xf32>
        %select_n3A_520 = arith.select %ge3A_519, %select_n3A_514, %select_n3A_517 : vector<16xi1>, vector<16xf32>
        %select_n3A_521 = arith.select %ge3A_519, %select_n3A_515, %select_n3A_518 : vector<16xi1>, vector<16xi32>
        scf.yield %select_n3A_499, %select_n3A_507, %select_n3A_500, %select_n3A_508, %select_n3A_512, %select_n3A_520, %select_n3A_513, %select_n3A_521 : vector<16xf32>, vector<16xf32>, vector<16xi32>, vector<16xi32>, vector<16xf32>, vector<16xf32>, vector<16xi32>, vector<16xi32>
      }
      %scan3A_216 = arith.constant 8 : i32
      %mul3A_217 = arith.constant 64 : i32
      %mul3A_218 = arith.muli %mul3A_172, %mul3A_217 : i32
      %add3A_219 = vector.broadcast %mul3A_218 : i32 to vector<16xi32>
      %add3A_220 = arith.addi %add3A_219, %mul3A_36 : vector<16xi32>
      %add3A_221 = arith.constant 1024 : i32
      %add3A_222 = vector.broadcast %add3A_221 : i32 to vector<16xi32>
      %add3A_223 = arith.addi %add3A_220, %add3A_222 : vector<16xi32>
      %mul3A_224 = arith.constant 32 : i32
      %mul3A_225 = arith.muli %scan3A_169, %mul3A_224 : i32
      %add3A_226 = arith.constant 0 : i32
      %add3A_227 = arith.addi %add3A_226, %mul3A_225 : i32
      %sub3A_228 = arith.subf %scan3A_215#1, %scan3A_215#0 : vector<16xf32>
      %exp3A = math.exp %sub3A_228 : vector<16xf32>
      %add3A_229 = arith.constant 1.000000e+00 : f32
      %add3A_230 = vector.broadcast %add3A_229 : f32 to vector<16xf32>
      %add3A_231 = arith.addf %add3A_230, %exp3A : vector<16xf32>
      %div3A_232 = arith.constant 1.000000e+00 : f32
      %div3A_233 = vector.broadcast %div3A_232 : f32 to vector<16xf32>
      %div3A_234 = arith.divf %div3A_233, %add3A_231 : vector<16xf32>
      %mul3A_235 = arith.mulf %exp3A, %div3A_234 : vector<16xf32>
      %add3A_236 = arith.addi %add3A_220, %scan3A_215#2 : vector<16xi32>
      %add3A_237 = arith.addi %add3A_220, %scan3A_215#3 : vector<16xi32>
      tpu.vector_store_idx %arg6[%add3A_236], %div3A_234 : memref<16384xf32, #tpu.memory_space<vmem>>[vector<16xi32>], vector<16xf32>,
      tpu.vector_store_idx %arg6[%add3A_237], %mul3A_235 : memref<16384xf32, #tpu.memory_space<vmem>>[vector<16xi32>], vector<16xf32>,
      %add3A_238 = arith.constant 0 : i32
      %add3A_239 = arith.addi %add3A_227, %add3A_238 : i32
      %swap3A = arith.index_cast %add3A_239 : i32 to index
      %swap3A_240 = tpu.vector_load %arg8[%swap3A] {strides = array<i32>} : memref<512xi32, #tpu.memory_space<vmem>>, vector<16xi32>,
      tpu.vector_store %arg8[%swap3A], %add3A_236 {strides = array<i32>} : memref<512xi32, #tpu.memory_space<vmem>>, vector<16xi32>,
      %add3A_241 = arith.constant 0 : i32
      %add3A_242 = arith.addi %add3A_227, %add3A_241 : i32
      %swap3A_243 = arith.index_cast %add3A_242 : i32 to index
      %swap3A_244 = tpu.vector_load %arg9[%swap3A_243] {strides = array<i32>} : memref<512xi32, #tpu.memory_space<vmem>>, vector<16xi32>,
      tpu.vector_store %arg9[%swap3A_243], %add3A_237 {strides = array<i32>} : memref<512xi32, #tpu.memory_space<vmem>>, vector<16xi32>,
      %sub3A_245 = arith.subf %scan3A_215#5, %scan3A_215#4 : vector<16xf32>
      %exp3A_246 = math.exp %sub3A_245 : vector<16xf32>
      %add3A_247 = arith.constant 1.000000e+00 : f32
      %add3A_248 = vector.broadcast %add3A_247 : f32 to vector<16xf32>
      %add3A_249 = arith.addf %add3A_248, %exp3A_246 : vector<16xf32>
      %div3A_250 = arith.constant 1.000000e+00 : f32
      %div3A_251 = vector.broadcast %div3A_250 : f32 to vector<16xf32>
      %div3A_252 = arith.divf %div3A_251, %add3A_249 : vector<16xf32>
      %mul3A_253 = arith.mulf %exp3A_246, %div3A_252 : vector<16xf32>
      %add3A_254 = arith.addi %add3A_223, %scan3A_215#6 : vector<16xi32>
      %add3A_255 = arith.addi %add3A_223, %scan3A_215#7 : vector<16xi32>
      tpu.vector_store_idx %arg6[%add3A_254], %div3A_252 : memref<16384xf32, #tpu.memory_space<vmem>>[vector<16xi32>], vector<16xf32>,
      tpu.vector_store_idx %arg6[%add3A_255], %mul3A_253 : memref<16384xf32, #tpu.memory_space<vmem>>[vector<16xi32>], vector<16xf32>,
      %add3A_256 = arith.constant 16 : i32
      %add3A_257 = arith.addi %add3A_227, %add3A_256 : i32
      %swap3A_258 = arith.index_cast %add3A_257 : i32 to index
      %swap3A_259 = tpu.vector_load %arg8[%swap3A_258] {strides = array<i32>} : memref<512xi32, #tpu.memory_space<vmem>>, vector<16xi32>,
      tpu.vector_store %arg8[%swap3A_258], %add3A_254 {strides = array<i32>} : memref<512xi32, #tpu.memory_space<vmem>>, vector<16xi32>,
      %add3A_260 = arith.constant 16 : i32
      %add3A_261 = arith.addi %add3A_227, %add3A_260 : i32
      %swap3A_262 = arith.index_cast %add3A_261 : i32 to index
      %swap3A_263 = tpu.vector_load %arg9[%swap3A_262] {strides = array<i32>} : memref<512xi32, #tpu.memory_space<vmem>>, vector<16xi32>,
      tpu.vector_store %arg9[%swap3A_262], %add3A_255 {strides = array<i32>} : memref<512xi32, #tpu.memory_space<vmem>>, vector<16xi32>,
      %scan3A_264 = arith.constant 0 : i32
      scf.yield %scan3A_264 : i32
    }
    %scan3A_75 = arith.constant 8 : i32
    %add3A_76 = arith.constant 0 : i32
    %add3A_77 = arith.addi %mul3A_4, %add3A_76 : i32
    %dma_start3A_78 = tpu.memref_slice %arg3[%add3A_77] : memref<2097152xf32, #tpu.memory_space<hbm>> -> memref<16384xf32, #tpu.memory_space<hbm>>
    %dma_start3A_79 = tpu.memref_slice %arg3[%add3A_77] : memref<2097152xf32, #tpu.memory_space<hbm>> -> memref<16384xf32, #tpu.memory_space<hbm>>
    tpu.enqueue_dma source(%arg6 : memref<16384xf32, #tpu.memory_space<vmem>>) target(%dma_start3A_79 : memref<16384xf32, #tpu.memory_space<hbm>>) target_semaphore(%arg12 : memref<!tpu.dma_semaphore, #tpu.memory_space<semaphore_mem>>)
    %add3A_80 = arith.constant 4 : i32
    %add3A_81 = arith.addi %select_n3A, %add3A_80 : i32
    %dma_start3A_82 = arith.constant 0 : i32
    %dma_start3A_83 = arith.constant 0 : i32
    %dma_start3A_84 = tpu.memref_slice %arg2[%add3A_81, %dma_start3A_82, %dma_start3A_83] : memref<256x64x128xf32, #tpu.memory_space<hbm>> -> memref<2x64x128xf32, #tpu.memory_space<hbm>>
    %dma_start3A_85 = arith.constant 0 : i32
    %dma_start3A_86 = arith.constant 0 : i32
    %dma_start3A_87 = tpu.memref_slice %arg2[%add3A_81, %dma_start3A_85, %dma_start3A_86] : memref<256x64x128xf32, #tpu.memory_space<hbm>> -> memref<2x64x128xf32, #tpu.memory_space<hbm>>
    tpu.enqueue_dma source(%dma_start3A_87 : memref<2x64x128xf32, #tpu.memory_space<hbm>>) target(%arg4 : memref<2x64x128xf32, #tpu.memory_space<vmem>>) target_semaphore(%arg10 : memref<!tpu.dma_semaphore, #tpu.memory_space<semaphore_mem>>)
    %dma_wait3A_88 = arith.constant 0 : i32
    %dma_wait3A_89 = arith.constant 0 : i32
    %dma_wait3A_90 = tpu.memref_slice %arg2[%add3A_27, %dma_wait3A_88, %dma_wait3A_89] : memref<256x64x128xf32, #tpu.memory_space<hbm>> -> memref<2x64x128xf32, #tpu.memory_space<hbm>>
    %dma_wait3A_91 = arith.constant 0 : i32
    %dma_wait3A_92 = arith.constant 0 : i32
    %dma_wait3A_93 = tpu.memref_slice %arg2[%add3A_27, %dma_wait3A_91, %dma_wait3A_92] : memref<256x64x128xf32, #tpu.memory_space<hbm>> -> memref<2x64x128xf32, #tpu.memory_space<hbm>>
    tpu.wait_dma2 semaphore(%arg11 : memref<!tpu.dma_semaphore, #tpu.memory_space<semaphore_mem>>) src(%dma_wait3A_93 : memref<2x64x128xf32, #tpu.memory_space<hbm>>) dst(%arg5 : memref<2x64x128xf32, #tpu.memory_space<vmem>>)
    %scan3A_94 = arith.constant 0 : i32
    %scan3A_95 = arith.constant 0 : i32
    %scan3A_96 = arith.constant 8 : i32
    %scan3A_97 = arith.addi %scan3A_95, %scan3A_96 : i32
    %scan3A_98 = arith.constant 1 : i32
    %scan3A_99 = scf.for %scan3A_169 = %scan3A_95 to %scan3A_97 step %scan3A_98 iter_args(%scan3A_170 = %scan3A_94) -> (i32)  : i32 {
      %mul3A_171 = arith.constant 32 : i32
      %mul3A_172 = arith.muli %scan3A_169, %mul3A_171 : i32
      %jit3A_173 = arith.constant 128 : i32
      %div3A_174 = arith.divsi %mul3A_172, %jit3A_173 : i32
      %sign3A_175 = arith.constant 0 : i32
      %sign3A_176 = arith.cmpi sgt, %mul3A_172, %sign3A_175 : i32
      %sign3A_177 = arith.extui %sign3A_176 : i1 to i32
      %sign3A_178 = arith.constant 0 : i32
      %sign3A_179 = arith.cmpi slt, %mul3A_172, %sign3A_178 : i32
      %sign3A_180 = arith.extui %sign3A_179 : i1 to i32
      %sign3A_181 = arith.subi %sign3A_177, %sign3A_180 : i32
      %sign3A_182 = arith.constant 0 : i32
      %sign3A_183 = arith.cmpi sgt, %jit3A_173, %sign3A_182 : i32
      %sign3A_184 = arith.extui %sign3A_183 : i1 to i32
      %sign3A_185 = arith.constant 0 : i32
      %sign3A_186 = arith.cmpi slt, %jit3A_173, %sign3A_185 : i32
      %sign3A_187 = arith.extui %sign3A_186 : i1 to i32
      %sign3A_188 = arith.subi %sign3A_184, %sign3A_187 : i32
      %ne3A_189 = arith.cmpi ne, %sign3A_181, %sign3A_188 : i32
      %rem3A_190 = arith.remsi %mul3A_172, %jit3A_173 : i32
      %ne3A_191 = arith.constant 0 : i32
      %ne3A_192 = arith.cmpi ne, %rem3A_190, %ne3A_191 : i32
      %and3A_193 = arith.andi %ne3A_189, %ne3A_192 : i1
      %sub3A_194 = arith.constant 1 : i32
      %sub3A_195 = arith.subi %div3A_174, %sub3A_194 : i32
      %select_n3A_196 = arith.select %and3A_193, %sub3A_195, %div3A_174 : i32
      %jit3A_197 = arith.constant 128 : i32
      %eq3A = arith.constant 0 : i32
      %eq3A_198 = arith.cmpi eq, %jit3A_197, %eq3A : i32
      %jit3A_199 = arith.constant 1 : i32
      %select_n3A_200 = arith.select %eq3A_198, %jit3A_199, %jit3A_197 : i32
      %rem3A_201 = arith.remsi %mul3A_172, %select_n3A_200 : i32
      %ne3A_202 = arith.constant 0 : i32
      %ne3A_203 = arith.cmpi ne, %rem3A_201, %ne3A_202 : i32
      %lt3A = arith.constant 0 : i32
      %lt3A_204 = arith.cmpi slt, %rem3A_201, %lt3A : i32
      %lt3A_205 = arith.constant 0 : i32
      %lt3A_206 = arith.cmpi slt, %select_n3A_200, %lt3A_205 : i32
      %ne3A_207 = arith.xori %lt3A_204, %lt3A_206 : i1
      %and3A_208 = arith.andi %ne3A_207, %ne3A_203 : i1
      %add3A_209 = arith.addi %rem3A_201, %select_n3A_200 : i32
      %select_n3A_210 = arith.select %and3A_208, %add3A_209, %rem3A_201 : i32
      %scan3A_211 = arith.constant 0 : i32
      %scan3A_212 = arith.constant 8 : i32
      %scan3A_213 = arith.addi %scan3A_211, %scan3A_212 : i32
      %scan3A_214 = arith.constant 1 : i32
      %scan3A_215:8 = scf.for %scan3A_265 = %scan3A_211 to %scan3A_213 step %scan3A_214 iter_args(%scan3A_266 = %broadcast_in_dim3A_37, %scan3A_267 = %broadcast_in_dim3A_37, %scan3A_268 = %broadcast_in_dim3A_39, %scan3A_269 = %broadcast_in_dim3A_39, %scan3A_270 = %broadcast_in_dim3A_37, %scan3A_271 = %broadcast_in_dim3A_37, %scan3A_272 = %broadcast_in_dim3A_39, %scan3A_273 = %broadcast_in_dim3A_39) -> (vector<16xf32>, vector<16xf32>, vector<16xi32>, vector<16xi32>, vector<16xf32>, vector<16xf32>, vector<16xi32>, vector<16xi32>)  : i32 {
        %mul3A_274 = arith.constant 8 : i32
        %mul3A_275 = arith.muli %scan3A_265, %mul3A_274 : i32
        %add3A_276 = arith.constant 0 : i32
        %add3A_277 = arith.addi %mul3A_275, %add3A_276 : i32
        %get3A = arith.index_cast %select_n3A_196 : i32 to index
        %get3A_278 = arith.index_cast %add3A_277 : i32 to index
        %get3A_279 = arith.index_cast %select_n3A_210 : i32 to index
        %get3A_280 = tpu.vector_load %arg5[%get3A, %get3A_278, %get3A_279] {strides = array<i32>} : memref<2x64x128xf32, #tpu.memory_space<vmem>>, vector<16xf32>,
        %add3A_281 = arith.constant 1 : i32
        %add3A_282 = arith.addi %mul3A_275, %add3A_281 : i32
        %get3A_283 = arith.index_cast %select_n3A_196 : i32 to index
        %get3A_284 = arith.index_cast %add3A_282 : i32 to index
        %get3A_285 = arith.index_cast %select_n3A_210 : i32 to index
        %get3A_286 = tpu.vector_load %arg5[%get3A_283, %get3A_284, %get3A_285] {strides = array<i32>} : memref<2x64x128xf32, #tpu.memory_space<vmem>>, vector<16xf32>,
        %add3A_287 = arith.constant 2 : i32
        %add3A_288 = arith.addi %mul3A_275, %add3A_287 : i32
        %get3A_289 = arith.index_cast %select_n3A_196 : i32 to index
        %get3A_290 = arith.index_cast %add3A_288 : i32 to index
        %get3A_291 = arith.index_cast %select_n3A_210 : i32 to index
        %get3A_292 = tpu.vector_load %arg5[%get3A_289, %get3A_290, %get3A_291] {strides = array<i32>} : memref<2x64x128xf32, #tpu.memory_space<vmem>>, vector<16xf32>,
        %add3A_293 = arith.constant 3 : i32
        %add3A_294 = arith.addi %mul3A_275, %add3A_293 : i32
        %get3A_295 = arith.index_cast %select_n3A_196 : i32 to index
        %get3A_296 = arith.index_cast %add3A_294 : i32 to index
        %get3A_297 = arith.index_cast %select_n3A_210 : i32 to index
        %get3A_298 = tpu.vector_load %arg5[%get3A_295, %get3A_296, %get3A_297] {strides = array<i32>} : memref<2x64x128xf32, #tpu.memory_space<vmem>>, vector<16xf32>,
        %add3A_299 = arith.constant 4 : i32
        %add3A_300 = arith.addi %mul3A_275, %add3A_299 : i32
        %get3A_301 = arith.index_cast %select_n3A_196 : i32 to index
        %get3A_302 = arith.index_cast %add3A_300 : i32 to index
        %get3A_303 = arith.index_cast %select_n3A_210 : i32 to index
        %get3A_304 = tpu.vector_load %arg5[%get3A_301, %get3A_302, %get3A_303] {strides = array<i32>} : memref<2x64x128xf32, #tpu.memory_space<vmem>>, vector<16xf32>,
        %add3A_305 = arith.constant 5 : i32
        %add3A_306 = arith.addi %mul3A_275, %add3A_305 : i32
        %get3A_307 = arith.index_cast %select_n3A_196 : i32 to index
        %get3A_308 = arith.index_cast %add3A_306 : i32 to index
        %get3A_309 = arith.index_cast %select_n3A_210 : i32 to index
        %get3A_310 = tpu.vector_load %arg5[%get3A_307, %get3A_308, %get3A_309] {strides = array<i32>} : memref<2x64x128xf32, #tpu.memory_space<vmem>>, vector<16xf32>,
        %add3A_311 = arith.constant 6 : i32
        %add3A_312 = arith.addi %mul3A_275, %add3A_311 : i32
        %get3A_313 = arith.index_cast %select_n3A_196 : i32 to index
        %get3A_314 = arith.index_cast %add3A_312 : i32 to index
        %get3A_315 = arith.index_cast %select_n3A_210 : i32 to index
        %get3A_316 = tpu.vector_load %arg5[%get3A_313, %get3A_314, %get3A_315] {strides = array<i32>} : memref<2x64x128xf32, #tpu.memory_space<vmem>>, vector<16xf32>,
        %add3A_317 = arith.constant 7 : i32
        %add3A_318 = arith.addi %mul3A_275, %add3A_317 : i32
        %get3A_319 = arith.index_cast %select_n3A_196 : i32 to index
        %get3A_320 = arith.index_cast %add3A_318 : i32 to index
        %get3A_321 = arith.index_cast %select_n3A_210 : i32 to index
        %get3A_322 = tpu.vector_load %arg5[%get3A_319, %get3A_320, %get3A_321] {strides = array<i32>} : memref<2x64x128xf32, #tpu.memory_space<vmem>>, vector<16xf32>,
        %add3A_323 = arith.constant 0 : i32
        %add3A_324 = arith.addi %mul3A_275, %add3A_323 : i32
        %add3A_325 = arith.constant 16 : i32
        %add3A_326 = arith.addi %select_n3A_210, %add3A_325 : i32
        %get3A_327 = arith.index_cast %select_n3A_196 : i32 to index
        %get3A_328 = arith.index_cast %add3A_324 : i32 to index
        %get3A_329 = arith.index_cast %add3A_326 : i32 to index
        %get3A_330 = tpu.vector_load %arg5[%get3A_327, %get3A_328, %get3A_329] {strides = array<i32>} : memref<2x64x128xf32, #tpu.memory_space<vmem>>, vector<16xf32>,
        %add3A_331 = arith.constant 1 : i32
        %add3A_332 = arith.addi %mul3A_275, %add3A_331 : i32
        %add3A_333 = arith.constant 16 : i32
        %add3A_334 = arith.addi %select_n3A_210, %add3A_333 : i32
        %get3A_335 = arith.index_cast %select_n3A_196 : i32 to index
        %get3A_336 = arith.index_cast %add3A_332 : i32 to index
        %get3A_337 = arith.index_cast %add3A_334 : i32 to index
        %get3A_338 = tpu.vector_load %arg5[%get3A_335, %get3A_336, %get3A_337] {strides = array<i32>} : memref<2x64x128xf32, #tpu.memory_space<vmem>>, vector<16xf32>,
        %add3A_339 = arith.constant 2 : i32
        %add3A_340 = arith.addi %mul3A_275, %add3A_339 : i32
        %add3A_341 = arith.constant 16 : i32
        %add3A_342 = arith.addi %select_n3A_210, %add3A_341 : i32
        %get3A_343 = arith.index_cast %select_n3A_196 : i32 to index
        %get3A_344 = arith.index_cast %add3A_340 : i32 to index
        %get3A_345 = arith.index_cast %add3A_342 : i32 to index
        %get3A_346 = tpu.vector_load %arg5[%get3A_343, %get3A_344, %get3A_345] {strides = array<i32>} : memref<2x64x128xf32, #tpu.memory_space<vmem>>, vector<16xf32>,
        %add3A_347 = arith.constant 3 : i32
        %add3A_348 = arith.addi %mul3A_275, %add3A_347 : i32
        %add3A_349 = arith.constant 16 : i32
        %add3A_350 = arith.addi %select_n3A_210, %add3A_349 : i32
        %get3A_351 = arith.index_cast %select_n3A_196 : i32 to index
        %get3A_352 = arith.index_cast %add3A_348 : i32 to index
        %get3A_353 = arith.index_cast %add3A_350 : i32 to index
        %get3A_354 = tpu.vector_load %arg5[%get3A_351, %get3A_352, %get3A_353] {strides = array<i32>} : memref<2x64x128xf32, #tpu.memory_space<vmem>>, vector<16xf32>,
        %add3A_355 = arith.constant 4 : i32
        %add3A_356 = arith.addi %mul3A_275, %add3A_355 : i32
        %add3A_357 = arith.constant 16 : i32
        %add3A_358 = arith.addi %select_n3A_210, %add3A_357 : i32
        %get3A_359 = arith.index_cast %select_n3A_196 : i32 to index
        %get3A_360 = arith.index_cast %add3A_356 : i32 to index
        %get3A_361 = arith.index_cast %add3A_358 : i32 to index
        %get3A_362 = tpu.vector_load %arg5[%get3A_359, %get3A_360, %get3A_361] {strides = array<i32>} : memref<2x64x128xf32, #tpu.memory_space<vmem>>, vector<16xf32>,
        %add3A_363 = arith.constant 5 : i32
        %add3A_364 = arith.addi %mul3A_275, %add3A_363 : i32
        %add3A_365 = arith.constant 16 : i32
        %add3A_366 = arith.addi %select_n3A_210, %add3A_365 : i32
        %get3A_367 = arith.index_cast %select_n3A_196 : i32 to index
        %get3A_368 = arith.index_cast %add3A_364 : i32 to index
        %get3A_369 = arith.index_cast %add3A_366 : i32 to index
        %get3A_370 = tpu.vector_load %arg5[%get3A_367, %get3A_368, %get3A_369] {strides = array<i32>} : memref<2x64x128xf32, #tpu.memory_space<vmem>>, vector<16xf32>,
        %add3A_371 = arith.constant 6 : i32
        %add3A_372 = arith.addi %mul3A_275, %add3A_371 : i32
        %add3A_373 = arith.constant 16 : i32
        %add3A_374 = arith.addi %select_n3A_210, %add3A_373 : i32
        %get3A_375 = arith.index_cast %select_n3A_196 : i32 to index
        %get3A_376 = arith.index_cast %add3A_372 : i32 to index
        %get3A_377 = arith.index_cast %add3A_374 : i32 to index
        %get3A_378 = tpu.vector_load %arg5[%get3A_375, %get3A_376, %get3A_377] {strides = array<i32>} : memref<2x64x128xf32, #tpu.memory_space<vmem>>, vector<16xf32>,
        %add3A_379 = arith.constant 7 : i32
        %add3A_380 = arith.addi %mul3A_275, %add3A_379 : i32
        %add3A_381 = arith.constant 16 : i32
        %add3A_382 = arith.addi %select_n3A_210, %add3A_381 : i32
        %get3A_383 = arith.index_cast %select_n3A_196 : i32 to index
        %get3A_384 = arith.index_cast %add3A_380 : i32 to index
        %get3A_385 = arith.index_cast %add3A_382 : i32 to index
        %get3A_386 = tpu.vector_load %arg5[%get3A_383, %get3A_384, %get3A_385] {strides = array<i32>} : memref<2x64x128xf32, #tpu.memory_space<vmem>>, vector<16xf32>,
        %broadcast_in_dim3A_387 = arith.constant 1 : i32
        %broadcast_in_dim3A_388 = vector.broadcast %broadcast_in_dim3A_387 : i32 to vector<16xi32>
        %mul3A_389 = vector.broadcast %mul3A_275 : i32 to vector<16xi32>
        %mul3A_390 = arith.muli %broadcast_in_dim3A_388, %mul3A_389 : vector<16xi32>
        %ge3A = arith.cmpf oge, %get3A_280, %get3A_286 : vector<16xf32>
        %select_n3A_391 = arith.select %ge3A, %get3A_280, %get3A_286 : vector<16xi1>, vector<16xf32>
        %select_n3A_392 = arith.select %ge3A, %get3A_286, %get3A_280 : vector<16xi1>, vector<16xf32>
        %select_n3A_393 = arith.select %ge3A, %broadcast_in_dim3A_43, %broadcast_in_dim3A_45 : vector<16xi1>, vector<16xi32>
        %select_n3A_394 = arith.select %ge3A, %broadcast_in_dim3A_45, %broadcast_in_dim3A_43 : vector<16xi1>, vector<16xi32>
        %ge3A_395 = arith.cmpf oge, %get3A_292, %get3A_298 : vector<16xf32>
        %select_n3A_396 = arith.select %ge3A_395, %get3A_292, %get3A_298 : vector<16xi1>, vector<16xf32>
        %select_n3A_397 = arith.select %ge3A_395, %get3A_298, %get3A_292 : vector<16xi1>, vector<16xf32>
        %select_n3A_398 = arith.select %ge3A_395, %broadcast_in_dim3A_47, %broadcast_in_dim3A_49 : vector<16xi1>, vector<16xi32>
        %select_n3A_399 = arith.select %ge3A_395, %broadcast_in_dim3A_49, %broadcast_in_dim3A_47 : vector<16xi1>, vector<16xi32>
        %ge3A_400 = arith.cmpf oge, %get3A_304, %get3A_310 : vector<16xf32>
        %select_n3A_401 = arith.select %ge3A_400, %get3A_304, %get3A_310 : vector<16xi1>, vector<16xf32>
        %select_n3A_402 = arith.select %ge3A_400, %get3A_310, %get3A_304 : vector<16xi1>, vector<16xf32>
        %select_n3A_403 = arith.select %ge3A_400, %broadcast_in_dim3A_51, %broadcast_in_dim3A_53 : vector<16xi1>, vector<16xi32>
        %select_n3A_404 = arith.select %ge3A_400, %broadcast_in_dim3A_53, %broadcast_in_dim3A_51 : vector<16xi1>, vector<16xi32>
        %ge3A_405 = arith.cmpf oge, %get3A_316, %get3A_322 : vector<16xf32>
        %select_n3A_406 = arith.select %ge3A_405, %get3A_316, %get3A_322 : vector<16xi1>, vector<16xf32>
        %select_n3A_407 = arith.select %ge3A_405, %get3A_322, %get3A_316 : vector<16xi1>, vector<16xf32>
        %select_n3A_408 = arith.select %ge3A_405, %broadcast_in_dim3A_55, %broadcast_in_dim3A_57 : vector<16xi1>, vector<16xi32>
        %select_n3A_409 = arith.select %ge3A_405, %broadcast_in_dim3A_57, %broadcast_in_dim3A_55 : vector<16xi1>, vector<16xi32>
        %ge3A_410 = arith.cmpf oge, %select_n3A_391, %select_n3A_396 : vector<16xf32>
        %select_n3A_411 = arith.select %ge3A_410, %select_n3A_391, %select_n3A_396 : vector<16xi1>, vector<16xf32>
        %select_n3A_412 = arith.select %ge3A_410, %select_n3A_393, %select_n3A_398 : vector<16xi1>, vector<16xi32>
        %select_n3A_413 = arith.select %ge3A_410, %select_n3A_396, %select_n3A_391 : vector<16xi1>, vector<16xf32>
        %select_n3A_414 = arith.select %ge3A_410, %select_n3A_398, %select_n3A_393 : vector<16xi1>, vector<16xi32>
        %ge3A_415 = arith.cmpf oge, %select_n3A_392, %select_n3A_397 : vector<16xf32>
        %select_n3A_416 = arith.select %ge3A_415, %select_n3A_392, %select_n3A_397 : vector<16xi1>, vector<16xf32>
        %select_n3A_417 = arith.select %ge3A_415, %select_n3A_394, %select_n3A_399 : vector<16xi1>, vector<16xi32>
        %ge3A_418 = arith.cmpf oge, %select_n3A_413, %select_n3A_416 : vector<16xf32>
        %select_n3A_419 = arith.select %ge3A_418, %select_n3A_413, %select_n3A_416 : vector<16xi1>, vector<16xf32>
        %select_n3A_420 = arith.select %ge3A_418, %select_n3A_414, %select_n3A_417 : vector<16xi1>, vector<16xi32>
        %ge3A_421 = arith.cmpf oge, %select_n3A_401, %select_n3A_406 : vector<16xf32>
        %select_n3A_422 = arith.select %ge3A_421, %select_n3A_401, %select_n3A_406 : vector<16xi1>, vector<16xf32>
        %select_n3A_423 = arith.select %ge3A_421, %select_n3A_403, %select_n3A_408 : vector<16xi1>, vector<16xi32>
        %select_n3A_424 = arith.select %ge3A_421, %select_n3A_406, %select_n3A_401 : vector<16xi1>, vector<16xf32>
        %select_n3A_425 = arith.select %ge3A_421, %select_n3A_408, %select_n3A_403 : vector<16xi1>, vector<16xi32>
        %ge3A_426 = arith.cmpf oge, %select_n3A_402, %select_n3A_407 : vector<16xf32>
        %select_n3A_427 = arith.select %ge3A_426, %select_n3A_402, %select_n3A_407 : vector<16xi1>, vector<16xf32>
        %select_n3A_428 = arith.select %ge3A_426, %select_n3A_404, %select_n3A_409 : vector<16xi1>, vector<16xi32>
        %ge3A_429 = arith.cmpf oge, %select_n3A_424, %select_n3A_427 : vector<16xf32>
        %select_n3A_430 = arith.select %ge3A_429, %select_n3A_424, %select_n3A_427 : vector<16xi1>, vector<16xf32>
        %select_n3A_431 = arith.select %ge3A_429, %select_n3A_425, %select_n3A_428 : vector<16xi1>, vector<16xi32>
        %ge3A_432 = arith.cmpf oge, %select_n3A_411, %select_n3A_422 : vector<16xf32>
        %select_n3A_433 = arith.select %ge3A_432, %select_n3A_411, %select_n3A_422 : vector<16xi1>, vector<16xf32>
        %select_n3A_434 = arith.select %ge3A_432, %select_n3A_412, %select_n3A_423 : vector<16xi1>, vector<16xi32>
        %select_n3A_435 = arith.select %ge3A_432, %select_n3A_422, %select_n3A_411 : vector<16xi1>, vector<16xf32>
        %select_n3A_436 = arith.select %ge3A_432, %select_n3A_423, %select_n3A_412 : vector<16xi1>, vector<16xi32>
        %ge3A_437 = arith.cmpf oge, %select_n3A_419, %select_n3A_430 : vector<16xf32>
        %select_n3A_438 = arith.select %ge3A_437, %select_n3A_419, %select_n3A_430 : vector<16xi1>, vector<16xf32>
        %select_n3A_439 = arith.select %ge3A_437, %select_n3A_420, %select_n3A_431 : vector<16xi1>, vector<16xi32>
        %ge3A_440 = arith.cmpf oge, %select_n3A_435, %select_n3A_438 : vector<16xf32>
        %select_n3A_441 = arith.select %ge3A_440, %select_n3A_435, %select_n3A_438 : vector<16xi1>, vector<16xf32>
        %select_n3A_442 = arith.select %ge3A_440, %select_n3A_436, %select_n3A_439 : vector<16xi1>, vector<16xi32>
        %ge3A_443 = arith.cmpf oge, %get3A_330, %get3A_338 : vector<16xf32>
        %select_n3A_444 = arith.select %ge3A_443, %get3A_330, %get3A_338 : vector<16xi1>, vector<16xf32>
        %select_n3A_445 = arith.select %ge3A_443, %get3A_338, %get3A_330 : vector<16xi1>, vector<16xf32>
        %select_n3A_446 = arith.select %ge3A_443, %broadcast_in_dim3A_43, %broadcast_in_dim3A_45 : vector<16xi1>, vector<16xi32>
        %select_n3A_447 = arith.select %ge3A_443, %broadcast_in_dim3A_45, %broadcast_in_dim3A_43 : vector<16xi1>, vector<16xi32>
        %ge3A_448 = arith.cmpf oge, %get3A_346, %get3A_354 : vector<16xf32>
        %select_n3A_449 = arith.select %ge3A_448, %get3A_346, %get3A_354 : vector<16xi1>, vector<16xf32>
        %select_n3A_450 = arith.select %ge3A_448, %get3A_354, %get3A_346 : vector<16xi1>, vector<16xf32>
        %select_n3A_451 = arith.select %ge3A_448, %broadcast_in_dim3A_47, %broadcast_in_dim3A_49 : vector<16xi1>, vector<16xi32>
        %select_n3A_452 = arith.select %ge3A_448, %broadcast_in_dim3A_49, %broadcast_in_dim3A_47 : vector<16xi1>, vector<16xi32>
        %ge3A_453 = arith.cmpf oge, %get3A_362, %get3A_370 : vector<16xf32>
        %select_n3A_454 = arith.select %ge3A_453, %get3A_362, %get3A_370 : vector<16xi1>, vector<16xf32>
        %select_n3A_455 = arith.select %ge3A_453, %get3A_370, %get3A_362 : vector<16xi1>, vector<16xf32>
        %select_n3A_456 = arith.select %ge3A_453, %broadcast_in_dim3A_51, %broadcast_in_dim3A_53 : vector<16xi1>, vector<16xi32>
        %select_n3A_457 = arith.select %ge3A_453, %broadcast_in_dim3A_53, %broadcast_in_dim3A_51 : vector<16xi1>, vector<16xi32>
        %ge3A_458 = arith.cmpf oge, %get3A_378, %get3A_386 : vector<16xf32>
        %select_n3A_459 = arith.select %ge3A_458, %get3A_378, %get3A_386 : vector<16xi1>, vector<16xf32>
        %select_n3A_460 = arith.select %ge3A_458, %get3A_386, %get3A_378 : vector<16xi1>, vector<16xf32>
        %select_n3A_461 = arith.select %ge3A_458, %broadcast_in_dim3A_55, %broadcast_in_dim3A_57 : vector<16xi1>, vector<16xi32>
        %select_n3A_462 = arith.select %ge3A_458, %broadcast_in_dim3A_57, %broadcast_in_dim3A_55 : vector<16xi1>, vector<16xi32>
        %ge3A_463 = arith.cmpf oge, %select_n3A_444, %select_n3A_449 : vector<16xf32>
        %select_n3A_464 = arith.select %ge3A_463, %select_n3A_444, %select_n3A_449 : vector<16xi1>, vector<16xf32>
        %select_n3A_465 = arith.select %ge3A_463, %select_n3A_446, %select_n3A_451 : vector<16xi1>, vector<16xi32>
        %select_n3A_466 = arith.select %ge3A_463, %select_n3A_449, %select_n3A_444 : vector<16xi1>, vector<16xf32>
        %select_n3A_467 = arith.select %ge3A_463, %select_n3A_451, %select_n3A_446 : vector<16xi1>, vector<16xi32>
        %ge3A_468 = arith.cmpf oge, %select_n3A_445, %select_n3A_450 : vector<16xf32>
        %select_n3A_469 = arith.select %ge3A_468, %select_n3A_445, %select_n3A_450 : vector<16xi1>, vector<16xf32>
        %select_n3A_470 = arith.select %ge3A_468, %select_n3A_447, %select_n3A_452 : vector<16xi1>, vector<16xi32>
        %ge3A_471 = arith.cmpf oge, %select_n3A_466, %select_n3A_469 : vector<16xf32>
        %select_n3A_472 = arith.select %ge3A_471, %select_n3A_466, %select_n3A_469 : vector<16xi1>, vector<16xf32>
        %select_n3A_473 = arith.select %ge3A_471, %select_n3A_467, %select_n3A_470 : vector<16xi1>, vector<16xi32>
        %ge3A_474 = arith.cmpf oge, %select_n3A_454, %select_n3A_459 : vector<16xf32>
        %select_n3A_475 = arith.select %ge3A_474, %select_n3A_454, %select_n3A_459 : vector<16xi1>, vector<16xf32>
        %select_n3A_476 = arith.select %ge3A_474, %select_n3A_456, %select_n3A_461 : vector<16xi1>, vector<16xi32>
        %select_n3A_477 = arith.select %ge3A_474, %select_n3A_459, %select_n3A_454 : vector<16xi1>, vector<16xf32>
        %select_n3A_478 = arith.select %ge3A_474, %select_n3A_461, %select_n3A_456 : vector<16xi1>, vector<16xi32>
        %ge3A_479 = arith.cmpf oge, %select_n3A_455, %select_n3A_460 : vector<16xf32>
        %select_n3A_480 = arith.select %ge3A_479, %select_n3A_455, %select_n3A_460 : vector<16xi1>, vector<16xf32>
        %select_n3A_481 = arith.select %ge3A_479, %select_n3A_457, %select_n3A_462 : vector<16xi1>, vector<16xi32>
        %ge3A_482 = arith.cmpf oge, %select_n3A_477, %select_n3A_480 : vector<16xf32>
        %select_n3A_483 = arith.select %ge3A_482, %select_n3A_477, %select_n3A_480 : vector<16xi1>, vector<16xf32>
        %select_n3A_484 = arith.select %ge3A_482, %select_n3A_478, %select_n3A_481 : vector<16xi1>, vector<16xi32>
        %ge3A_485 = arith.cmpf oge, %select_n3A_464, %select_n3A_475 : vector<16xf32>
        %select_n3A_486 = arith.select %ge3A_485, %select_n3A_464, %select_n3A_475 : vector<16xi1>, vector<16xf32>
        %select_n3A_487 = arith.select %ge3A_485, %select_n3A_465, %select_n3A_476 : vector<16xi1>, vector<16xi32>
        %select_n3A_488 = arith.select %ge3A_485, %select_n3A_475, %select_n3A_464 : vector<16xi1>, vector<16xf32>
        %select_n3A_489 = arith.select %ge3A_485, %select_n3A_476, %select_n3A_465 : vector<16xi1>, vector<16xi32>
        %ge3A_490 = arith.cmpf oge, %select_n3A_472, %select_n3A_483 : vector<16xf32>
        %select_n3A_491 = arith.select %ge3A_490, %select_n3A_472, %select_n3A_483 : vector<16xi1>, vector<16xf32>
        %select_n3A_492 = arith.select %ge3A_490, %select_n3A_473, %select_n3A_484 : vector<16xi1>, vector<16xi32>
        %ge3A_493 = arith.cmpf oge, %select_n3A_488, %select_n3A_491 : vector<16xf32>
        %select_n3A_494 = arith.select %ge3A_493, %select_n3A_488, %select_n3A_491 : vector<16xi1>, vector<16xf32>
        %select_n3A_495 = arith.select %ge3A_493, %select_n3A_489, %select_n3A_492 : vector<16xi1>, vector<16xi32>
        %add3A_496 = arith.addi %select_n3A_434, %mul3A_390 : vector<16xi32>
        %add3A_497 = arith.addi %select_n3A_442, %mul3A_390 : vector<16xi32>
        %ge3A_498 = arith.cmpf oge, %scan3A_266, %select_n3A_433 : vector<16xf32>
        %select_n3A_499 = arith.select %ge3A_498, %scan3A_266, %select_n3A_433 : vector<16xi1>, vector<16xf32>
        %select_n3A_500 = arith.select %ge3A_498, %scan3A_268, %add3A_496 : vector<16xi1>, vector<16xi32>
        %select_n3A_501 = arith.select %ge3A_498, %select_n3A_433, %scan3A_266 : vector<16xi1>, vector<16xf32>
        %select_n3A_502 = arith.select %ge3A_498, %add3A_496, %scan3A_268 : vector<16xi1>, vector<16xi32>
        %ge3A_503 = arith.cmpf oge, %scan3A_267, %select_n3A_441 : vector<16xf32>
        %select_n3A_504 = arith.select %ge3A_503, %scan3A_267, %select_n3A_441 : vector<16xi1>, vector<16xf32>
        %select_n3A_505 = arith.select %ge3A_503, %scan3A_269, %add3A_497 : vector<16xi1>, vector<16xi32>
        %ge3A_506 = arith.cmpf oge, %select_n3A_501, %select_n3A_504 : vector<16xf32>
        %select_n3A_507 = arith.select %ge3A_506, %select_n3A_501, %select_n3A_504 : vector<16xi1>, vector<16xf32>
        %select_n3A_508 = arith.select %ge3A_506, %select_n3A_502, %select_n3A_505 : vector<16xi1>, vector<16xi32>
        %add3A_509 = arith.addi %select_n3A_487, %mul3A_390 : vector<16xi32>
        %add3A_510 = arith.addi %select_n3A_495, %mul3A_390 : vector<16xi32>
        %ge3A_511 = arith.cmpf oge, %scan3A_270, %select_n3A_486 : vector<16xf32>
        %select_n3A_512 = arith.select %ge3A_511, %scan3A_270, %select_n3A_486 : vector<16xi1>, vector<16xf32>
        %select_n3A_513 = arith.select %ge3A_511, %scan3A_272, %add3A_509 : vector<16xi1>, vector<16xi32>
        %select_n3A_514 = arith.select %ge3A_511, %select_n3A_486, %scan3A_270 : vector<16xi1>, vector<16xf32>
        %select_n3A_515 = arith.select %ge3A_511, %add3A_509, %scan3A_272 : vector<16xi1>, vector<16xi32>
        %ge3A_516 = arith.cmpf oge, %scan3A_271, %select_n3A_494 : vector<16xf32>
        %select_n3A_517 = arith.select %ge3A_516, %scan3A_271, %select_n3A_494 : vector<16xi1>, vector<16xf32>
        %select_n3A_518 = arith.select %ge3A_516, %scan3A_273, %add3A_510 : vector<16xi1>, vector<16xi32>
        %ge3A_519 = arith.cmpf oge, %select_n3A_514, %select_n3A_517 : vector<16xf32>
        %select_n3A_520 = arith.select %ge3A_519, %select_n3A_514, %select_n3A_517 : vector<16xi1>, vector<16xf32>
        %select_n3A_521 = arith.select %ge3A_519, %select_n3A_515, %select_n3A_518 : vector<16xi1>, vector<16xi32>
        scf.yield %select_n3A_499, %select_n3A_507, %select_n3A_500, %select_n3A_508, %select_n3A_512, %select_n3A_520, %select_n3A_513, %select_n3A_521 : vector<16xf32>, vector<16xf32>, vector<16xi32>, vector<16xi32>, vector<16xf32>, vector<16xf32>, vector<16xi32>, vector<16xi32>
      }
      %scan3A_216 = arith.constant 8 : i32
      %mul3A_217 = arith.constant 64 : i32
      %mul3A_218 = arith.muli %mul3A_172, %mul3A_217 : i32
      %add3A_219 = vector.broadcast %mul3A_218 : i32 to vector<16xi32>
      %add3A_220 = arith.addi %add3A_219, %mul3A_36 : vector<16xi32>
      %add3A_221 = arith.constant 1024 : i32
      %add3A_222 = vector.broadcast %add3A_221 : i32 to vector<16xi32>
      %add3A_223 = arith.addi %add3A_220, %add3A_222 : vector<16xi32>
      %mul3A_224 = arith.constant 32 : i32
      %mul3A_225 = arith.muli %scan3A_169, %mul3A_224 : i32
      %add3A_226 = arith.constant 256 : i32
      %add3A_227 = arith.addi %add3A_226, %mul3A_225 : i32
      %sub3A_228 = arith.subf %scan3A_215#1, %scan3A_215#0 : vector<16xf32>
      %exp3A = math.exp %sub3A_228 : vector<16xf32>
      %add3A_229 = arith.constant 1.000000e+00 : f32
      %add3A_230 = vector.broadcast %add3A_229 : f32 to vector<16xf32>
      %add3A_231 = arith.addf %add3A_230, %exp3A : vector<16xf32>
      %div3A_232 = arith.constant 1.000000e+00 : f32
      %div3A_233 = vector.broadcast %div3A_232 : f32 to vector<16xf32>
      %div3A_234 = arith.divf %div3A_233, %add3A_231 : vector<16xf32>
      %mul3A_235 = arith.mulf %exp3A, %div3A_234 : vector<16xf32>
      %add3A_236 = arith.addi %add3A_220, %scan3A_215#2 : vector<16xi32>
      %add3A_237 = arith.addi %add3A_220, %scan3A_215#3 : vector<16xi32>
      tpu.vector_store_idx %arg7[%add3A_236], %div3A_234 : memref<16384xf32, #tpu.memory_space<vmem>>[vector<16xi32>], vector<16xf32>,
      tpu.vector_store_idx %arg7[%add3A_237], %mul3A_235 : memref<16384xf32, #tpu.memory_space<vmem>>[vector<16xi32>], vector<16xf32>,
      %add3A_238 = arith.constant 0 : i32
      %add3A_239 = arith.addi %add3A_227, %add3A_238 : i32
      %swap3A = arith.index_cast %add3A_239 : i32 to index
      %swap3A_240 = tpu.vector_load %arg8[%swap3A] {strides = array<i32>} : memref<512xi32, #tpu.memory_space<vmem>>, vector<16xi32>,
      tpu.vector_store %arg8[%swap3A], %add3A_236 {strides = array<i32>} : memref<512xi32, #tpu.memory_space<vmem>>, vector<16xi32>,
      %add3A_241 = arith.constant 0 : i32
      %add3A_242 = arith.addi %add3A_227, %add3A_241 : i32
      %swap3A_243 = arith.index_cast %add3A_242 : i32 to index
      %swap3A_244 = tpu.vector_load %arg9[%swap3A_243] {strides = array<i32>} : memref<512xi32, #tpu.memory_space<vmem>>, vector<16xi32>,
      tpu.vector_store %arg9[%swap3A_243], %add3A_237 {strides = array<i32>} : memref<512xi32, #tpu.memory_space<vmem>>, vector<16xi32>,
      %sub3A_245 = arith.subf %scan3A_215#5, %scan3A_215#4 : vector<16xf32>
      %exp3A_246 = math.exp %sub3A_245 : vector<16xf32>
      %add3A_247 = arith.constant 1.000000e+00 : f32
      %add3A_248 = vector.broadcast %add3A_247 : f32 to vector<16xf32>
      %add3A_249 = arith.addf %add3A_248, %exp3A_246 : vector<16xf32>
      %div3A_250 = arith.constant 1.000000e+00 : f32
      %div3A_251 = vector.broadcast %div3A_250 : f32 to vector<16xf32>
      %div3A_252 = arith.divf %div3A_251, %add3A_249 : vector<16xf32>
      %mul3A_253 = arith.mulf %exp3A_246, %div3A_252 : vector<16xf32>
      %add3A_254 = arith.addi %add3A_223, %scan3A_215#6 : vector<16xi32>
      %add3A_255 = arith.addi %add3A_223, %scan3A_215#7 : vector<16xi32>
      tpu.vector_store_idx %arg7[%add3A_254], %div3A_252 : memref<16384xf32, #tpu.memory_space<vmem>>[vector<16xi32>], vector<16xf32>,
      tpu.vector_store_idx %arg7[%add3A_255], %mul3A_253 : memref<16384xf32, #tpu.memory_space<vmem>>[vector<16xi32>], vector<16xf32>,
      %add3A_256 = arith.constant 16 : i32
      %add3A_257 = arith.addi %add3A_227, %add3A_256 : i32
      %swap3A_258 = arith.index_cast %add3A_257 : i32 to index
      %swap3A_259 = tpu.vector_load %arg8[%swap3A_258] {strides = array<i32>} : memref<512xi32, #tpu.memory_space<vmem>>, vector<16xi32>,
      tpu.vector_store %arg8[%swap3A_258], %add3A_254 {strides = array<i32>} : memref<512xi32, #tpu.memory_space<vmem>>, vector<16xi32>,
      %add3A_260 = arith.constant 16 : i32
      %add3A_261 = arith.addi %add3A_227, %add3A_260 : i32
      %swap3A_262 = arith.index_cast %add3A_261 : i32 to index
      %swap3A_263 = tpu.vector_load %arg9[%swap3A_262] {strides = array<i32>} : memref<512xi32, #tpu.memory_space<vmem>>, vector<16xi32>,
      tpu.vector_store %arg9[%swap3A_262], %add3A_255 {strides = array<i32>} : memref<512xi32, #tpu.memory_space<vmem>>, vector<16xi32>,
      %scan3A_264 = arith.constant 0 : i32
      scf.yield %scan3A_264 : i32
    }
    %scan3A_100 = arith.constant 8 : i32
    %add3A_101 = arith.constant 16384 : i32
    %add3A_102 = arith.addi %mul3A_4, %add3A_101 : i32
    %dma_start3A_103 = tpu.memref_slice %arg3[%add3A_102] : memref<2097152xf32, #tpu.memory_space<hbm>> -> memref<16384xf32, #tpu.memory_space<hbm>>
    %dma_start3A_104 = tpu.memref_slice %arg3[%add3A_102] : memref<2097152xf32, #tpu.memory_space<hbm>> -> memref<16384xf32, #tpu.memory_space<hbm>>
    tpu.enqueue_dma source(%arg7 : memref<16384xf32, #tpu.memory_space<vmem>>) target(%dma_start3A_104 : memref<16384xf32, #tpu.memory_space<hbm>>) target_semaphore(%arg13 : memref<!tpu.dma_semaphore, #tpu.memory_space<semaphore_mem>>)
    %add3A_105 = arith.constant 6 : i32
    %add3A_106 = arith.addi %select_n3A, %add3A_105 : i32
    %dma_start3A_107 = arith.constant 0 : i32
    %dma_start3A_108 = arith.constant 0 : i32
    %dma_start3A_109 = tpu.memref_slice %arg2[%add3A_106, %dma_start3A_107, %dma_start3A_108] : memref<256x64x128xf32, #tpu.memory_space<hbm>> -> memref<2x64x128xf32, #tpu.memory_space<hbm>>
    %dma_start3A_110 = arith.constant 0 : i32
    %dma_start3A_111 = arith.constant 0 : i32
    %dma_start3A_112 = tpu.memref_slice %arg2[%add3A_106, %dma_start3A_110, %dma_start3A_111] : memref<256x64x128xf32, #tpu.memory_space<hbm>> -> memref<2x64x128xf32, #tpu.memory_space<hbm>>
    tpu.enqueue_dma source(%dma_start3A_112 : memref<2x64x128xf32, #tpu.memory_space<hbm>>) target(%arg5 : memref<2x64x128xf32, #tpu.memory_space<vmem>>) target_semaphore(%arg11 : memref<!tpu.dma_semaphore, #tpu.memory_space<semaphore_mem>>)
    %dma_wait3A_113 = arith.constant 0 : i32
    %dma_wait3A_114 = arith.constant 0 : i32
    %dma_wait3A_115 = tpu.memref_slice %arg2[%add3A_81, %dma_wait3A_113, %dma_wait3A_114] : memref<256x64x128xf32, #tpu.memory_space<hbm>> -> memref<2x64x128xf32, #tpu.memory_space<hbm>>
    %dma_wait3A_116 = arith.constant 0 : i32
    %dma_wait3A_117 = arith.constant 0 : i32
    %dma_wait3A_118 = tpu.memref_slice %arg2[%add3A_81, %dma_wait3A_116, %dma_wait3A_117] : memref<256x64x128xf32, #tpu.memory_space<hbm>> -> memref<2x64x128xf32, #tpu.memory_space<hbm>>
    tpu.wait_dma2 semaphore(%arg10 : memref<!tpu.dma_semaphore, #tpu.memory_space<semaphore_mem>>) src(%dma_wait3A_118 : memref<2x64x128xf32, #tpu.memory_space<hbm>>) dst(%arg4 : memref<2x64x128xf32, #tpu.memory_space<vmem>>)
    %dma_wait3A_119 = tpu.memref_slice %arg3[%add3A_77] : memref<2097152xf32, #tpu.memory_space<hbm>> -> memref<16384xf32, #tpu.memory_space<hbm>>
    %dma_wait3A_120 = tpu.memref_slice %arg3[%add3A_77] : memref<2097152xf32, #tpu.memory_space<hbm>> -> memref<16384xf32, #tpu.memory_space<hbm>>
    tpu.wait_dma2 semaphore(%arg12 : memref<!tpu.dma_semaphore, #tpu.memory_space<semaphore_mem>>) src(%arg6 : memref<16384xf32, #tpu.memory_space<vmem>>) dst(%dma_wait3A_120 : memref<16384xf32, #tpu.memory_space<hbm>>)
    %scan3A_121 = arith.constant 0 : i32
    %scan3A_122 = arith.constant 0 : i32
    %scan3A_123 = arith.constant 8 : i32
    %scan3A_124 = arith.addi %scan3A_122, %scan3A_123 : i32
    %scan3A_125 = arith.constant 1 : i32
    %scan3A_126 = scf.for %scan3A_169 = %scan3A_122 to %scan3A_124 step %scan3A_125 iter_args(%scan3A_170 = %scan3A_121) -> (i32)  : i32 {
      %mul3A_171 = arith.constant 32 : i32
      %mul3A_172 = arith.muli %scan3A_169, %mul3A_171 : i32
      %add3A_173 = arith.constant 0 : i32
      %add3A_174 = arith.addi %add3A_173, %mul3A_172 : i32
      %add3A_175 = arith.constant 0 : i32
      %add3A_176 = arith.addi %add3A_174, %add3A_175 : i32
      %get3A = arith.index_cast %add3A_176 : i32 to index
      %get3A_177 = tpu.vector_load %arg8[%get3A] {strides = array<i32>} : memref<512xi32, #tpu.memory_space<vmem>>, vector<16xi32>,
      %add3A_178 = arith.constant 0 : i32
      %add3A_179 = arith.addi %add3A_174, %add3A_178 : i32
      %get3A_180 = arith.index_cast %add3A_179 : i32 to index
      %get3A_181 = tpu.vector_load %arg9[%get3A_180] {strides = array<i32>} : memref<512xi32, #tpu.memory_space<vmem>>, vector<16xi32>,
      tpu.vector_store_idx %arg6[%get3A_177], %broadcast_in_dim3A_41 : memref<16384xf32, #tpu.memory_space<vmem>>[vector<16xi32>], vector<16xf32>,
      tpu.vector_store_idx %arg6[%get3A_181], %broadcast_in_dim3A_41 : memref<16384xf32, #tpu.memory_space<vmem>>[vector<16xi32>], vector<16xf32>,
      %add3A_182 = arith.constant 16 : i32
      %add3A_183 = arith.addi %add3A_174, %add3A_182 : i32
      %get3A_184 = arith.index_cast %add3A_183 : i32 to index
      %get3A_185 = tpu.vector_load %arg8[%get3A_184] {strides = array<i32>} : memref<512xi32, #tpu.memory_space<vmem>>, vector<16xi32>,
      %add3A_186 = arith.constant 16 : i32
      %add3A_187 = arith.addi %add3A_174, %add3A_186 : i32
      %get3A_188 = arith.index_cast %add3A_187 : i32 to index
      %get3A_189 = tpu.vector_load %arg9[%get3A_188] {strides = array<i32>} : memref<512xi32, #tpu.memory_space<vmem>>, vector<16xi32>,
      tpu.vector_store_idx %arg6[%get3A_185], %broadcast_in_dim3A_41 : memref<16384xf32, #tpu.memory_space<vmem>>[vector<16xi32>], vector<16xf32>,
      tpu.vector_store_idx %arg6[%get3A_189], %broadcast_in_dim3A_41 : memref<16384xf32, #tpu.memory_space<vmem>>[vector<16xi32>], vector<16xf32>,
      %scan3A_190 = arith.constant 0 : i32
      scf.yield %scan3A_190 : i32
    }
    %scan3A_127 = arith.constant 8 : i32
    %scan3A_128 = arith.constant 0 : i32
    %scan3A_129 = arith.constant 0 : i32
    %scan3A_130 = arith.constant 8 : i32
    %scan3A_131 = arith.addi %scan3A_129, %scan3A_130 : i32
    %scan3A_132 = arith.constant 1 : i32
    %scan3A_133 = scf.for %scan3A_169 = %scan3A_129 to %scan3A_131 step %scan3A_132 iter_args(%scan3A_170 = %scan3A_128) -> (i32)  : i32 {
      %mul3A_171 = arith.constant 32 : i32
      %mul3A_172 = arith.muli %scan3A_169, %mul3A_171 : i32
      %jit3A_173 = arith.constant 128 : i32
      %div3A_174 = arith.divsi %mul3A_172, %jit3A_173 : i32
      %sign3A_175 = arith.constant 0 : i32
      %sign3A_176 = arith.cmpi sgt, %mul3A_172, %sign3A_175 : i32
      %sign3A_177 = arith.extui %sign3A_176 : i1 to i32
      %sign3A_178 = arith.constant 0 : i32
      %sign3A_179 = arith.cmpi slt, %mul3A_172, %sign3A_178 : i32
      %sign3A_180 = arith.extui %sign3A_179 : i1 to i32
      %sign3A_181 = arith.subi %sign3A_177, %sign3A_180 : i32
      %sign3A_182 = arith.constant 0 : i32
      %sign3A_183 = arith.cmpi sgt, %jit3A_173, %sign3A_182 : i32
      %sign3A_184 = arith.extui %sign3A_183 : i1 to i32
      %sign3A_185 = arith.constant 0 : i32
      %sign3A_186 = arith.cmpi slt, %jit3A_173, %sign3A_185 : i32
      %sign3A_187 = arith.extui %sign3A_186 : i1 to i32
      %sign3A_188 = arith.subi %sign3A_184, %sign3A_187 : i32
      %ne3A_189 = arith.cmpi ne, %sign3A_181, %sign3A_188 : i32
      %rem3A_190 = arith.remsi %mul3A_172, %jit3A_173 : i32
      %ne3A_191 = arith.constant 0 : i32
      %ne3A_192 = arith.cmpi ne, %rem3A_190, %ne3A_191 : i32
      %and3A_193 = arith.andi %ne3A_189, %ne3A_192 : i1
      %sub3A_194 = arith.constant 1 : i32
      %sub3A_195 = arith.subi %div3A_174, %sub3A_194 : i32
      %select_n3A_196 = arith.select %and3A_193, %sub3A_195, %div3A_174 : i32
      %jit3A_197 = arith.constant 128 : i32
      %eq3A = arith.constant 0 : i32
      %eq3A_198 = arith.cmpi eq, %jit3A_197, %eq3A : i32
      %jit3A_199 = arith.constant 1 : i32
      %select_n3A_200 = arith.select %eq3A_198, %jit3A_199, %jit3A_197 : i32
      %rem3A_201 = arith.remsi %mul3A_172, %select_n3A_200 : i32
      %ne3A_202 = arith.constant 0 : i32
      %ne3A_203 = arith.cmpi ne, %rem3A_201, %ne3A_202 : i32
      %lt3A = arith.constant 0 : i32
      %lt3A_204 = arith.cmpi slt, %rem3A_201, %lt3A : i32
      %lt3A_205 = arith.constant 0 : i32
      %lt3A_206 = arith.cmpi slt, %select_n3A_200, %lt3A_205 : i32
      %ne3A_207 = arith.xori %lt3A_204, %lt3A_206 : i1
      %and3A_208 = arith.andi %ne3A_207, %ne3A_203 : i1
      %add3A_209 = arith.addi %rem3A_201, %select_n3A_200 : i32
      %select_n3A_210 = arith.select %and3A_208, %add3A_209, %rem3A_201 : i32
      %scan3A_211 = arith.constant 0 : i32
      %scan3A_212 = arith.constant 8 : i32
      %scan3A_213 = arith.addi %scan3A_211, %scan3A_212 : i32
      %scan3A_214 = arith.constant 1 : i32
      %scan3A_215:8 = scf.for %scan3A_265 = %scan3A_211 to %scan3A_213 step %scan3A_214 iter_args(%scan3A_266 = %broadcast_in_dim3A_37, %scan3A_267 = %broadcast_in_dim3A_37, %scan3A_268 = %broadcast_in_dim3A_39, %scan3A_269 = %broadcast_in_dim3A_39, %scan3A_270 = %broadcast_in_dim3A_37, %scan3A_271 = %broadcast_in_dim3A_37, %scan3A_272 = %broadcast_in_dim3A_39, %scan3A_273 = %broadcast_in_dim3A_39) -> (vector<16xf32>, vector<16xf32>, vector<16xi32>, vector<16xi32>, vector<16xf32>, vector<16xf32>, vector<16xi32>, vector<16xi32>)  : i32 {
        %mul3A_274 = arith.constant 8 : i32
        %mul3A_275 = arith.muli %scan3A_265, %mul3A_274 : i32
        %add3A_276 = arith.constant 0 : i32
        %add3A_277 = arith.addi %mul3A_275, %add3A_276 : i32
        %get3A = arith.index_cast %select_n3A_196 : i32 to index
        %get3A_278 = arith.index_cast %add3A_277 : i32 to index
        %get3A_279 = arith.index_cast %select_n3A_210 : i32 to index
        %get3A_280 = tpu.vector_load %arg4[%get3A, %get3A_278, %get3A_279] {strides = array<i32>} : memref<2x64x128xf32, #tpu.memory_space<vmem>>, vector<16xf32>,
        %add3A_281 = arith.constant 1 : i32
        %add3A_282 = arith.addi %mul3A_275, %add3A_281 : i32
        %get3A_283 = arith.index_cast %select_n3A_196 : i32 to index
        %get3A_284 = arith.index_cast %add3A_282 : i32 to index
        %get3A_285 = arith.index_cast %select_n3A_210 : i32 to index
        %get3A_286 = tpu.vector_load %arg4[%get3A_283, %get3A_284, %get3A_285] {strides = array<i32>} : memref<2x64x128xf32, #tpu.memory_space<vmem>>, vector<16xf32>,
        %add3A_287 = arith.constant 2 : i32
        %add3A_288 = arith.addi %mul3A_275, %add3A_287 : i32
        %get3A_289 = arith.index_cast %select_n3A_196 : i32 to index
        %get3A_290 = arith.index_cast %add3A_288 : i32 to index
        %get3A_291 = arith.index_cast %select_n3A_210 : i32 to index
        %get3A_292 = tpu.vector_load %arg4[%get3A_289, %get3A_290, %get3A_291] {strides = array<i32>} : memref<2x64x128xf32, #tpu.memory_space<vmem>>, vector<16xf32>,
        %add3A_293 = arith.constant 3 : i32
        %add3A_294 = arith.addi %mul3A_275, %add3A_293 : i32
        %get3A_295 = arith.index_cast %select_n3A_196 : i32 to index
        %get3A_296 = arith.index_cast %add3A_294 : i32 to index
        %get3A_297 = arith.index_cast %select_n3A_210 : i32 to index
        %get3A_298 = tpu.vector_load %arg4[%get3A_295, %get3A_296, %get3A_297] {strides = array<i32>} : memref<2x64x128xf32, #tpu.memory_space<vmem>>, vector<16xf32>,
        %add3A_299 = arith.constant 4 : i32
        %add3A_300 = arith.addi %mul3A_275, %add3A_299 : i32
        %get3A_301 = arith.index_cast %select_n3A_196 : i32 to index
        %get3A_302 = arith.index_cast %add3A_300 : i32 to index
        %get3A_303 = arith.index_cast %select_n3A_210 : i32 to index
        %get3A_304 = tpu.vector_load %arg4[%get3A_301, %get3A_302, %get3A_303] {strides = array<i32>} : memref<2x64x128xf32, #tpu.memory_space<vmem>>, vector<16xf32>,
        %add3A_305 = arith.constant 5 : i32
        %add3A_306 = arith.addi %mul3A_275, %add3A_305 : i32
        %get3A_307 = arith.index_cast %select_n3A_196 : i32 to index
        %get3A_308 = arith.index_cast %add3A_306 : i32 to index
        %get3A_309 = arith.index_cast %select_n3A_210 : i32 to index
        %get3A_310 = tpu.vector_load %arg4[%get3A_307, %get3A_308, %get3A_309] {strides = array<i32>} : memref<2x64x128xf32, #tpu.memory_space<vmem>>, vector<16xf32>,
        %add3A_311 = arith.constant 6 : i32
        %add3A_312 = arith.addi %mul3A_275, %add3A_311 : i32
        %get3A_313 = arith.index_cast %select_n3A_196 : i32 to index
        %get3A_314 = arith.index_cast %add3A_312 : i32 to index
        %get3A_315 = arith.index_cast %select_n3A_210 : i32 to index
        %get3A_316 = tpu.vector_load %arg4[%get3A_313, %get3A_314, %get3A_315] {strides = array<i32>} : memref<2x64x128xf32, #tpu.memory_space<vmem>>, vector<16xf32>,
        %add3A_317 = arith.constant 7 : i32
        %add3A_318 = arith.addi %mul3A_275, %add3A_317 : i32
        %get3A_319 = arith.index_cast %select_n3A_196 : i32 to index
        %get3A_320 = arith.index_cast %add3A_318 : i32 to index
        %get3A_321 = arith.index_cast %select_n3A_210 : i32 to index
        %get3A_322 = tpu.vector_load %arg4[%get3A_319, %get3A_320, %get3A_321] {strides = array<i32>} : memref<2x64x128xf32, #tpu.memory_space<vmem>>, vector<16xf32>,
        %add3A_323 = arith.constant 0 : i32
        %add3A_324 = arith.addi %mul3A_275, %add3A_323 : i32
        %add3A_325 = arith.constant 16 : i32
        %add3A_326 = arith.addi %select_n3A_210, %add3A_325 : i32
        %get3A_327 = arith.index_cast %select_n3A_196 : i32 to index
        %get3A_328 = arith.index_cast %add3A_324 : i32 to index
        %get3A_329 = arith.index_cast %add3A_326 : i32 to index
        %get3A_330 = tpu.vector_load %arg4[%get3A_327, %get3A_328, %get3A_329] {strides = array<i32>} : memref<2x64x128xf32, #tpu.memory_space<vmem>>, vector<16xf32>,
        %add3A_331 = arith.constant 1 : i32
        %add3A_332 = arith.addi %mul3A_275, %add3A_331 : i32
        %add3A_333 = arith.constant 16 : i32
        %add3A_334 = arith.addi %select_n3A_210, %add3A_333 : i32
        %get3A_335 = arith.index_cast %select_n3A_196 : i32 to index
        %get3A_336 = arith.index_cast %add3A_332 : i32 to index
        %get3A_337 = arith.index_cast %add3A_334 : i32 to index
        %get3A_338 = tpu.vector_load %arg4[%get3A_335, %get3A_336, %get3A_337] {strides = array<i32>} : memref<2x64x128xf32, #tpu.memory_space<vmem>>, vector<16xf32>,
        %add3A_339 = arith.constant 2 : i32
        %add3A_340 = arith.addi %mul3A_275, %add3A_339 : i32
        %add3A_341 = arith.constant 16 : i32
        %add3A_342 = arith.addi %select_n3A_210, %add3A_341 : i32
        %get3A_343 = arith.index_cast %select_n3A_196 : i32 to index
        %get3A_344 = arith.index_cast %add3A_340 : i32 to index
        %get3A_345 = arith.index_cast %add3A_342 : i32 to index
        %get3A_346 = tpu.vector_load %arg4[%get3A_343, %get3A_344, %get3A_345] {strides = array<i32>} : memref<2x64x128xf32, #tpu.memory_space<vmem>>, vector<16xf32>,
        %add3A_347 = arith.constant 3 : i32
        %add3A_348 = arith.addi %mul3A_275, %add3A_347 : i32
        %add3A_349 = arith.constant 16 : i32
        %add3A_350 = arith.addi %select_n3A_210, %add3A_349 : i32
        %get3A_351 = arith.index_cast %select_n3A_196 : i32 to index
        %get3A_352 = arith.index_cast %add3A_348 : i32 to index
        %get3A_353 = arith.index_cast %add3A_350 : i32 to index
        %get3A_354 = tpu.vector_load %arg4[%get3A_351, %get3A_352, %get3A_353] {strides = array<i32>} : memref<2x64x128xf32, #tpu.memory_space<vmem>>, vector<16xf32>,
        %add3A_355 = arith.constant 4 : i32
        %add3A_356 = arith.addi %mul3A_275, %add3A_355 : i32
        %add3A_357 = arith.constant 16 : i32
        %add3A_358 = arith.addi %select_n3A_210, %add3A_357 : i32
        %get3A_359 = arith.index_cast %select_n3A_196 : i32 to index
        %get3A_360 = arith.index_cast %add3A_356 : i32 to index
        %get3A_361 = arith.index_cast %add3A_358 : i32 to index
        %get3A_362 = tpu.vector_load %arg4[%get3A_359, %get3A_360, %get3A_361] {strides = array<i32>} : memref<2x64x128xf32, #tpu.memory_space<vmem>>, vector<16xf32>,
        %add3A_363 = arith.constant 5 : i32
        %add3A_364 = arith.addi %mul3A_275, %add3A_363 : i32
        %add3A_365 = arith.constant 16 : i32
        %add3A_366 = arith.addi %select_n3A_210, %add3A_365 : i32
        %get3A_367 = arith.index_cast %select_n3A_196 : i32 to index
        %get3A_368 = arith.index_cast %add3A_364 : i32 to index
        %get3A_369 = arith.index_cast %add3A_366 : i32 to index
        %get3A_370 = tpu.vector_load %arg4[%get3A_367, %get3A_368, %get3A_369] {strides = array<i32>} : memref<2x64x128xf32, #tpu.memory_space<vmem>>, vector<16xf32>,
        %add3A_371 = arith.constant 6 : i32
        %add3A_372 = arith.addi %mul3A_275, %add3A_371 : i32
        %add3A_373 = arith.constant 16 : i32
        %add3A_374 = arith.addi %select_n3A_210, %add3A_373 : i32
        %get3A_375 = arith.index_cast %select_n3A_196 : i32 to index
        %get3A_376 = arith.index_cast %add3A_372 : i32 to index
        %get3A_377 = arith.index_cast %add3A_374 : i32 to index
        %get3A_378 = tpu.vector_load %arg4[%get3A_375, %get3A_376, %get3A_377] {strides = array<i32>} : memref<2x64x128xf32, #tpu.memory_space<vmem>>, vector<16xf32>,
        %add3A_379 = arith.constant 7 : i32
        %add3A_380 = arith.addi %mul3A_275, %add3A_379 : i32
        %add3A_381 = arith.constant 16 : i32
        %add3A_382 = arith.addi %select_n3A_210, %add3A_381 : i32
        %get3A_383 = arith.index_cast %select_n3A_196 : i32 to index
        %get3A_384 = arith.index_cast %add3A_380 : i32 to index
        %get3A_385 = arith.index_cast %add3A_382 : i32 to index
        %get3A_386 = tpu.vector_load %arg4[%get3A_383, %get3A_384, %get3A_385] {strides = array<i32>} : memref<2x64x128xf32, #tpu.memory_space<vmem>>, vector<16xf32>,
        %broadcast_in_dim3A_387 = arith.constant 1 : i32
        %broadcast_in_dim3A_388 = vector.broadcast %broadcast_in_dim3A_387 : i32 to vector<16xi32>
        %mul3A_389 = vector.broadcast %mul3A_275 : i32 to vector<16xi32>
        %mul3A_390 = arith.muli %broadcast_in_dim3A_388, %mul3A_389 : vector<16xi32>
        %ge3A = arith.cmpf oge, %get3A_280, %get3A_286 : vector<16xf32>
        %select_n3A_391 = arith.select %ge3A, %get3A_280, %get3A_286 : vector<16xi1>, vector<16xf32>
        %select_n3A_392 = arith.select %ge3A, %get3A_286, %get3A_280 : vector<16xi1>, vector<16xf32>
        %select_n3A_393 = arith.select %ge3A, %broadcast_in_dim3A_43, %broadcast_in_dim3A_45 : vector<16xi1>, vector<16xi32>
        %select_n3A_394 = arith.select %ge3A, %broadcast_in_dim3A_45, %broadcast_in_dim3A_43 : vector<16xi1>, vector<16xi32>
        %ge3A_395 = arith.cmpf oge, %get3A_292, %get3A_298 : vector<16xf32>
        %select_n3A_396 = arith.select %ge3A_395, %get3A_292, %get3A_298 : vector<16xi1>, vector<16xf32>
        %select_n3A_397 = arith.select %ge3A_395, %get3A_298, %get3A_292 : vector<16xi1>, vector<16xf32>
        %select_n3A_398 = arith.select %ge3A_395, %broadcast_in_dim3A_47, %broadcast_in_dim3A_49 : vector<16xi1>, vector<16xi32>
        %select_n3A_399 = arith.select %ge3A_395, %broadcast_in_dim3A_49, %broadcast_in_dim3A_47 : vector<16xi1>, vector<16xi32>
        %ge3A_400 = arith.cmpf oge, %get3A_304, %get3A_310 : vector<16xf32>
        %select_n3A_401 = arith.select %ge3A_400, %get3A_304, %get3A_310 : vector<16xi1>, vector<16xf32>
        %select_n3A_402 = arith.select %ge3A_400, %get3A_310, %get3A_304 : vector<16xi1>, vector<16xf32>
        %select_n3A_403 = arith.select %ge3A_400, %broadcast_in_dim3A_51, %broadcast_in_dim3A_53 : vector<16xi1>, vector<16xi32>
        %select_n3A_404 = arith.select %ge3A_400, %broadcast_in_dim3A_53, %broadcast_in_dim3A_51 : vector<16xi1>, vector<16xi32>
        %ge3A_405 = arith.cmpf oge, %get3A_316, %get3A_322 : vector<16xf32>
        %select_n3A_406 = arith.select %ge3A_405, %get3A_316, %get3A_322 : vector<16xi1>, vector<16xf32>
        %select_n3A_407 = arith.select %ge3A_405, %get3A_322, %get3A_316 : vector<16xi1>, vector<16xf32>
        %select_n3A_408 = arith.select %ge3A_405, %broadcast_in_dim3A_55, %broadcast_in_dim3A_57 : vector<16xi1>, vector<16xi32>
        %select_n3A_409 = arith.select %ge3A_405, %broadcast_in_dim3A_57, %broadcast_in_dim3A_55 : vector<16xi1>, vector<16xi32>
        %ge3A_410 = arith.cmpf oge, %select_n3A_391, %select_n3A_396 : vector<16xf32>
        %select_n3A_411 = arith.select %ge3A_410, %select_n3A_391, %select_n3A_396 : vector<16xi1>, vector<16xf32>
        %select_n3A_412 = arith.select %ge3A_410, %select_n3A_393, %select_n3A_398 : vector<16xi1>, vector<16xi32>
        %select_n3A_413 = arith.select %ge3A_410, %select_n3A_396, %select_n3A_391 : vector<16xi1>, vector<16xf32>
        %select_n3A_414 = arith.select %ge3A_410, %select_n3A_398, %select_n3A_393 : vector<16xi1>, vector<16xi32>
        %ge3A_415 = arith.cmpf oge, %select_n3A_392, %select_n3A_397 : vector<16xf32>
        %select_n3A_416 = arith.select %ge3A_415, %select_n3A_392, %select_n3A_397 : vector<16xi1>, vector<16xf32>
        %select_n3A_417 = arith.select %ge3A_415, %select_n3A_394, %select_n3A_399 : vector<16xi1>, vector<16xi32>
        %ge3A_418 = arith.cmpf oge, %select_n3A_413, %select_n3A_416 : vector<16xf32>
        %select_n3A_419 = arith.select %ge3A_418, %select_n3A_413, %select_n3A_416 : vector<16xi1>, vector<16xf32>
        %select_n3A_420 = arith.select %ge3A_418, %select_n3A_414, %select_n3A_417 : vector<16xi1>, vector<16xi32>
        %ge3A_421 = arith.cmpf oge, %select_n3A_401, %select_n3A_406 : vector<16xf32>
        %select_n3A_422 = arith.select %ge3A_421, %select_n3A_401, %select_n3A_406 : vector<16xi1>, vector<16xf32>
        %select_n3A_423 = arith.select %ge3A_421, %select_n3A_403, %select_n3A_408 : vector<16xi1>, vector<16xi32>
        %select_n3A_424 = arith.select %ge3A_421, %select_n3A_406, %select_n3A_401 : vector<16xi1>, vector<16xf32>
        %select_n3A_425 = arith.select %ge3A_421, %select_n3A_408, %select_n3A_403 : vector<16xi1>, vector<16xi32>
        %ge3A_426 = arith.cmpf oge, %select_n3A_402, %select_n3A_407 : vector<16xf32>
        %select_n3A_427 = arith.select %ge3A_426, %select_n3A_402, %select_n3A_407 : vector<16xi1>, vector<16xf32>
        %select_n3A_428 = arith.select %ge3A_426, %select_n3A_404, %select_n3A_409 : vector<16xi1>, vector<16xi32>
        %ge3A_429 = arith.cmpf oge, %select_n3A_424, %select_n3A_427 : vector<16xf32>
        %select_n3A_430 = arith.select %ge3A_429, %select_n3A_424, %select_n3A_427 : vector<16xi1>, vector<16xf32>
        %select_n3A_431 = arith.select %ge3A_429, %select_n3A_425, %select_n3A_428 : vector<16xi1>, vector<16xi32>
        %ge3A_432 = arith.cmpf oge, %select_n3A_411, %select_n3A_422 : vector<16xf32>
        %select_n3A_433 = arith.select %ge3A_432, %select_n3A_411, %select_n3A_422 : vector<16xi1>, vector<16xf32>
        %select_n3A_434 = arith.select %ge3A_432, %select_n3A_412, %select_n3A_423 : vector<16xi1>, vector<16xi32>
        %select_n3A_435 = arith.select %ge3A_432, %select_n3A_422, %select_n3A_411 : vector<16xi1>, vector<16xf32>
        %select_n3A_436 = arith.select %ge3A_432, %select_n3A_423, %select_n3A_412 : vector<16xi1>, vector<16xi32>
        %ge3A_437 = arith.cmpf oge, %select_n3A_419, %select_n3A_430 : vector<16xf32>
        %select_n3A_438 = arith.select %ge3A_437, %select_n3A_419, %select_n3A_430 : vector<16xi1>, vector<16xf32>
        %select_n3A_439 = arith.select %ge3A_437, %select_n3A_420, %select_n3A_431 : vector<16xi1>, vector<16xi32>
        %ge3A_440 = arith.cmpf oge, %select_n3A_435, %select_n3A_438 : vector<16xf32>
        %select_n3A_441 = arith.select %ge3A_440, %select_n3A_435, %select_n3A_438 : vector<16xi1>, vector<16xf32>
        %select_n3A_442 = arith.select %ge3A_440, %select_n3A_436, %select_n3A_439 : vector<16xi1>, vector<16xi32>
        %ge3A_443 = arith.cmpf oge, %get3A_330, %get3A_338 : vector<16xf32>
        %select_n3A_444 = arith.select %ge3A_443, %get3A_330, %get3A_338 : vector<16xi1>, vector<16xf32>
        %select_n3A_445 = arith.select %ge3A_443, %get3A_338, %get3A_330 : vector<16xi1>, vector<16xf32>
        %select_n3A_446 = arith.select %ge3A_443, %broadcast_in_dim3A_43, %broadcast_in_dim3A_45 : vector<16xi1>, vector<16xi32>
        %select_n3A_447 = arith.select %ge3A_443, %broadcast_in_dim3A_45, %broadcast_in_dim3A_43 : vector<16xi1>, vector<16xi32>
        %ge3A_448 = arith.cmpf oge, %get3A_346, %get3A_354 : vector<16xf32>
        %select_n3A_449 = arith.select %ge3A_448, %get3A_346, %get3A_354 : vector<16xi1>, vector<16xf32>
        %select_n3A_450 = arith.select %ge3A_448, %get3A_354, %get3A_346 : vector<16xi1>, vector<16xf32>
        %select_n3A_451 = arith.select %ge3A_448, %broadcast_in_dim3A_47, %broadcast_in_dim3A_49 : vector<16xi1>, vector<16xi32>
        %select_n3A_452 = arith.select %ge3A_448, %broadcast_in_dim3A_49, %broadcast_in_dim3A_47 : vector<16xi1>, vector<16xi32>
        %ge3A_453 = arith.cmpf oge, %get3A_362, %get3A_370 : vector<16xf32>
        %select_n3A_454 = arith.select %ge3A_453, %get3A_362, %get3A_370 : vector<16xi1>, vector<16xf32>
        %select_n3A_455 = arith.select %ge3A_453, %get3A_370, %get3A_362 : vector<16xi1>, vector<16xf32>
        %select_n3A_456 = arith.select %ge3A_453, %broadcast_in_dim3A_51, %broadcast_in_dim3A_53 : vector<16xi1>, vector<16xi32>
        %select_n3A_457 = arith.select %ge3A_453, %broadcast_in_dim3A_53, %broadcast_in_dim3A_51 : vector<16xi1>, vector<16xi32>
        %ge3A_458 = arith.cmpf oge, %get3A_378, %get3A_386 : vector<16xf32>
        %select_n3A_459 = arith.select %ge3A_458, %get3A_378, %get3A_386 : vector<16xi1>, vector<16xf32>
        %select_n3A_460 = arith.select %ge3A_458, %get3A_386, %get3A_378 : vector<16xi1>, vector<16xf32>
        %select_n3A_461 = arith.select %ge3A_458, %broadcast_in_dim3A_55, %broadcast_in_dim3A_57 : vector<16xi1>, vector<16xi32>
        %select_n3A_462 = arith.select %ge3A_458, %broadcast_in_dim3A_57, %broadcast_in_dim3A_55 : vector<16xi1>, vector<16xi32>
        %ge3A_463 = arith.cmpf oge, %select_n3A_444, %select_n3A_449 : vector<16xf32>
        %select_n3A_464 = arith.select %ge3A_463, %select_n3A_444, %select_n3A_449 : vector<16xi1>, vector<16xf32>
        %select_n3A_465 = arith.select %ge3A_463, %select_n3A_446, %select_n3A_451 : vector<16xi1>, vector<16xi32>
        %select_n3A_466 = arith.select %ge3A_463, %select_n3A_449, %select_n3A_444 : vector<16xi1>, vector<16xf32>
        %select_n3A_467 = arith.select %ge3A_463, %select_n3A_451, %select_n3A_446 : vector<16xi1>, vector<16xi32>
        %ge3A_468 = arith.cmpf oge, %select_n3A_445, %select_n3A_450 : vector<16xf32>
        %select_n3A_469 = arith.select %ge3A_468, %select_n3A_445, %select_n3A_450 : vector<16xi1>, vector<16xf32>
        %select_n3A_470 = arith.select %ge3A_468, %select_n3A_447, %select_n3A_452 : vector<16xi1>, vector<16xi32>
        %ge3A_471 = arith.cmpf oge, %select_n3A_466, %select_n3A_469 : vector<16xf32>
        %select_n3A_472 = arith.select %ge3A_471, %select_n3A_466, %select_n3A_469 : vector<16xi1>, vector<16xf32>
        %select_n3A_473 = arith.select %ge3A_471, %select_n3A_467, %select_n3A_470 : vector<16xi1>, vector<16xi32>
        %ge3A_474 = arith.cmpf oge, %select_n3A_454, %select_n3A_459 : vector<16xf32>
        %select_n3A_475 = arith.select %ge3A_474, %select_n3A_454, %select_n3A_459 : vector<16xi1>, vector<16xf32>
        %select_n3A_476 = arith.select %ge3A_474, %select_n3A_456, %select_n3A_461 : vector<16xi1>, vector<16xi32>
        %select_n3A_477 = arith.select %ge3A_474, %select_n3A_459, %select_n3A_454 : vector<16xi1>, vector<16xf32>
        %select_n3A_478 = arith.select %ge3A_474, %select_n3A_461, %select_n3A_456 : vector<16xi1>, vector<16xi32>
        %ge3A_479 = arith.cmpf oge, %select_n3A_455, %select_n3A_460 : vector<16xf32>
        %select_n3A_480 = arith.select %ge3A_479, %select_n3A_455, %select_n3A_460 : vector<16xi1>, vector<16xf32>
        %select_n3A_481 = arith.select %ge3A_479, %select_n3A_457, %select_n3A_462 : vector<16xi1>, vector<16xi32>
        %ge3A_482 = arith.cmpf oge, %select_n3A_477, %select_n3A_480 : vector<16xf32>
        %select_n3A_483 = arith.select %ge3A_482, %select_n3A_477, %select_n3A_480 : vector<16xi1>, vector<16xf32>
        %select_n3A_484 = arith.select %ge3A_482, %select_n3A_478, %select_n3A_481 : vector<16xi1>, vector<16xi32>
        %ge3A_485 = arith.cmpf oge, %select_n3A_464, %select_n3A_475 : vector<16xf32>
        %select_n3A_486 = arith.select %ge3A_485, %select_n3A_464, %select_n3A_475 : vector<16xi1>, vector<16xf32>
        %select_n3A_487 = arith.select %ge3A_485, %select_n3A_465, %select_n3A_476 : vector<16xi1>, vector<16xi32>
        %select_n3A_488 = arith.select %ge3A_485, %select_n3A_475, %select_n3A_464 : vector<16xi1>, vector<16xf32>
        %select_n3A_489 = arith.select %ge3A_485, %select_n3A_476, %select_n3A_465 : vector<16xi1>, vector<16xi32>
        %ge3A_490 = arith.cmpf oge, %select_n3A_472, %select_n3A_483 : vector<16xf32>
        %select_n3A_491 = arith.select %ge3A_490, %select_n3A_472, %select_n3A_483 : vector<16xi1>, vector<16xf32>
        %select_n3A_492 = arith.select %ge3A_490, %select_n3A_473, %select_n3A_484 : vector<16xi1>, vector<16xi32>
        %ge3A_493 = arith.cmpf oge, %select_n3A_488, %select_n3A_491 : vector<16xf32>
        %select_n3A_494 = arith.select %ge3A_493, %select_n3A_488, %select_n3A_491 : vector<16xi1>, vector<16xf32>
        %select_n3A_495 = arith.select %ge3A_493, %select_n3A_489, %select_n3A_492 : vector<16xi1>, vector<16xi32>
        %add3A_496 = arith.addi %select_n3A_434, %mul3A_390 : vector<16xi32>
        %add3A_497 = arith.addi %select_n3A_442, %mul3A_390 : vector<16xi32>
        %ge3A_498 = arith.cmpf oge, %scan3A_266, %select_n3A_433 : vector<16xf32>
        %select_n3A_499 = arith.select %ge3A_498, %scan3A_266, %select_n3A_433 : vector<16xi1>, vector<16xf32>
        %select_n3A_500 = arith.select %ge3A_498, %scan3A_268, %add3A_496 : vector<16xi1>, vector<16xi32>
        %select_n3A_501 = arith.select %ge3A_498, %select_n3A_433, %scan3A_266 : vector<16xi1>, vector<16xf32>
        %select_n3A_502 = arith.select %ge3A_498, %add3A_496, %scan3A_268 : vector<16xi1>, vector<16xi32>
        %ge3A_503 = arith.cmpf oge, %scan3A_267, %select_n3A_441 : vector<16xf32>
        %select_n3A_504 = arith.select %ge3A_503, %scan3A_267, %select_n3A_441 : vector<16xi1>, vector<16xf32>
        %select_n3A_505 = arith.select %ge3A_503, %scan3A_269, %add3A_497 : vector<16xi1>, vector<16xi32>
        %ge3A_506 = arith.cmpf oge, %select_n3A_501, %select_n3A_504 : vector<16xf32>
        %select_n3A_507 = arith.select %ge3A_506, %select_n3A_501, %select_n3A_504 : vector<16xi1>, vector<16xf32>
        %select_n3A_508 = arith.select %ge3A_506, %select_n3A_502, %select_n3A_505 : vector<16xi1>, vector<16xi32>
        %add3A_509 = arith.addi %select_n3A_487, %mul3A_390 : vector<16xi32>
        %add3A_510 = arith.addi %select_n3A_495, %mul3A_390 : vector<16xi32>
        %ge3A_511 = arith.cmpf oge, %scan3A_270, %select_n3A_486 : vector<16xf32>
        %select_n3A_512 = arith.select %ge3A_511, %scan3A_270, %select_n3A_486 : vector<16xi1>, vector<16xf32>
        %select_n3A_513 = arith.select %ge3A_511, %scan3A_272, %add3A_509 : vector<16xi1>, vector<16xi32>
        %select_n3A_514 = arith.select %ge3A_511, %select_n3A_486, %scan3A_270 : vector<16xi1>, vector<16xf32>
        %select_n3A_515 = arith.select %ge3A_511, %add3A_509, %scan3A_272 : vector<16xi1>, vector<16xi32>
        %ge3A_516 = arith.cmpf oge, %scan3A_271, %select_n3A_494 : vector<16xf32>
        %select_n3A_517 = arith.select %ge3A_516, %scan3A_271, %select_n3A_494 : vector<16xi1>, vector<16xf32>
        %select_n3A_518 = arith.select %ge3A_516, %scan3A_273, %add3A_510 : vector<16xi1>, vector<16xi32>
        %ge3A_519 = arith.cmpf oge, %select_n3A_514, %select_n3A_517 : vector<16xf32>
        %select_n3A_520 = arith.select %ge3A_519, %select_n3A_514, %select_n3A_517 : vector<16xi1>, vector<16xf32>
        %select_n3A_521 = arith.select %ge3A_519, %select_n3A_515, %select_n3A_518 : vector<16xi1>, vector<16xi32>
        scf.yield %select_n3A_499, %select_n3A_507, %select_n3A_500, %select_n3A_508, %select_n3A_512, %select_n3A_520, %select_n3A_513, %select_n3A_521 : vector<16xf32>, vector<16xf32>, vector<16xi32>, vector<16xi32>, vector<16xf32>, vector<16xf32>, vector<16xi32>, vector<16xi32>
      }
      %scan3A_216 = arith.constant 8 : i32
      %mul3A_217 = arith.constant 64 : i32
      %mul3A_218 = arith.muli %mul3A_172, %mul3A_217 : i32
      %add3A_219 = vector.broadcast %mul3A_218 : i32 to vector<16xi32>
      %add3A_220 = arith.addi %add3A_219, %mul3A_36 : vector<16xi32>
      %add3A_221 = arith.constant 1024 : i32
      %add3A_222 = vector.broadcast %add3A_221 : i32 to vector<16xi32>
      %add3A_223 = arith.addi %add3A_220, %add3A_222 : vector<16xi32>
      %mul3A_224 = arith.constant 32 : i32
      %mul3A_225 = arith.muli %scan3A_169, %mul3A_224 : i32
      %add3A_226 = arith.constant 0 : i32
      %add3A_227 = arith.addi %add3A_226, %mul3A_225 : i32
      %sub3A_228 = arith.subf %scan3A_215#1, %scan3A_215#0 : vector<16xf32>
      %exp3A = math.exp %sub3A_228 : vector<16xf32>
      %add3A_229 = arith.constant 1.000000e+00 : f32
      %add3A_230 = vector.broadcast %add3A_229 : f32 to vector<16xf32>
      %add3A_231 = arith.addf %add3A_230, %exp3A : vector<16xf32>
      %div3A_232 = arith.constant 1.000000e+00 : f32
      %div3A_233 = vector.broadcast %div3A_232 : f32 to vector<16xf32>
      %div3A_234 = arith.divf %div3A_233, %add3A_231 : vector<16xf32>
      %mul3A_235 = arith.mulf %exp3A, %div3A_234 : vector<16xf32>
      %add3A_236 = arith.addi %add3A_220, %scan3A_215#2 : vector<16xi32>
      %add3A_237 = arith.addi %add3A_220, %scan3A_215#3 : vector<16xi32>
      tpu.vector_store_idx %arg6[%add3A_236], %div3A_234 : memref<16384xf32, #tpu.memory_space<vmem>>[vector<16xi32>], vector<16xf32>,
      tpu.vector_store_idx %arg6[%add3A_237], %mul3A_235 : memref<16384xf32, #tpu.memory_space<vmem>>[vector<16xi32>], vector<16xf32>,
      %add3A_238 = arith.constant 0 : i32
      %add3A_239 = arith.addi %add3A_227, %add3A_238 : i32
      %swap3A = arith.index_cast %add3A_239 : i32 to index
      %swap3A_240 = tpu.vector_load %arg8[%swap3A] {strides = array<i32>} : memref<512xi32, #tpu.memory_space<vmem>>, vector<16xi32>,
      tpu.vector_store %arg8[%swap3A], %add3A_236 {strides = array<i32>} : memref<512xi32, #tpu.memory_space<vmem>>, vector<16xi32>,
      %add3A_241 = arith.constant 0 : i32
      %add3A_242 = arith.addi %add3A_227, %add3A_241 : i32
      %swap3A_243 = arith.index_cast %add3A_242 : i32 to index
      %swap3A_244 = tpu.vector_load %arg9[%swap3A_243] {strides = array<i32>} : memref<512xi32, #tpu.memory_space<vmem>>, vector<16xi32>,
      tpu.vector_store %arg9[%swap3A_243], %add3A_237 {strides = array<i32>} : memref<512xi32, #tpu.memory_space<vmem>>, vector<16xi32>,
      %sub3A_245 = arith.subf %scan3A_215#5, %scan3A_215#4 : vector<16xf32>
      %exp3A_246 = math.exp %sub3A_245 : vector<16xf32>
      %add3A_247 = arith.constant 1.000000e+00 : f32
      %add3A_248 = vector.broadcast %add3A_247 : f32 to vector<16xf32>
      %add3A_249 = arith.addf %add3A_248, %exp3A_246 : vector<16xf32>
      %div3A_250 = arith.constant 1.000000e+00 : f32
      %div3A_251 = vector.broadcast %div3A_250 : f32 to vector<16xf32>
      %div3A_252 = arith.divf %div3A_251, %add3A_249 : vector<16xf32>
      %mul3A_253 = arith.mulf %exp3A_246, %div3A_252 : vector<16xf32>
      %add3A_254 = arith.addi %add3A_223, %scan3A_215#6 : vector<16xi32>
      %add3A_255 = arith.addi %add3A_223, %scan3A_215#7 : vector<16xi32>
      tpu.vector_store_idx %arg6[%add3A_254], %div3A_252 : memref<16384xf32, #tpu.memory_space<vmem>>[vector<16xi32>], vector<16xf32>,
      tpu.vector_store_idx %arg6[%add3A_255], %mul3A_253 : memref<16384xf32, #tpu.memory_space<vmem>>[vector<16xi32>], vector<16xf32>,
      %add3A_256 = arith.constant 16 : i32
      %add3A_257 = arith.addi %add3A_227, %add3A_256 : i32
      %swap3A_258 = arith.index_cast %add3A_257 : i32 to index
      %swap3A_259 = tpu.vector_load %arg8[%swap3A_258] {strides = array<i32>} : memref<512xi32, #tpu.memory_space<vmem>>, vector<16xi32>,
      tpu.vector_store %arg8[%swap3A_258], %add3A_254 {strides = array<i32>} : memref<512xi32, #tpu.memory_space<vmem>>, vector<16xi32>,
      %add3A_260 = arith.constant 16 : i32
      %add3A_261 = arith.addi %add3A_227, %add3A_260 : i32
      %swap3A_262 = arith.index_cast %add3A_261 : i32 to index
      %swap3A_263 = tpu.vector_load %arg9[%swap3A_262] {strides = array<i32>} : memref<512xi32, #tpu.memory_space<vmem>>, vector<16xi32>,
      tpu.vector_store %arg9[%swap3A_262], %add3A_255 {strides = array<i32>} : memref<512xi32, #tpu.memory_space<vmem>>, vector<16xi32>,
      %scan3A_264 = arith.constant 0 : i32
      scf.yield %scan3A_264 : i32
    }
    %scan3A_134 = arith.constant 8 : i32
    %add3A_135 = arith.constant 32768 : i32
    %add3A_136 = arith.addi %mul3A_4, %add3A_135 : i32
    %dma_start3A_137 = tpu.memref_slice %arg3[%add3A_136] : memref<2097152xf32, #tpu.memory_space<hbm>> -> memref<16384xf32, #tpu.memory_space<hbm>>
    %dma_start3A_138 = tpu.memref_slice %arg3[%add3A_136] : memref<2097152xf32, #tpu.memory_space<hbm>> -> memref<16384xf32, #tpu.memory_space<hbm>>
    tpu.enqueue_dma source(%arg6 : memref<16384xf32, #tpu.memory_space<vmem>>) target(%dma_start3A_138 : memref<16384xf32, #tpu.memory_space<hbm>>) target_semaphore(%arg12 : memref<!tpu.dma_semaphore, #tpu.memory_space<semaphore_mem>>)
    %dma_wait3A_139 = arith.constant 0 : i32
    %dma_wait3A_140 = arith.constant 0 : i32
    %dma_wait3A_141 = tpu.memref_slice %arg2[%add3A_106, %dma_wait3A_139, %dma_wait3A_140] : memref<256x64x128xf32, #tpu.memory_space<hbm>> -> memref<2x64x128xf32, #tpu.memory_space<hbm>>
    %dma_wait3A_142 = arith.constant 0 : i32
    %dma_wait3A_143 = arith.constant 0 : i32
    %dma_wait3A_144 = tpu.memref_slice %arg2[%add3A_106, %dma_wait3A_142, %dma_wait3A_143] : memref<256x64x128xf32, #tpu.memory_space<hbm>> -> memref<2x64x128xf32, #tpu.memory_space<hbm>>
    tpu.wait_dma2 semaphore(%arg11 : memref<!tpu.dma_semaphore, #tpu.memory_space<semaphore_mem>>) src(%dma_wait3A_144 : memref<2x64x128xf32, #tpu.memory_space<hbm>>) dst(%arg5 : memref<2x64x128xf32, #tpu.memory_space<vmem>>)
    %dma_wait3A_145 = tpu.memref_slice %arg3[%add3A_102] : memref<2097152xf32, #tpu.memory_space<hbm>> -> memref<16384xf32, #tpu.memory_space<hbm>>
    %dma_wait3A_146 = tpu.memref_slice %arg3[%add3A_102] : memref<2097152xf32, #tpu.memory_space<hbm>> -> memref<16384xf32, #tpu.memory_space<hbm>>
    tpu.wait_dma2 semaphore(%arg13 : memref<!tpu.dma_semaphore, #tpu.memory_space<semaphore_mem>>) src(%arg7 : memref<16384xf32, #tpu.memory_space<vmem>>) dst(%dma_wait3A_146 : memref<16384xf32, #tpu.memory_space<hbm>>)
    %scan3A_147 = arith.constant 0 : i32
    %scan3A_148 = arith.constant 0 : i32
    %scan3A_149 = arith.constant 8 : i32
    %scan3A_150 = arith.addi %scan3A_148, %scan3A_149 : i32
    %scan3A_151 = arith.constant 1 : i32
    %scan3A_152 = scf.for %scan3A_169 = %scan3A_148 to %scan3A_150 step %scan3A_151 iter_args(%scan3A_170 = %scan3A_147) -> (i32)  : i32 {
      %mul3A_171 = arith.constant 32 : i32
      %mul3A_172 = arith.muli %scan3A_169, %mul3A_171 : i32
      %add3A_173 = arith.constant 256 : i32
      %add3A_174 = arith.addi %add3A_173, %mul3A_172 : i32
      %add3A_175 = arith.constant 0 : i32
      %add3A_176 = arith.addi %add3A_174, %add3A_175 : i32
      %get3A = arith.index_cast %add3A_176 : i32 to index
      %get3A_177 = tpu.vector_load %arg8[%get3A] {strides = array<i32>} : memref<512xi32, #tpu.memory_space<vmem>>, vector<16xi32>,
      %add3A_178 = arith.constant 0 : i32
      %add3A_179 = arith.addi %add3A_174, %add3A_178 : i32
      %get3A_180 = arith.index_cast %add3A_179 : i32 to index
      %get3A_181 = tpu.vector_load %arg9[%get3A_180] {strides = array<i32>} : memref<512xi32, #tpu.memory_space<vmem>>, vector<16xi32>,
      tpu.vector_store_idx %arg7[%get3A_177], %broadcast_in_dim3A_41 : memref<16384xf32, #tpu.memory_space<vmem>>[vector<16xi32>], vector<16xf32>,
      tpu.vector_store_idx %arg7[%get3A_181], %broadcast_in_dim3A_41 : memref<16384xf32, #tpu.memory_space<vmem>>[vector<16xi32>], vector<16xf32>,
      %add3A_182 = arith.constant 16 : i32
      %add3A_183 = arith.addi %add3A_174, %add3A_182 : i32
      %get3A_184 = arith.index_cast %add3A_183 : i32 to index
      %get3A_185 = tpu.vector_load %arg8[%get3A_184] {strides = array<i32>} : memref<512xi32, #tpu.memory_space<vmem>>, vector<16xi32>,
      %add3A_186 = arith.constant 16 : i32
      %add3A_187 = arith.addi %add3A_174, %add3A_186 : i32
      %get3A_188 = arith.index_cast %add3A_187 : i32 to index
      %get3A_189 = tpu.vector_load %arg9[%get3A_188] {strides = array<i32>} : memref<512xi32, #tpu.memory_space<vmem>>, vector<16xi32>,
      tpu.vector_store_idx %arg7[%get3A_185], %broadcast_in_dim3A_41 : memref<16384xf32, #tpu.memory_space<vmem>>[vector<16xi32>], vector<16xf32>,
      tpu.vector_store_idx %arg7[%get3A_189], %broadcast_in_dim3A_41 : memref<16384xf32, #tpu.memory_space<vmem>>[vector<16xi32>], vector<16xf32>,
      %scan3A_190 = arith.constant 0 : i32
      scf.yield %scan3A_190 : i32
    }
    %scan3A_153 = arith.constant 8 : i32
    %scan3A_154 = arith.constant 0 : i32
    %scan3A_155 = arith.constant 0 : i32
    %scan3A_156 = arith.constant 8 : i32
    %scan3A_157 = arith.addi %scan3A_155, %scan3A_156 : i32
    %scan3A_158 = arith.constant 1 : i32
    %scan3A_159 = scf.for %scan3A_169 = %scan3A_155 to %scan3A_157 step %scan3A_158 iter_args(%scan3A_170 = %scan3A_154) -> (i32)  : i32 {
      %mul3A_171 = arith.constant 32 : i32
      %mul3A_172 = arith.muli %scan3A_169, %mul3A_171 : i32
      %jit3A_173 = arith.constant 128 : i32
      %div3A_174 = arith.divsi %mul3A_172, %jit3A_173 : i32
      %sign3A_175 = arith.constant 0 : i32
      %sign3A_176 = arith.cmpi sgt, %mul3A_172, %sign3A_175 : i32
      %sign3A_177 = arith.extui %sign3A_176 : i1 to i32
      %sign3A_178 = arith.constant 0 : i32
      %sign3A_179 = arith.cmpi slt, %mul3A_172, %sign3A_178 : i32
      %sign3A_180 = arith.extui %sign3A_179 : i1 to i32
      %sign3A_181 = arith.subi %sign3A_177, %sign3A_180 : i32
      %sign3A_182 = arith.constant 0 : i32
      %sign3A_183 = arith.cmpi sgt, %jit3A_173, %sign3A_182 : i32
      %sign3A_184 = arith.extui %sign3A_183 : i1 to i32
      %sign3A_185 = arith.constant 0 : i32
      %sign3A_186 = arith.cmpi slt, %jit3A_173, %sign3A_185 : i32
      %sign3A_187 = arith.extui %sign3A_186 : i1 to i32
      %sign3A_188 = arith.subi %sign3A_184, %sign3A_187 : i32
      %ne3A_189 = arith.cmpi ne, %sign3A_181, %sign3A_188 : i32
      %rem3A_190 = arith.remsi %mul3A_172, %jit3A_173 : i32
      %ne3A_191 = arith.constant 0 : i32
      %ne3A_192 = arith.cmpi ne, %rem3A_190, %ne3A_191 : i32
      %and3A_193 = arith.andi %ne3A_189, %ne3A_192 : i1
      %sub3A_194 = arith.constant 1 : i32
      %sub3A_195 = arith.subi %div3A_174, %sub3A_194 : i32
      %select_n3A_196 = arith.select %and3A_193, %sub3A_195, %div3A_174 : i32
      %jit3A_197 = arith.constant 128 : i32
      %eq3A = arith.constant 0 : i32
      %eq3A_198 = arith.cmpi eq, %jit3A_197, %eq3A : i32
      %jit3A_199 = arith.constant 1 : i32
      %select_n3A_200 = arith.select %eq3A_198, %jit3A_199, %jit3A_197 : i32
      %rem3A_201 = arith.remsi %mul3A_172, %select_n3A_200 : i32
      %ne3A_202 = arith.constant 0 : i32
      %ne3A_203 = arith.cmpi ne, %rem3A_201, %ne3A_202 : i32
      %lt3A = arith.constant 0 : i32
      %lt3A_204 = arith.cmpi slt, %rem3A_201, %lt3A : i32
      %lt3A_205 = arith.constant 0 : i32
      %lt3A_206 = arith.cmpi slt, %select_n3A_200, %lt3A_205 : i32
      %ne3A_207 = arith.xori %lt3A_204, %lt3A_206 : i1
      %and3A_208 = arith.andi %ne3A_207, %ne3A_203 : i1
      %add3A_209 = arith.addi %rem3A_201, %select_n3A_200 : i32
      %select_n3A_210 = arith.select %and3A_208, %add3A_209, %rem3A_201 : i32
      %scan3A_211 = arith.constant 0 : i32
      %scan3A_212 = arith.constant 8 : i32
      %scan3A_213 = arith.addi %scan3A_211, %scan3A_212 : i32
      %scan3A_214 = arith.constant 1 : i32
      %scan3A_215:8 = scf.for %scan3A_265 = %scan3A_211 to %scan3A_213 step %scan3A_214 iter_args(%scan3A_266 = %broadcast_in_dim3A_37, %scan3A_267 = %broadcast_in_dim3A_37, %scan3A_268 = %broadcast_in_dim3A_39, %scan3A_269 = %broadcast_in_dim3A_39, %scan3A_270 = %broadcast_in_dim3A_37, %scan3A_271 = %broadcast_in_dim3A_37, %scan3A_272 = %broadcast_in_dim3A_39, %scan3A_273 = %broadcast_in_dim3A_39) -> (vector<16xf32>, vector<16xf32>, vector<16xi32>, vector<16xi32>, vector<16xf32>, vector<16xf32>, vector<16xi32>, vector<16xi32>)  : i32 {
        %mul3A_274 = arith.constant 8 : i32
        %mul3A_275 = arith.muli %scan3A_265, %mul3A_274 : i32
        %add3A_276 = arith.constant 0 : i32
        %add3A_277 = arith.addi %mul3A_275, %add3A_276 : i32
        %get3A = arith.index_cast %select_n3A_196 : i32 to index
        %get3A_278 = arith.index_cast %add3A_277 : i32 to index
        %get3A_279 = arith.index_cast %select_n3A_210 : i32 to index
        %get3A_280 = tpu.vector_load %arg5[%get3A, %get3A_278, %get3A_279] {strides = array<i32>} : memref<2x64x128xf32, #tpu.memory_space<vmem>>, vector<16xf32>,
        %add3A_281 = arith.constant 1 : i32
        %add3A_282 = arith.addi %mul3A_275, %add3A_281 : i32
        %get3A_283 = arith.index_cast %select_n3A_196 : i32 to index
        %get3A_284 = arith.index_cast %add3A_282 : i32 to index
        %get3A_285 = arith.index_cast %select_n3A_210 : i32 to index
        %get3A_286 = tpu.vector_load %arg5[%get3A_283, %get3A_284, %get3A_285] {strides = array<i32>} : memref<2x64x128xf32, #tpu.memory_space<vmem>>, vector<16xf32>,
        %add3A_287 = arith.constant 2 : i32
        %add3A_288 = arith.addi %mul3A_275, %add3A_287 : i32
        %get3A_289 = arith.index_cast %select_n3A_196 : i32 to index
        %get3A_290 = arith.index_cast %add3A_288 : i32 to index
        %get3A_291 = arith.index_cast %select_n3A_210 : i32 to index
        %get3A_292 = tpu.vector_load %arg5[%get3A_289, %get3A_290, %get3A_291] {strides = array<i32>} : memref<2x64x128xf32, #tpu.memory_space<vmem>>, vector<16xf32>,
        %add3A_293 = arith.constant 3 : i32
        %add3A_294 = arith.addi %mul3A_275, %add3A_293 : i32
        %get3A_295 = arith.index_cast %select_n3A_196 : i32 to index
        %get3A_296 = arith.index_cast %add3A_294 : i32 to index
        %get3A_297 = arith.index_cast %select_n3A_210 : i32 to index
        %get3A_298 = tpu.vector_load %arg5[%get3A_295, %get3A_296, %get3A_297] {strides = array<i32>} : memref<2x64x128xf32, #tpu.memory_space<vmem>>, vector<16xf32>,
        %add3A_299 = arith.constant 4 : i32
        %add3A_300 = arith.addi %mul3A_275, %add3A_299 : i32
        %get3A_301 = arith.index_cast %select_n3A_196 : i32 to index
        %get3A_302 = arith.index_cast %add3A_300 : i32 to index
        %get3A_303 = arith.index_cast %select_n3A_210 : i32 to index
        %get3A_304 = tpu.vector_load %arg5[%get3A_301, %get3A_302, %get3A_303] {strides = array<i32>} : memref<2x64x128xf32, #tpu.memory_space<vmem>>, vector<16xf32>,
        %add3A_305 = arith.constant 5 : i32
        %add3A_306 = arith.addi %mul3A_275, %add3A_305 : i32
        %get3A_307 = arith.index_cast %select_n3A_196 : i32 to index
        %get3A_308 = arith.index_cast %add3A_306 : i32 to index
        %get3A_309 = arith.index_cast %select_n3A_210 : i32 to index
        %get3A_310 = tpu.vector_load %arg5[%get3A_307, %get3A_308, %get3A_309] {strides = array<i32>} : memref<2x64x128xf32, #tpu.memory_space<vmem>>, vector<16xf32>,
        %add3A_311 = arith.constant 6 : i32
        %add3A_312 = arith.addi %mul3A_275, %add3A_311 : i32
        %get3A_313 = arith.index_cast %select_n3A_196 : i32 to index
        %get3A_314 = arith.index_cast %add3A_312 : i32 to index
        %get3A_315 = arith.index_cast %select_n3A_210 : i32 to index
        %get3A_316 = tpu.vector_load %arg5[%get3A_313, %get3A_314, %get3A_315] {strides = array<i32>} : memref<2x64x128xf32, #tpu.memory_space<vmem>>, vector<16xf32>,
        %add3A_317 = arith.constant 7 : i32
        %add3A_318 = arith.addi %mul3A_275, %add3A_317 : i32
        %get3A_319 = arith.index_cast %select_n3A_196 : i32 to index
        %get3A_320 = arith.index_cast %add3A_318 : i32 to index
        %get3A_321 = arith.index_cast %select_n3A_210 : i32 to index
        %get3A_322 = tpu.vector_load %arg5[%get3A_319, %get3A_320, %get3A_321] {strides = array<i32>} : memref<2x64x128xf32, #tpu.memory_space<vmem>>, vector<16xf32>,
        %add3A_323 = arith.constant 0 : i32
        %add3A_324 = arith.addi %mul3A_275, %add3A_323 : i32
        %add3A_325 = arith.constant 16 : i32
        %add3A_326 = arith.addi %select_n3A_210, %add3A_325 : i32
        %get3A_327 = arith.index_cast %select_n3A_196 : i32 to index
        %get3A_328 = arith.index_cast %add3A_324 : i32 to index
        %get3A_329 = arith.index_cast %add3A_326 : i32 to index
        %get3A_330 = tpu.vector_load %arg5[%get3A_327, %get3A_328, %get3A_329] {strides = array<i32>} : memref<2x64x128xf32, #tpu.memory_space<vmem>>, vector<16xf32>,
        %add3A_331 = arith.constant 1 : i32
        %add3A_332 = arith.addi %mul3A_275, %add3A_331 : i32
        %add3A_333 = arith.constant 16 : i32
        %add3A_334 = arith.addi %select_n3A_210, %add3A_333 : i32
        %get3A_335 = arith.index_cast %select_n3A_196 : i32 to index
        %get3A_336 = arith.index_cast %add3A_332 : i32 to index
        %get3A_337 = arith.index_cast %add3A_334 : i32 to index
        %get3A_338 = tpu.vector_load %arg5[%get3A_335, %get3A_336, %get3A_337] {strides = array<i32>} : memref<2x64x128xf32, #tpu.memory_space<vmem>>, vector<16xf32>,
        %add3A_339 = arith.constant 2 : i32
        %add3A_340 = arith.addi %mul3A_275, %add3A_339 : i32
        %add3A_341 = arith.constant 16 : i32
        %add3A_342 = arith.addi %select_n3A_210, %add3A_341 : i32
        %get3A_343 = arith.index_cast %select_n3A_196 : i32 to index
        %get3A_344 = arith.index_cast %add3A_340 : i32 to index
        %get3A_345 = arith.index_cast %add3A_342 : i32 to index
        %get3A_346 = tpu.vector_load %arg5[%get3A_343, %get3A_344, %get3A_345] {strides = array<i32>} : memref<2x64x128xf32, #tpu.memory_space<vmem>>, vector<16xf32>,
        %add3A_347 = arith.constant 3 : i32
        %add3A_348 = arith.addi %mul3A_275, %add3A_347 : i32
        %add3A_349 = arith.constant 16 : i32
        %add3A_350 = arith.addi %select_n3A_210, %add3A_349 : i32
        %get3A_351 = arith.index_cast %select_n3A_196 : i32 to index
        %get3A_352 = arith.index_cast %add3A_348 : i32 to index
        %get3A_353 = arith.index_cast %add3A_350 : i32 to index
        %get3A_354 = tpu.vector_load %arg5[%get3A_351, %get3A_352, %get3A_353] {strides = array<i32>} : memref<2x64x128xf32, #tpu.memory_space<vmem>>, vector<16xf32>,
        %add3A_355 = arith.constant 4 : i32
        %add3A_356 = arith.addi %mul3A_275, %add3A_355 : i32
        %add3A_357 = arith.constant 16 : i32
        %add3A_358 = arith.addi %select_n3A_210, %add3A_357 : i32
        %get3A_359 = arith.index_cast %select_n3A_196 : i32 to index
        %get3A_360 = arith.index_cast %add3A_356 : i32 to index
        %get3A_361 = arith.index_cast %add3A_358 : i32 to index
        %get3A_362 = tpu.vector_load %arg5[%get3A_359, %get3A_360, %get3A_361] {strides = array<i32>} : memref<2x64x128xf32, #tpu.memory_space<vmem>>, vector<16xf32>,
        %add3A_363 = arith.constant 5 : i32
        %add3A_364 = arith.addi %mul3A_275, %add3A_363 : i32
        %add3A_365 = arith.constant 16 : i32
        %add3A_366 = arith.addi %select_n3A_210, %add3A_365 : i32
        %get3A_367 = arith.index_cast %select_n3A_196 : i32 to index
        %get3A_368 = arith.index_cast %add3A_364 : i32 to index
        %get3A_369 = arith.index_cast %add3A_366 : i32 to index
        %get3A_370 = tpu.vector_load %arg5[%get3A_367, %get3A_368, %get3A_369] {strides = array<i32>} : memref<2x64x128xf32, #tpu.memory_space<vmem>>, vector<16xf32>,
        %add3A_371 = arith.constant 6 : i32
        %add3A_372 = arith.addi %mul3A_275, %add3A_371 : i32
        %add3A_373 = arith.constant 16 : i32
        %add3A_374 = arith.addi %select_n3A_210, %add3A_373 : i32
        %get3A_375 = arith.index_cast %select_n3A_196 : i32 to index
        %get3A_376 = arith.index_cast %add3A_372 : i32 to index
        %get3A_377 = arith.index_cast %add3A_374 : i32 to index
        %get3A_378 = tpu.vector_load %arg5[%get3A_375, %get3A_376, %get3A_377] {strides = array<i32>} : memref<2x64x128xf32, #tpu.memory_space<vmem>>, vector<16xf32>,
        %add3A_379 = arith.constant 7 : i32
        %add3A_380 = arith.addi %mul3A_275, %add3A_379 : i32
        %add3A_381 = arith.constant 16 : i32
        %add3A_382 = arith.addi %select_n3A_210, %add3A_381 : i32
        %get3A_383 = arith.index_cast %select_n3A_196 : i32 to index
        %get3A_384 = arith.index_cast %add3A_380 : i32 to index
        %get3A_385 = arith.index_cast %add3A_382 : i32 to index
        %get3A_386 = tpu.vector_load %arg5[%get3A_383, %get3A_384, %get3A_385] {strides = array<i32>} : memref<2x64x128xf32, #tpu.memory_space<vmem>>, vector<16xf32>,
        %broadcast_in_dim3A_387 = arith.constant 1 : i32
        %broadcast_in_dim3A_388 = vector.broadcast %broadcast_in_dim3A_387 : i32 to vector<16xi32>
        %mul3A_389 = vector.broadcast %mul3A_275 : i32 to vector<16xi32>
        %mul3A_390 = arith.muli %broadcast_in_dim3A_388, %mul3A_389 : vector<16xi32>
        %ge3A = arith.cmpf oge, %get3A_280, %get3A_286 : vector<16xf32>
        %select_n3A_391 = arith.select %ge3A, %get3A_280, %get3A_286 : vector<16xi1>, vector<16xf32>
        %select_n3A_392 = arith.select %ge3A, %get3A_286, %get3A_280 : vector<16xi1>, vector<16xf32>
        %select_n3A_393 = arith.select %ge3A, %broadcast_in_dim3A_43, %broadcast_in_dim3A_45 : vector<16xi1>, vector<16xi32>
        %select_n3A_394 = arith.select %ge3A, %broadcast_in_dim3A_45, %broadcast_in_dim3A_43 : vector<16xi1>, vector<16xi32>
        %ge3A_395 = arith.cmpf oge, %get3A_292, %get3A_298 : vector<16xf32>
        %select_n3A_396 = arith.select %ge3A_395, %get3A_292, %get3A_298 : vector<16xi1>, vector<16xf32>
        %select_n3A_397 = arith.select %ge3A_395, %get3A_298, %get3A_292 : vector<16xi1>, vector<16xf32>
        %select_n3A_398 = arith.select %ge3A_395, %broadcast_in_dim3A_47, %broadcast_in_dim3A_49 : vector<16xi1>, vector<16xi32>
        %select_n3A_399 = arith.select %ge3A_395, %broadcast_in_dim3A_49, %broadcast_in_dim3A_47 : vector<16xi1>, vector<16xi32>
        %ge3A_400 = arith.cmpf oge, %get3A_304, %get3A_310 : vector<16xf32>
        %select_n3A_401 = arith.select %ge3A_400, %get3A_304, %get3A_310 : vector<16xi1>, vector<16xf32>
        %select_n3A_402 = arith.select %ge3A_400, %get3A_310, %get3A_304 : vector<16xi1>, vector<16xf32>
        %select_n3A_403 = arith.select %ge3A_400, %broadcast_in_dim3A_51, %broadcast_in_dim3A_53 : vector<16xi1>, vector<16xi32>
        %select_n3A_404 = arith.select %ge3A_400, %broadcast_in_dim3A_53, %broadcast_in_dim3A_51 : vector<16xi1>, vector<16xi32>
        %ge3A_405 = arith.cmpf oge, %get3A_316, %get3A_322 : vector<16xf32>
        %select_n3A_406 = arith.select %ge3A_405, %get3A_316, %get3A_322 : vector<16xi1>, vector<16xf32>
        %select_n3A_407 = arith.select %ge3A_405, %get3A_322, %get3A_316 : vector<16xi1>, vector<16xf32>
        %select_n3A_408 = arith.select %ge3A_405, %broadcast_in_dim3A_55, %broadcast_in_dim3A_57 : vector<16xi1>, vector<16xi32>
        %select_n3A_409 = arith.select %ge3A_405, %broadcast_in_dim3A_57, %broadcast_in_dim3A_55 : vector<16xi1>, vector<16xi32>
        %ge3A_410 = arith.cmpf oge, %select_n3A_391, %select_n3A_396 : vector<16xf32>
        %select_n3A_411 = arith.select %ge3A_410, %select_n3A_391, %select_n3A_396 : vector<16xi1>, vector<16xf32>
        %select_n3A_412 = arith.select %ge3A_410, %select_n3A_393, %select_n3A_398 : vector<16xi1>, vector<16xi32>
        %select_n3A_413 = arith.select %ge3A_410, %select_n3A_396, %select_n3A_391 : vector<16xi1>, vector<16xf32>
        %select_n3A_414 = arith.select %ge3A_410, %select_n3A_398, %select_n3A_393 : vector<16xi1>, vector<16xi32>
        %ge3A_415 = arith.cmpf oge, %select_n3A_392, %select_n3A_397 : vector<16xf32>
        %select_n3A_416 = arith.select %ge3A_415, %select_n3A_392, %select_n3A_397 : vector<16xi1>, vector<16xf32>
        %select_n3A_417 = arith.select %ge3A_415, %select_n3A_394, %select_n3A_399 : vector<16xi1>, vector<16xi32>
        %ge3A_418 = arith.cmpf oge, %select_n3A_413, %select_n3A_416 : vector<16xf32>
        %select_n3A_419 = arith.select %ge3A_418, %select_n3A_413, %select_n3A_416 : vector<16xi1>, vector<16xf32>
        %select_n3A_420 = arith.select %ge3A_418, %select_n3A_414, %select_n3A_417 : vector<16xi1>, vector<16xi32>
        %ge3A_421 = arith.cmpf oge, %select_n3A_401, %select_n3A_406 : vector<16xf32>
        %select_n3A_422 = arith.select %ge3A_421, %select_n3A_401, %select_n3A_406 : vector<16xi1>, vector<16xf32>
        %select_n3A_423 = arith.select %ge3A_421, %select_n3A_403, %select_n3A_408 : vector<16xi1>, vector<16xi32>
        %select_n3A_424 = arith.select %ge3A_421, %select_n3A_406, %select_n3A_401 : vector<16xi1>, vector<16xf32>
        %select_n3A_425 = arith.select %ge3A_421, %select_n3A_408, %select_n3A_403 : vector<16xi1>, vector<16xi32>
        %ge3A_426 = arith.cmpf oge, %select_n3A_402, %select_n3A_407 : vector<16xf32>
        %select_n3A_427 = arith.select %ge3A_426, %select_n3A_402, %select_n3A_407 : vector<16xi1>, vector<16xf32>
        %select_n3A_428 = arith.select %ge3A_426, %select_n3A_404, %select_n3A_409 : vector<16xi1>, vector<16xi32>
        %ge3A_429 = arith.cmpf oge, %select_n3A_424, %select_n3A_427 : vector<16xf32>
        %select_n3A_430 = arith.select %ge3A_429, %select_n3A_424, %select_n3A_427 : vector<16xi1>, vector<16xf32>
        %select_n3A_431 = arith.select %ge3A_429, %select_n3A_425, %select_n3A_428 : vector<16xi1>, vector<16xi32>
        %ge3A_432 = arith.cmpf oge, %select_n3A_411, %select_n3A_422 : vector<16xf32>
        %select_n3A_433 = arith.select %ge3A_432, %select_n3A_411, %select_n3A_422 : vector<16xi1>, vector<16xf32>
        %select_n3A_434 = arith.select %ge3A_432, %select_n3A_412, %select_n3A_423 : vector<16xi1>, vector<16xi32>
        %select_n3A_435 = arith.select %ge3A_432, %select_n3A_422, %select_n3A_411 : vector<16xi1>, vector<16xf32>
        %select_n3A_436 = arith.select %ge3A_432, %select_n3A_423, %select_n3A_412 : vector<16xi1>, vector<16xi32>
        %ge3A_437 = arith.cmpf oge, %select_n3A_419, %select_n3A_430 : vector<16xf32>
        %select_n3A_438 = arith.select %ge3A_437, %select_n3A_419, %select_n3A_430 : vector<16xi1>, vector<16xf32>
        %select_n3A_439 = arith.select %ge3A_437, %select_n3A_420, %select_n3A_431 : vector<16xi1>, vector<16xi32>
        %ge3A_440 = arith.cmpf oge, %select_n3A_435, %select_n3A_438 : vector<16xf32>
        %select_n3A_441 = arith.select %ge3A_440, %select_n3A_435, %select_n3A_438 : vector<16xi1>, vector<16xf32>
        %select_n3A_442 = arith.select %ge3A_440, %select_n3A_436, %select_n3A_439 : vector<16xi1>, vector<16xi32>
        %ge3A_443 = arith.cmpf oge, %get3A_330, %get3A_338 : vector<16xf32>
        %select_n3A_444 = arith.select %ge3A_443, %get3A_330, %get3A_338 : vector<16xi1>, vector<16xf32>
        %select_n3A_445 = arith.select %ge3A_443, %get3A_338, %get3A_330 : vector<16xi1>, vector<16xf32>
        %select_n3A_446 = arith.select %ge3A_443, %broadcast_in_dim3A_43, %broadcast_in_dim3A_45 : vector<16xi1>, vector<16xi32>
        %select_n3A_447 = arith.select %ge3A_443, %broadcast_in_dim3A_45, %broadcast_in_dim3A_43 : vector<16xi1>, vector<16xi32>
        %ge3A_448 = arith.cmpf oge, %get3A_346, %get3A_354 : vector<16xf32>
        %select_n3A_449 = arith.select %ge3A_448, %get3A_346, %get3A_354 : vector<16xi1>, vector<16xf32>
        %select_n3A_450 = arith.select %ge3A_448, %get3A_354, %get3A_346 : vector<16xi1>, vector<16xf32>
        %select_n3A_451 = arith.select %ge3A_448, %broadcast_in_dim3A_47, %broadcast_in_dim3A_49 : vector<16xi1>, vector<16xi32>
        %select_n3A_452 = arith.select %ge3A_448, %broadcast_in_dim3A_49, %broadcast_in_dim3A_47 : vector<16xi1>, vector<16xi32>
        %ge3A_453 = arith.cmpf oge, %get3A_362, %get3A_370 : vector<16xf32>
        %select_n3A_454 = arith.select %ge3A_453, %get3A_362, %get3A_370 : vector<16xi1>, vector<16xf32>
        %select_n3A_455 = arith.select %ge3A_453, %get3A_370, %get3A_362 : vector<16xi1>, vector<16xf32>
        %select_n3A_456 = arith.select %ge3A_453, %broadcast_in_dim3A_51, %broadcast_in_dim3A_53 : vector<16xi1>, vector<16xi32>
        %select_n3A_457 = arith.select %ge3A_453, %broadcast_in_dim3A_53, %broadcast_in_dim3A_51 : vector<16xi1>, vector<16xi32>
        %ge3A_458 = arith.cmpf oge, %get3A_378, %get3A_386 : vector<16xf32>
        %select_n3A_459 = arith.select %ge3A_458, %get3A_378, %get3A_386 : vector<16xi1>, vector<16xf32>
        %select_n3A_460 = arith.select %ge3A_458, %get3A_386, %get3A_378 : vector<16xi1>, vector<16xf32>
        %select_n3A_461 = arith.select %ge3A_458, %broadcast_in_dim3A_55, %broadcast_in_dim3A_57 : vector<16xi1>, vector<16xi32>
        %select_n3A_462 = arith.select %ge3A_458, %broadcast_in_dim3A_57, %broadcast_in_dim3A_55 : vector<16xi1>, vector<16xi32>
        %ge3A_463 = arith.cmpf oge, %select_n3A_444, %select_n3A_449 : vector<16xf32>
        %select_n3A_464 = arith.select %ge3A_463, %select_n3A_444, %select_n3A_449 : vector<16xi1>, vector<16xf32>
        %select_n3A_465 = arith.select %ge3A_463, %select_n3A_446, %select_n3A_451 : vector<16xi1>, vector<16xi32>
        %select_n3A_466 = arith.select %ge3A_463, %select_n3A_449, %select_n3A_444 : vector<16xi1>, vector<16xf32>
        %select_n3A_467 = arith.select %ge3A_463, %select_n3A_451, %select_n3A_446 : vector<16xi1>, vector<16xi32>
        %ge3A_468 = arith.cmpf oge, %select_n3A_445, %select_n3A_450 : vector<16xf32>
        %select_n3A_469 = arith.select %ge3A_468, %select_n3A_445, %select_n3A_450 : vector<16xi1>, vector<16xf32>
        %select_n3A_470 = arith.select %ge3A_468, %select_n3A_447, %select_n3A_452 : vector<16xi1>, vector<16xi32>
        %ge3A_471 = arith.cmpf oge, %select_n3A_466, %select_n3A_469 : vector<16xf32>
        %select_n3A_472 = arith.select %ge3A_471, %select_n3A_466, %select_n3A_469 : vector<16xi1>, vector<16xf32>
        %select_n3A_473 = arith.select %ge3A_471, %select_n3A_467, %select_n3A_470 : vector<16xi1>, vector<16xi32>
        %ge3A_474 = arith.cmpf oge, %select_n3A_454, %select_n3A_459 : vector<16xf32>
        %select_n3A_475 = arith.select %ge3A_474, %select_n3A_454, %select_n3A_459 : vector<16xi1>, vector<16xf32>
        %select_n3A_476 = arith.select %ge3A_474, %select_n3A_456, %select_n3A_461 : vector<16xi1>, vector<16xi32>
        %select_n3A_477 = arith.select %ge3A_474, %select_n3A_459, %select_n3A_454 : vector<16xi1>, vector<16xf32>
        %select_n3A_478 = arith.select %ge3A_474, %select_n3A_461, %select_n3A_456 : vector<16xi1>, vector<16xi32>
        %ge3A_479 = arith.cmpf oge, %select_n3A_455, %select_n3A_460 : vector<16xf32>
        %select_n3A_480 = arith.select %ge3A_479, %select_n3A_455, %select_n3A_460 : vector<16xi1>, vector<16xf32>
        %select_n3A_481 = arith.select %ge3A_479, %select_n3A_457, %select_n3A_462 : vector<16xi1>, vector<16xi32>
        %ge3A_482 = arith.cmpf oge, %select_n3A_477, %select_n3A_480 : vector<16xf32>
        %select_n3A_483 = arith.select %ge3A_482, %select_n3A_477, %select_n3A_480 : vector<16xi1>, vector<16xf32>
        %select_n3A_484 = arith.select %ge3A_482, %select_n3A_478, %select_n3A_481 : vector<16xi1>, vector<16xi32>
        %ge3A_485 = arith.cmpf oge, %select_n3A_464, %select_n3A_475 : vector<16xf32>
        %select_n3A_486 = arith.select %ge3A_485, %select_n3A_464, %select_n3A_475 : vector<16xi1>, vector<16xf32>
        %select_n3A_487 = arith.select %ge3A_485, %select_n3A_465, %select_n3A_476 : vector<16xi1>, vector<16xi32>
        %select_n3A_488 = arith.select %ge3A_485, %select_n3A_475, %select_n3A_464 : vector<16xi1>, vector<16xf32>
        %select_n3A_489 = arith.select %ge3A_485, %select_n3A_476, %select_n3A_465 : vector<16xi1>, vector<16xi32>
        %ge3A_490 = arith.cmpf oge, %select_n3A_472, %select_n3A_483 : vector<16xf32>
        %select_n3A_491 = arith.select %ge3A_490, %select_n3A_472, %select_n3A_483 : vector<16xi1>, vector<16xf32>
        %select_n3A_492 = arith.select %ge3A_490, %select_n3A_473, %select_n3A_484 : vector<16xi1>, vector<16xi32>
        %ge3A_493 = arith.cmpf oge, %select_n3A_488, %select_n3A_491 : vector<16xf32>
        %select_n3A_494 = arith.select %ge3A_493, %select_n3A_488, %select_n3A_491 : vector<16xi1>, vector<16xf32>
        %select_n3A_495 = arith.select %ge3A_493, %select_n3A_489, %select_n3A_492 : vector<16xi1>, vector<16xi32>
        %add3A_496 = arith.addi %select_n3A_434, %mul3A_390 : vector<16xi32>
        %add3A_497 = arith.addi %select_n3A_442, %mul3A_390 : vector<16xi32>
        %ge3A_498 = arith.cmpf oge, %scan3A_266, %select_n3A_433 : vector<16xf32>
        %select_n3A_499 = arith.select %ge3A_498, %scan3A_266, %select_n3A_433 : vector<16xi1>, vector<16xf32>
        %select_n3A_500 = arith.select %ge3A_498, %scan3A_268, %add3A_496 : vector<16xi1>, vector<16xi32>
        %select_n3A_501 = arith.select %ge3A_498, %select_n3A_433, %scan3A_266 : vector<16xi1>, vector<16xf32>
        %select_n3A_502 = arith.select %ge3A_498, %add3A_496, %scan3A_268 : vector<16xi1>, vector<16xi32>
        %ge3A_503 = arith.cmpf oge, %scan3A_267, %select_n3A_441 : vector<16xf32>
        %select_n3A_504 = arith.select %ge3A_503, %scan3A_267, %select_n3A_441 : vector<16xi1>, vector<16xf32>
        %select_n3A_505 = arith.select %ge3A_503, %scan3A_269, %add3A_497 : vector<16xi1>, vector<16xi32>
        %ge3A_506 = arith.cmpf oge, %select_n3A_501, %select_n3A_504 : vector<16xf32>
        %select_n3A_507 = arith.select %ge3A_506, %select_n3A_501, %select_n3A_504 : vector<16xi1>, vector<16xf32>
        %select_n3A_508 = arith.select %ge3A_506, %select_n3A_502, %select_n3A_505 : vector<16xi1>, vector<16xi32>
        %add3A_509 = arith.addi %select_n3A_487, %mul3A_390 : vector<16xi32>
        %add3A_510 = arith.addi %select_n3A_495, %mul3A_390 : vector<16xi32>
        %ge3A_511 = arith.cmpf oge, %scan3A_270, %select_n3A_486 : vector<16xf32>
        %select_n3A_512 = arith.select %ge3A_511, %scan3A_270, %select_n3A_486 : vector<16xi1>, vector<16xf32>
        %select_n3A_513 = arith.select %ge3A_511, %scan3A_272, %add3A_509 : vector<16xi1>, vector<16xi32>
        %select_n3A_514 = arith.select %ge3A_511, %select_n3A_486, %scan3A_270 : vector<16xi1>, vector<16xf32>
        %select_n3A_515 = arith.select %ge3A_511, %add3A_509, %scan3A_272 : vector<16xi1>, vector<16xi32>
        %ge3A_516 = arith.cmpf oge, %scan3A_271, %select_n3A_494 : vector<16xf32>
        %select_n3A_517 = arith.select %ge3A_516, %scan3A_271, %select_n3A_494 : vector<16xi1>, vector<16xf32>
        %select_n3A_518 = arith.select %ge3A_516, %scan3A_273, %add3A_510 : vector<16xi1>, vector<16xi32>
        %ge3A_519 = arith.cmpf oge, %select_n3A_514, %select_n3A_517 : vector<16xf32>
        %select_n3A_520 = arith.select %ge3A_519, %select_n3A_514, %select_n3A_517 : vector<16xi1>, vector<16xf32>
        %select_n3A_521 = arith.select %ge3A_519, %select_n3A_515, %select_n3A_518 : vector<16xi1>, vector<16xi32>
        scf.yield %select_n3A_499, %select_n3A_507, %select_n3A_500, %select_n3A_508, %select_n3A_512, %select_n3A_520, %select_n3A_513, %select_n3A_521 : vector<16xf32>, vector<16xf32>, vector<16xi32>, vector<16xi32>, vector<16xf32>, vector<16xf32>, vector<16xi32>, vector<16xi32>
      }
      %scan3A_216 = arith.constant 8 : i32
      %mul3A_217 = arith.constant 64 : i32
      %mul3A_218 = arith.muli %mul3A_172, %mul3A_217 : i32
      %add3A_219 = vector.broadcast %mul3A_218 : i32 to vector<16xi32>
      %add3A_220 = arith.addi %add3A_219, %mul3A_36 : vector<16xi32>
      %add3A_221 = arith.constant 1024 : i32
      %add3A_222 = vector.broadcast %add3A_221 : i32 to vector<16xi32>
      %add3A_223 = arith.addi %add3A_220, %add3A_222 : vector<16xi32>
      %mul3A_224 = arith.constant 32 : i32
      %mul3A_225 = arith.muli %scan3A_169, %mul3A_224 : i32
      %add3A_226 = arith.constant 256 : i32
      %add3A_227 = arith.addi %add3A_226, %mul3A_225 : i32
      %sub3A_228 = arith.subf %scan3A_215#1, %scan3A_215#0 : vector<16xf32>
      %exp3A = math.exp %sub3A_228 : vector<16xf32>
      %add3A_229 = arith.constant 1.000000e+00 : f32
      %add3A_230 = vector.broadcast %add3A_229 : f32 to vector<16xf32>
      %add3A_231 = arith.addf %add3A_230, %exp3A : vector<16xf32>
      %div3A_232 = arith.constant 1.000000e+00 : f32
      %div3A_233 = vector.broadcast %div3A_232 : f32 to vector<16xf32>
      %div3A_234 = arith.divf %div3A_233, %add3A_231 : vector<16xf32>
      %mul3A_235 = arith.mulf %exp3A, %div3A_234 : vector<16xf32>
      %add3A_236 = arith.addi %add3A_220, %scan3A_215#2 : vector<16xi32>
      %add3A_237 = arith.addi %add3A_220, %scan3A_215#3 : vector<16xi32>
      tpu.vector_store_idx %arg7[%add3A_236], %div3A_234 : memref<16384xf32, #tpu.memory_space<vmem>>[vector<16xi32>], vector<16xf32>,
      tpu.vector_store_idx %arg7[%add3A_237], %mul3A_235 : memref<16384xf32, #tpu.memory_space<vmem>>[vector<16xi32>], vector<16xf32>,
      %add3A_238 = arith.constant 0 : i32
      %add3A_239 = arith.addi %add3A_227, %add3A_238 : i32
      %swap3A = arith.index_cast %add3A_239 : i32 to index
      %swap3A_240 = tpu.vector_load %arg8[%swap3A] {strides = array<i32>} : memref<512xi32, #tpu.memory_space<vmem>>, vector<16xi32>,
      tpu.vector_store %arg8[%swap3A], %add3A_236 {strides = array<i32>} : memref<512xi32, #tpu.memory_space<vmem>>, vector<16xi32>,
      %add3A_241 = arith.constant 0 : i32
      %add3A_242 = arith.addi %add3A_227, %add3A_241 : i32
      %swap3A_243 = arith.index_cast %add3A_242 : i32 to index
      %swap3A_244 = tpu.vector_load %arg9[%swap3A_243] {strides = array<i32>} : memref<512xi32, #tpu.memory_space<vmem>>, vector<16xi32>,
      tpu.vector_store %arg9[%swap3A_243], %add3A_237 {strides = array<i32>} : memref<512xi32, #tpu.memory_space<vmem>>, vector<16xi32>,
      %sub3A_245 = arith.subf %scan3A_215#5, %scan3A_215#4 : vector<16xf32>
      %exp3A_246 = math.exp %sub3A_245 : vector<16xf32>
      %add3A_247 = arith.constant 1.000000e+00 : f32
      %add3A_248 = vector.broadcast %add3A_247 : f32 to vector<16xf32>
      %add3A_249 = arith.addf %add3A_248, %exp3A_246 : vector<16xf32>
      %div3A_250 = arith.constant 1.000000e+00 : f32
      %div3A_251 = vector.broadcast %div3A_250 : f32 to vector<16xf32>
      %div3A_252 = arith.divf %div3A_251, %add3A_249 : vector<16xf32>
      %mul3A_253 = arith.mulf %exp3A_246, %div3A_252 : vector<16xf32>
      %add3A_254 = arith.addi %add3A_223, %scan3A_215#6 : vector<16xi32>
      %add3A_255 = arith.addi %add3A_223, %scan3A_215#7 : vector<16xi32>
      tpu.vector_store_idx %arg7[%add3A_254], %div3A_252 : memref<16384xf32, #tpu.memory_space<vmem>>[vector<16xi32>], vector<16xf32>,
      tpu.vector_store_idx %arg7[%add3A_255], %mul3A_253 : memref<16384xf32, #tpu.memory_space<vmem>>[vector<16xi32>], vector<16xf32>,
      %add3A_256 = arith.constant 16 : i32
      %add3A_257 = arith.addi %add3A_227, %add3A_256 : i32
      %swap3A_258 = arith.index_cast %add3A_257 : i32 to index
      %swap3A_259 = tpu.vector_load %arg8[%swap3A_258] {strides = array<i32>} : memref<512xi32, #tpu.memory_space<vmem>>, vector<16xi32>,
      tpu.vector_store %arg8[%swap3A_258], %add3A_254 {strides = array<i32>} : memref<512xi32, #tpu.memory_space<vmem>>, vector<16xi32>,
      %add3A_260 = arith.constant 16 : i32
      %add3A_261 = arith.addi %add3A_227, %add3A_260 : i32
      %swap3A_262 = arith.index_cast %add3A_261 : i32 to index
      %swap3A_263 = tpu.vector_load %arg9[%swap3A_262] {strides = array<i32>} : memref<512xi32, #tpu.memory_space<vmem>>, vector<16xi32>,
      tpu.vector_store %arg9[%swap3A_262], %add3A_255 {strides = array<i32>} : memref<512xi32, #tpu.memory_space<vmem>>, vector<16xi32>,
      %scan3A_264 = arith.constant 0 : i32
      scf.yield %scan3A_264 : i32
    }
    %scan3A_160 = arith.constant 8 : i32
    %add3A_161 = arith.constant 49152 : i32
    %add3A_162 = arith.addi %mul3A_4, %add3A_161 : i32
    %dma_start3A_163 = tpu.memref_slice %arg3[%add3A_162] : memref<2097152xf32, #tpu.memory_space<hbm>> -> memref<16384xf32, #tpu.memory_space<hbm>>
    %dma_start3A_164 = tpu.memref_slice %arg3[%add3A_162] : memref<2097152xf32, #tpu.memory_space<hbm>> -> memref<16384xf32, #tpu.memory_space<hbm>>
    tpu.enqueue_dma source(%arg7 : memref<16384xf32, #tpu.memory_space<vmem>>) target(%dma_start3A_164 : memref<16384xf32, #tpu.memory_space<hbm>>) target_semaphore(%arg13 : memref<!tpu.dma_semaphore, #tpu.memory_space<semaphore_mem>>)
    %dma_wait3A_165 = tpu.memref_slice %arg3[%add3A_136] : memref<2097152xf32, #tpu.memory_space<hbm>> -> memref<16384xf32, #tpu.memory_space<hbm>>
    %dma_wait3A_166 = tpu.memref_slice %arg3[%add3A_136] : memref<2097152xf32, #tpu.memory_space<hbm>> -> memref<16384xf32, #tpu.memory_space<hbm>>
    tpu.wait_dma2 semaphore(%arg12 : memref<!tpu.dma_semaphore, #tpu.memory_space<semaphore_mem>>) src(%arg6 : memref<16384xf32, #tpu.memory_space<vmem>>) dst(%dma_wait3A_166 : memref<16384xf32, #tpu.memory_space<hbm>>)
    %dma_wait3A_167 = tpu.memref_slice %arg3[%add3A_162] : memref<2097152xf32, #tpu.memory_space<hbm>> -> memref<16384xf32, #tpu.memory_space<hbm>>
    %dma_wait3A_168 = tpu.memref_slice %arg3[%add3A_162] : memref<2097152xf32, #tpu.memory_space<hbm>> -> memref<16384xf32, #tpu.memory_space<hbm>>
    tpu.wait_dma2 semaphore(%arg13 : memref<!tpu.dma_semaphore, #tpu.memory_space<semaphore_mem>>) src(%arg7 : memref<16384xf32, #tpu.memory_space<vmem>>) dst(%dma_wait3A_168 : memref<16384xf32, #tpu.memory_space<hbm>>)
    return
  }
}

module attributes {stable_mosaic.version = 14 : i64} {
  func.func @_mmT_body(%arg0: i32, %arg1: memref<4096x768xf32, #tpu.memory_space<vmem>>, %arg2: memref<64x768xf32, #tpu.memory_space<vmem>>, %arg3: memref<64x1xf32, #tpu.memory_space<vmem>>, %arg4: memref<32x64x128xf32, #tpu.memory_space<vmem>>) attributes {dimension_semantics = [#tpu.dimension_semantics<arbitrary>], iteration_bounds = array<i64: 8>, scalar_prefetch = 0 : i64, scratch_operands = 0 : i64, tpu.core_type = #tpu.core_type<tc>, window_params = [{transform_indices = @transform_0, window_bounds = array<i64: 4096, 768>}, {pipeline_mode = #tpu.pipeline_mode<synchronous>, transform_indices = @transform_1, window_bounds = array<i64: 64, 768>}, {pipeline_mode = #tpu.pipeline_mode<synchronous>, transform_indices = @transform_2, window_bounds = array<i64: 64, 1>}, {transform_indices = @transform_3, window_bounds = array<i64: 32, 64, 128>}]} {
    %get3A = arith.constant 0 : index
    %get3A_0 = arith.constant 0 : index
    %get3A_1 = vector.load %arg1[%get3A, %get3A_0] : memref<4096x768xf32, #tpu.memory_space<vmem>>, vector<128x768xf32>
    %get3A_2 = arith.constant 0 : index
    %get3A_3 = arith.constant 0 : index
    %get3A_4 = vector.load %arg2[%get3A_2, %get3A_3] : memref<64x768xf32, #tpu.memory_space<vmem>>, vector<64x768xf32>
    %dot_general3A = arith.constant dense<0.000000e+00> : vector<64x128xf32>
    %dot_general3A_5 = tpu.matmul %get3A_4, %get3A_1, %dot_general3A {dimension_numbers = #tpu.dot_dimension_numbers<[1], [1], [0], [0], [0, 0, 1, 0], [], []>, transpose_lhs_hint = false} : vector<64x768xf32>, vector<128x768xf32>, vector<64x128xf32> -> vector<64x128xf32>
    %get3A_6 = arith.constant 0 : index
    %get3A_7 = arith.constant 0 : index
    %get3A_8 = vector.load %arg3[%get3A_6, %get3A_7] : memref<64x1xf32, #tpu.memory_space<vmem>>, vector<64x1xf32>
    %add3A = vector.broadcast %get3A_8 : vector<64x1xf32> to vector<64x128xf32>
    %add3A_9 = arith.addf %dot_general3A_5, %add3A : vector<64x128xf32>
    %swap3A = arith.constant 0 : index
    %swap3A_10 = arith.constant 0 : index
    %swap3A_11 = arith.constant 0 : index
    %swap3A_12 = vector.load %arg4[%swap3A, %swap3A_10, %swap3A_11] : memref<32x64x128xf32, #tpu.memory_space<vmem>>, vector<1x64x128xf32>
    %swap3A_13 = vector.shape_cast %swap3A_12 : vector<1x64x128xf32> to vector<64x128xf32>
    %swap3A_14 = vector.shape_cast %add3A_9 : vector<64x128xf32> to vector<1x64x128xf32>
    tpu.vector_store %arg4[%swap3A, %swap3A_10, %swap3A_11], %swap3A_14 {strides = array<i32>} : memref<32x64x128xf32, #tpu.memory_space<vmem>>, vector<1x64x128xf32>,
    %get3A_15 = arith.constant 128 : index
    %get3A_16 = arith.constant 0 : index
    %get3A_17 = vector.load %arg1[%get3A_15, %get3A_16] : memref<4096x768xf32, #tpu.memory_space<vmem>>, vector<128x768xf32>
    %get3A_18 = arith.constant 0 : index
    %get3A_19 = arith.constant 0 : index
    %get3A_20 = vector.load %arg2[%get3A_18, %get3A_19] : memref<64x768xf32, #tpu.memory_space<vmem>>, vector<64x768xf32>
    %dot_general3A_21 = arith.constant dense<0.000000e+00> : vector<64x128xf32>
    %dot_general3A_22 = tpu.matmul %get3A_20, %get3A_17, %dot_general3A_21 {dimension_numbers = #tpu.dot_dimension_numbers<[1], [1], [0], [0], [0, 0, 1, 0], [], []>, transpose_lhs_hint = false} : vector<64x768xf32>, vector<128x768xf32>, vector<64x128xf32> -> vector<64x128xf32>
    %get3A_23 = arith.constant 0 : index
    %get3A_24 = arith.constant 0 : index
    %get3A_25 = vector.load %arg3[%get3A_23, %get3A_24] : memref<64x1xf32, #tpu.memory_space<vmem>>, vector<64x1xf32>
    %add3A_26 = vector.broadcast %get3A_25 : vector<64x1xf32> to vector<64x128xf32>
    %add3A_27 = arith.addf %dot_general3A_22, %add3A_26 : vector<64x128xf32>
    %swap3A_28 = arith.constant 1 : index
    %swap3A_29 = arith.constant 0 : index
    %swap3A_30 = arith.constant 0 : index
    %swap3A_31 = vector.load %arg4[%swap3A_28, %swap3A_29, %swap3A_30] : memref<32x64x128xf32, #tpu.memory_space<vmem>>, vector<1x64x128xf32>
    %swap3A_32 = vector.shape_cast %swap3A_31 : vector<1x64x128xf32> to vector<64x128xf32>
    %swap3A_33 = vector.shape_cast %add3A_27 : vector<64x128xf32> to vector<1x64x128xf32>
    tpu.vector_store %arg4[%swap3A_28, %swap3A_29, %swap3A_30], %swap3A_33 {strides = array<i32>} : memref<32x64x128xf32, #tpu.memory_space<vmem>>, vector<1x64x128xf32>,
    %get3A_34 = arith.constant 256 : index
    %get3A_35 = arith.constant 0 : index
    %get3A_36 = vector.load %arg1[%get3A_34, %get3A_35] : memref<4096x768xf32, #tpu.memory_space<vmem>>, vector<128x768xf32>
    %get3A_37 = arith.constant 0 : index
    %get3A_38 = arith.constant 0 : index
    %get3A_39 = vector.load %arg2[%get3A_37, %get3A_38] : memref<64x768xf32, #tpu.memory_space<vmem>>, vector<64x768xf32>
    %dot_general3A_40 = arith.constant dense<0.000000e+00> : vector<64x128xf32>
    %dot_general3A_41 = tpu.matmul %get3A_39, %get3A_36, %dot_general3A_40 {dimension_numbers = #tpu.dot_dimension_numbers<[1], [1], [0], [0], [0, 0, 1, 0], [], []>, transpose_lhs_hint = false} : vector<64x768xf32>, vector<128x768xf32>, vector<64x128xf32> -> vector<64x128xf32>
    %get3A_42 = arith.constant 0 : index
    %get3A_43 = arith.constant 0 : index
    %get3A_44 = vector.load %arg3[%get3A_42, %get3A_43] : memref<64x1xf32, #tpu.memory_space<vmem>>, vector<64x1xf32>
    %add3A_45 = vector.broadcast %get3A_44 : vector<64x1xf32> to vector<64x128xf32>
    %add3A_46 = arith.addf %dot_general3A_41, %add3A_45 : vector<64x128xf32>
    %swap3A_47 = arith.constant 2 : index
    %swap3A_48 = arith.constant 0 : index
    %swap3A_49 = arith.constant 0 : index
    %swap3A_50 = vector.load %arg4[%swap3A_47, %swap3A_48, %swap3A_49] : memref<32x64x128xf32, #tpu.memory_space<vmem>>, vector<1x64x128xf32>
    %swap3A_51 = vector.shape_cast %swap3A_50 : vector<1x64x128xf32> to vector<64x128xf32>
    %swap3A_52 = vector.shape_cast %add3A_46 : vector<64x128xf32> to vector<1x64x128xf32>
    tpu.vector_store %arg4[%swap3A_47, %swap3A_48, %swap3A_49], %swap3A_52 {strides = array<i32>} : memref<32x64x128xf32, #tpu.memory_space<vmem>>, vector<1x64x128xf32>,
    %get3A_53 = arith.constant 384 : index
    %get3A_54 = arith.constant 0 : index
    %get3A_55 = vector.load %arg1[%get3A_53, %get3A_54] : memref<4096x768xf32, #tpu.memory_space<vmem>>, vector<128x768xf32>
    %get3A_56 = arith.constant 0 : index
    %get3A_57 = arith.constant 0 : index
    %get3A_58 = vector.load %arg2[%get3A_56, %get3A_57] : memref<64x768xf32, #tpu.memory_space<vmem>>, vector<64x768xf32>
    %dot_general3A_59 = arith.constant dense<0.000000e+00> : vector<64x128xf32>
    %dot_general3A_60 = tpu.matmul %get3A_58, %get3A_55, %dot_general3A_59 {dimension_numbers = #tpu.dot_dimension_numbers<[1], [1], [0], [0], [0, 0, 1, 0], [], []>, transpose_lhs_hint = false} : vector<64x768xf32>, vector<128x768xf32>, vector<64x128xf32> -> vector<64x128xf32>
    %get3A_61 = arith.constant 0 : index
    %get3A_62 = arith.constant 0 : index
    %get3A_63 = vector.load %arg3[%get3A_61, %get3A_62] : memref<64x1xf32, #tpu.memory_space<vmem>>, vector<64x1xf32>
    %add3A_64 = vector.broadcast %get3A_63 : vector<64x1xf32> to vector<64x128xf32>
    %add3A_65 = arith.addf %dot_general3A_60, %add3A_64 : vector<64x128xf32>
    %swap3A_66 = arith.constant 3 : index
    %swap3A_67 = arith.constant 0 : index
    %swap3A_68 = arith.constant 0 : index
    %swap3A_69 = vector.load %arg4[%swap3A_66, %swap3A_67, %swap3A_68] : memref<32x64x128xf32, #tpu.memory_space<vmem>>, vector<1x64x128xf32>
    %swap3A_70 = vector.shape_cast %swap3A_69 : vector<1x64x128xf32> to vector<64x128xf32>
    %swap3A_71 = vector.shape_cast %add3A_65 : vector<64x128xf32> to vector<1x64x128xf32>
    tpu.vector_store %arg4[%swap3A_66, %swap3A_67, %swap3A_68], %swap3A_71 {strides = array<i32>} : memref<32x64x128xf32, #tpu.memory_space<vmem>>, vector<1x64x128xf32>,
    %get3A_72 = arith.constant 512 : index
    %get3A_73 = arith.constant 0 : index
    %get3A_74 = vector.load %arg1[%get3A_72, %get3A_73] : memref<4096x768xf32, #tpu.memory_space<vmem>>, vector<128x768xf32>
    %get3A_75 = arith.constant 0 : index
    %get3A_76 = arith.constant 0 : index
    %get3A_77 = vector.load %arg2[%get3A_75, %get3A_76] : memref<64x768xf32, #tpu.memory_space<vmem>>, vector<64x768xf32>
    %dot_general3A_78 = arith.constant dense<0.000000e+00> : vector<64x128xf32>
    %dot_general3A_79 = tpu.matmul %get3A_77, %get3A_74, %dot_general3A_78 {dimension_numbers = #tpu.dot_dimension_numbers<[1], [1], [0], [0], [0, 0, 1, 0], [], []>, transpose_lhs_hint = false} : vector<64x768xf32>, vector<128x768xf32>, vector<64x128xf32> -> vector<64x128xf32>
    %get3A_80 = arith.constant 0 : index
    %get3A_81 = arith.constant 0 : index
    %get3A_82 = vector.load %arg3[%get3A_80, %get3A_81] : memref<64x1xf32, #tpu.memory_space<vmem>>, vector<64x1xf32>
    %add3A_83 = vector.broadcast %get3A_82 : vector<64x1xf32> to vector<64x128xf32>
    %add3A_84 = arith.addf %dot_general3A_79, %add3A_83 : vector<64x128xf32>
    %swap3A_85 = arith.constant 4 : index
    %swap3A_86 = arith.constant 0 : index
    %swap3A_87 = arith.constant 0 : index
    %swap3A_88 = vector.load %arg4[%swap3A_85, %swap3A_86, %swap3A_87] : memref<32x64x128xf32, #tpu.memory_space<vmem>>, vector<1x64x128xf32>
    %swap3A_89 = vector.shape_cast %swap3A_88 : vector<1x64x128xf32> to vector<64x128xf32>
    %swap3A_90 = vector.shape_cast %add3A_84 : vector<64x128xf32> to vector<1x64x128xf32>
    tpu.vector_store %arg4[%swap3A_85, %swap3A_86, %swap3A_87], %swap3A_90 {strides = array<i32>} : memref<32x64x128xf32, #tpu.memory_space<vmem>>, vector<1x64x128xf32>,
    %get3A_91 = arith.constant 640 : index
    %get3A_92 = arith.constant 0 : index
    %get3A_93 = vector.load %arg1[%get3A_91, %get3A_92] : memref<4096x768xf32, #tpu.memory_space<vmem>>, vector<128x768xf32>
    %get3A_94 = arith.constant 0 : index
    %get3A_95 = arith.constant 0 : index
    %get3A_96 = vector.load %arg2[%get3A_94, %get3A_95] : memref<64x768xf32, #tpu.memory_space<vmem>>, vector<64x768xf32>
    %dot_general3A_97 = arith.constant dense<0.000000e+00> : vector<64x128xf32>
    %dot_general3A_98 = tpu.matmul %get3A_96, %get3A_93, %dot_general3A_97 {dimension_numbers = #tpu.dot_dimension_numbers<[1], [1], [0], [0], [0, 0, 1, 0], [], []>, transpose_lhs_hint = false} : vector<64x768xf32>, vector<128x768xf32>, vector<64x128xf32> -> vector<64x128xf32>
    %get3A_99 = arith.constant 0 : index
    %get3A_100 = arith.constant 0 : index
    %get3A_101 = vector.load %arg3[%get3A_99, %get3A_100] : memref<64x1xf32, #tpu.memory_space<vmem>>, vector<64x1xf32>
    %add3A_102 = vector.broadcast %get3A_101 : vector<64x1xf32> to vector<64x128xf32>
    %add3A_103 = arith.addf %dot_general3A_98, %add3A_102 : vector<64x128xf32>
    %swap3A_104 = arith.constant 5 : index
    %swap3A_105 = arith.constant 0 : index
    %swap3A_106 = arith.constant 0 : index
    %swap3A_107 = vector.load %arg4[%swap3A_104, %swap3A_105, %swap3A_106] : memref<32x64x128xf32, #tpu.memory_space<vmem>>, vector<1x64x128xf32>
    %swap3A_108 = vector.shape_cast %swap3A_107 : vector<1x64x128xf32> to vector<64x128xf32>
    %swap3A_109 = vector.shape_cast %add3A_103 : vector<64x128xf32> to vector<1x64x128xf32>
    tpu.vector_store %arg4[%swap3A_104, %swap3A_105, %swap3A_106], %swap3A_109 {strides = array<i32>} : memref<32x64x128xf32, #tpu.memory_space<vmem>>, vector<1x64x128xf32>,
    %get3A_110 = arith.constant 768 : index
    %get3A_111 = arith.constant 0 : index
    %get3A_112 = vector.load %arg1[%get3A_110, %get3A_111] : memref<4096x768xf32, #tpu.memory_space<vmem>>, vector<128x768xf32>
    %get3A_113 = arith.constant 0 : index
    %get3A_114 = arith.constant 0 : index
    %get3A_115 = vector.load %arg2[%get3A_113, %get3A_114] : memref<64x768xf32, #tpu.memory_space<vmem>>, vector<64x768xf32>
    %dot_general3A_116 = arith.constant dense<0.000000e+00> : vector<64x128xf32>
    %dot_general3A_117 = tpu.matmul %get3A_115, %get3A_112, %dot_general3A_116 {dimension_numbers = #tpu.dot_dimension_numbers<[1], [1], [0], [0], [0, 0, 1, 0], [], []>, transpose_lhs_hint = false} : vector<64x768xf32>, vector<128x768xf32>, vector<64x128xf32> -> vector<64x128xf32>
    %get3A_118 = arith.constant 0 : index
    %get3A_119 = arith.constant 0 : index
    %get3A_120 = vector.load %arg3[%get3A_118, %get3A_119] : memref<64x1xf32, #tpu.memory_space<vmem>>, vector<64x1xf32>
    %add3A_121 = vector.broadcast %get3A_120 : vector<64x1xf32> to vector<64x128xf32>
    %add3A_122 = arith.addf %dot_general3A_117, %add3A_121 : vector<64x128xf32>
    %swap3A_123 = arith.constant 6 : index
    %swap3A_124 = arith.constant 0 : index
    %swap3A_125 = arith.constant 0 : index
    %swap3A_126 = vector.load %arg4[%swap3A_123, %swap3A_124, %swap3A_125] : memref<32x64x128xf32, #tpu.memory_space<vmem>>, vector<1x64x128xf32>
    %swap3A_127 = vector.shape_cast %swap3A_126 : vector<1x64x128xf32> to vector<64x128xf32>
    %swap3A_128 = vector.shape_cast %add3A_122 : vector<64x128xf32> to vector<1x64x128xf32>
    tpu.vector_store %arg4[%swap3A_123, %swap3A_124, %swap3A_125], %swap3A_128 {strides = array<i32>} : memref<32x64x128xf32, #tpu.memory_space<vmem>>, vector<1x64x128xf32>,
    %get3A_129 = arith.constant 896 : index
    %get3A_130 = arith.constant 0 : index
    %get3A_131 = vector.load %arg1[%get3A_129, %get3A_130] : memref<4096x768xf32, #tpu.memory_space<vmem>>, vector<128x768xf32>
    %get3A_132 = arith.constant 0 : index
    %get3A_133 = arith.constant 0 : index
    %get3A_134 = vector.load %arg2[%get3A_132, %get3A_133] : memref<64x768xf32, #tpu.memory_space<vmem>>, vector<64x768xf32>
    %dot_general3A_135 = arith.constant dense<0.000000e+00> : vector<64x128xf32>
    %dot_general3A_136 = tpu.matmul %get3A_134, %get3A_131, %dot_general3A_135 {dimension_numbers = #tpu.dot_dimension_numbers<[1], [1], [0], [0], [0, 0, 1, 0], [], []>, transpose_lhs_hint = false} : vector<64x768xf32>, vector<128x768xf32>, vector<64x128xf32> -> vector<64x128xf32>
    %get3A_137 = arith.constant 0 : index
    %get3A_138 = arith.constant 0 : index
    %get3A_139 = vector.load %arg3[%get3A_137, %get3A_138] : memref<64x1xf32, #tpu.memory_space<vmem>>, vector<64x1xf32>
    %add3A_140 = vector.broadcast %get3A_139 : vector<64x1xf32> to vector<64x128xf32>
    %add3A_141 = arith.addf %dot_general3A_136, %add3A_140 : vector<64x128xf32>
    %swap3A_142 = arith.constant 7 : index
    %swap3A_143 = arith.constant 0 : index
    %swap3A_144 = arith.constant 0 : index
    %swap3A_145 = vector.load %arg4[%swap3A_142, %swap3A_143, %swap3A_144] : memref<32x64x128xf32, #tpu.memory_space<vmem>>, vector<1x64x128xf32>
    %swap3A_146 = vector.shape_cast %swap3A_145 : vector<1x64x128xf32> to vector<64x128xf32>
    %swap3A_147 = vector.shape_cast %add3A_141 : vector<64x128xf32> to vector<1x64x128xf32>
    tpu.vector_store %arg4[%swap3A_142, %swap3A_143, %swap3A_144], %swap3A_147 {strides = array<i32>} : memref<32x64x128xf32, #tpu.memory_space<vmem>>, vector<1x64x128xf32>,
    %get3A_148 = arith.constant 1024 : index
    %get3A_149 = arith.constant 0 : index
    %get3A_150 = vector.load %arg1[%get3A_148, %get3A_149] : memref<4096x768xf32, #tpu.memory_space<vmem>>, vector<128x768xf32>
    %get3A_151 = arith.constant 0 : index
    %get3A_152 = arith.constant 0 : index
    %get3A_153 = vector.load %arg2[%get3A_151, %get3A_152] : memref<64x768xf32, #tpu.memory_space<vmem>>, vector<64x768xf32>
    %dot_general3A_154 = arith.constant dense<0.000000e+00> : vector<64x128xf32>
    %dot_general3A_155 = tpu.matmul %get3A_153, %get3A_150, %dot_general3A_154 {dimension_numbers = #tpu.dot_dimension_numbers<[1], [1], [0], [0], [0, 0, 1, 0], [], []>, transpose_lhs_hint = false} : vector<64x768xf32>, vector<128x768xf32>, vector<64x128xf32> -> vector<64x128xf32>
    %get3A_156 = arith.constant 0 : index
    %get3A_157 = arith.constant 0 : index
    %get3A_158 = vector.load %arg3[%get3A_156, %get3A_157] : memref<64x1xf32, #tpu.memory_space<vmem>>, vector<64x1xf32>
    %add3A_159 = vector.broadcast %get3A_158 : vector<64x1xf32> to vector<64x128xf32>
    %add3A_160 = arith.addf %dot_general3A_155, %add3A_159 : vector<64x128xf32>
    %swap3A_161 = arith.constant 8 : index
    %swap3A_162 = arith.constant 0 : index
    %swap3A_163 = arith.constant 0 : index
    %swap3A_164 = vector.load %arg4[%swap3A_161, %swap3A_162, %swap3A_163] : memref<32x64x128xf32, #tpu.memory_space<vmem>>, vector<1x64x128xf32>
    %swap3A_165 = vector.shape_cast %swap3A_164 : vector<1x64x128xf32> to vector<64x128xf32>
    %swap3A_166 = vector.shape_cast %add3A_160 : vector<64x128xf32> to vector<1x64x128xf32>
    tpu.vector_store %arg4[%swap3A_161, %swap3A_162, %swap3A_163], %swap3A_166 {strides = array<i32>} : memref<32x64x128xf32, #tpu.memory_space<vmem>>, vector<1x64x128xf32>,
    %get3A_167 = arith.constant 1152 : index
    %get3A_168 = arith.constant 0 : index
    %get3A_169 = vector.load %arg1[%get3A_167, %get3A_168] : memref<4096x768xf32, #tpu.memory_space<vmem>>, vector<128x768xf32>
    %get3A_170 = arith.constant 0 : index
    %get3A_171 = arith.constant 0 : index
    %get3A_172 = vector.load %arg2[%get3A_170, %get3A_171] : memref<64x768xf32, #tpu.memory_space<vmem>>, vector<64x768xf32>
    %dot_general3A_173 = arith.constant dense<0.000000e+00> : vector<64x128xf32>
    %dot_general3A_174 = tpu.matmul %get3A_172, %get3A_169, %dot_general3A_173 {dimension_numbers = #tpu.dot_dimension_numbers<[1], [1], [0], [0], [0, 0, 1, 0], [], []>, transpose_lhs_hint = false} : vector<64x768xf32>, vector<128x768xf32>, vector<64x128xf32> -> vector<64x128xf32>
    %get3A_175 = arith.constant 0 : index
    %get3A_176 = arith.constant 0 : index
    %get3A_177 = vector.load %arg3[%get3A_175, %get3A_176] : memref<64x1xf32, #tpu.memory_space<vmem>>, vector<64x1xf32>
    %add3A_178 = vector.broadcast %get3A_177 : vector<64x1xf32> to vector<64x128xf32>
    %add3A_179 = arith.addf %dot_general3A_174, %add3A_178 : vector<64x128xf32>
    %swap3A_180 = arith.constant 9 : index
    %swap3A_181 = arith.constant 0 : index
    %swap3A_182 = arith.constant 0 : index
    %swap3A_183 = vector.load %arg4[%swap3A_180, %swap3A_181, %swap3A_182] : memref<32x64x128xf32, #tpu.memory_space<vmem>>, vector<1x64x128xf32>
    %swap3A_184 = vector.shape_cast %swap3A_183 : vector<1x64x128xf32> to vector<64x128xf32>
    %swap3A_185 = vector.shape_cast %add3A_179 : vector<64x128xf32> to vector<1x64x128xf32>
    tpu.vector_store %arg4[%swap3A_180, %swap3A_181, %swap3A_182], %swap3A_185 {strides = array<i32>} : memref<32x64x128xf32, #tpu.memory_space<vmem>>, vector<1x64x128xf32>,
    %get3A_186 = arith.constant 1280 : index
    %get3A_187 = arith.constant 0 : index
    %get3A_188 = vector.load %arg1[%get3A_186, %get3A_187] : memref<4096x768xf32, #tpu.memory_space<vmem>>, vector<128x768xf32>
    %get3A_189 = arith.constant 0 : index
    %get3A_190 = arith.constant 0 : index
    %get3A_191 = vector.load %arg2[%get3A_189, %get3A_190] : memref<64x768xf32, #tpu.memory_space<vmem>>, vector<64x768xf32>
    %dot_general3A_192 = arith.constant dense<0.000000e+00> : vector<64x128xf32>
    %dot_general3A_193 = tpu.matmul %get3A_191, %get3A_188, %dot_general3A_192 {dimension_numbers = #tpu.dot_dimension_numbers<[1], [1], [0], [0], [0, 0, 1, 0], [], []>, transpose_lhs_hint = false} : vector<64x768xf32>, vector<128x768xf32>, vector<64x128xf32> -> vector<64x128xf32>
    %get3A_194 = arith.constant 0 : index
    %get3A_195 = arith.constant 0 : index
    %get3A_196 = vector.load %arg3[%get3A_194, %get3A_195] : memref<64x1xf32, #tpu.memory_space<vmem>>, vector<64x1xf32>
    %add3A_197 = vector.broadcast %get3A_196 : vector<64x1xf32> to vector<64x128xf32>
    %add3A_198 = arith.addf %dot_general3A_193, %add3A_197 : vector<64x128xf32>
    %swap3A_199 = arith.constant 10 : index
    %swap3A_200 = arith.constant 0 : index
    %swap3A_201 = arith.constant 0 : index
    %swap3A_202 = vector.load %arg4[%swap3A_199, %swap3A_200, %swap3A_201] : memref<32x64x128xf32, #tpu.memory_space<vmem>>, vector<1x64x128xf32>
    %swap3A_203 = vector.shape_cast %swap3A_202 : vector<1x64x128xf32> to vector<64x128xf32>
    %swap3A_204 = vector.shape_cast %add3A_198 : vector<64x128xf32> to vector<1x64x128xf32>
    tpu.vector_store %arg4[%swap3A_199, %swap3A_200, %swap3A_201], %swap3A_204 {strides = array<i32>} : memref<32x64x128xf32, #tpu.memory_space<vmem>>, vector<1x64x128xf32>,
    %get3A_205 = arith.constant 1408 : index
    %get3A_206 = arith.constant 0 : index
    %get3A_207 = vector.load %arg1[%get3A_205, %get3A_206] : memref<4096x768xf32, #tpu.memory_space<vmem>>, vector<128x768xf32>
    %get3A_208 = arith.constant 0 : index
    %get3A_209 = arith.constant 0 : index
    %get3A_210 = vector.load %arg2[%get3A_208, %get3A_209] : memref<64x768xf32, #tpu.memory_space<vmem>>, vector<64x768xf32>
    %dot_general3A_211 = arith.constant dense<0.000000e+00> : vector<64x128xf32>
    %dot_general3A_212 = tpu.matmul %get3A_210, %get3A_207, %dot_general3A_211 {dimension_numbers = #tpu.dot_dimension_numbers<[1], [1], [0], [0], [0, 0, 1, 0], [], []>, transpose_lhs_hint = false} : vector<64x768xf32>, vector<128x768xf32>, vector<64x128xf32> -> vector<64x128xf32>
    %get3A_213 = arith.constant 0 : index
    %get3A_214 = arith.constant 0 : index
    %get3A_215 = vector.load %arg3[%get3A_213, %get3A_214] : memref<64x1xf32, #tpu.memory_space<vmem>>, vector<64x1xf32>
    %add3A_216 = vector.broadcast %get3A_215 : vector<64x1xf32> to vector<64x128xf32>
    %add3A_217 = arith.addf %dot_general3A_212, %add3A_216 : vector<64x128xf32>
    %swap3A_218 = arith.constant 11 : index
    %swap3A_219 = arith.constant 0 : index
    %swap3A_220 = arith.constant 0 : index
    %swap3A_221 = vector.load %arg4[%swap3A_218, %swap3A_219, %swap3A_220] : memref<32x64x128xf32, #tpu.memory_space<vmem>>, vector<1x64x128xf32>
    %swap3A_222 = vector.shape_cast %swap3A_221 : vector<1x64x128xf32> to vector<64x128xf32>
    %swap3A_223 = vector.shape_cast %add3A_217 : vector<64x128xf32> to vector<1x64x128xf32>
    tpu.vector_store %arg4[%swap3A_218, %swap3A_219, %swap3A_220], %swap3A_223 {strides = array<i32>} : memref<32x64x128xf32, #tpu.memory_space<vmem>>, vector<1x64x128xf32>,
    %get3A_224 = arith.constant 1536 : index
    %get3A_225 = arith.constant 0 : index
    %get3A_226 = vector.load %arg1[%get3A_224, %get3A_225] : memref<4096x768xf32, #tpu.memory_space<vmem>>, vector<128x768xf32>
    %get3A_227 = arith.constant 0 : index
    %get3A_228 = arith.constant 0 : index
    %get3A_229 = vector.load %arg2[%get3A_227, %get3A_228] : memref<64x768xf32, #tpu.memory_space<vmem>>, vector<64x768xf32>
    %dot_general3A_230 = arith.constant dense<0.000000e+00> : vector<64x128xf32>
    %dot_general3A_231 = tpu.matmul %get3A_229, %get3A_226, %dot_general3A_230 {dimension_numbers = #tpu.dot_dimension_numbers<[1], [1], [0], [0], [0, 0, 1, 0], [], []>, transpose_lhs_hint = false} : vector<64x768xf32>, vector<128x768xf32>, vector<64x128xf32> -> vector<64x128xf32>
    %get3A_232 = arith.constant 0 : index
    %get3A_233 = arith.constant 0 : index
    %get3A_234 = vector.load %arg3[%get3A_232, %get3A_233] : memref<64x1xf32, #tpu.memory_space<vmem>>, vector<64x1xf32>
    %add3A_235 = vector.broadcast %get3A_234 : vector<64x1xf32> to vector<64x128xf32>
    %add3A_236 = arith.addf %dot_general3A_231, %add3A_235 : vector<64x128xf32>
    %swap3A_237 = arith.constant 12 : index
    %swap3A_238 = arith.constant 0 : index
    %swap3A_239 = arith.constant 0 : index
    %swap3A_240 = vector.load %arg4[%swap3A_237, %swap3A_238, %swap3A_239] : memref<32x64x128xf32, #tpu.memory_space<vmem>>, vector<1x64x128xf32>
    %swap3A_241 = vector.shape_cast %swap3A_240 : vector<1x64x128xf32> to vector<64x128xf32>
    %swap3A_242 = vector.shape_cast %add3A_236 : vector<64x128xf32> to vector<1x64x128xf32>
    tpu.vector_store %arg4[%swap3A_237, %swap3A_238, %swap3A_239], %swap3A_242 {strides = array<i32>} : memref<32x64x128xf32, #tpu.memory_space<vmem>>, vector<1x64x128xf32>,
    %get3A_243 = arith.constant 1664 : index
    %get3A_244 = arith.constant 0 : index
    %get3A_245 = vector.load %arg1[%get3A_243, %get3A_244] : memref<4096x768xf32, #tpu.memory_space<vmem>>, vector<128x768xf32>
    %get3A_246 = arith.constant 0 : index
    %get3A_247 = arith.constant 0 : index
    %get3A_248 = vector.load %arg2[%get3A_246, %get3A_247] : memref<64x768xf32, #tpu.memory_space<vmem>>, vector<64x768xf32>
    %dot_general3A_249 = arith.constant dense<0.000000e+00> : vector<64x128xf32>
    %dot_general3A_250 = tpu.matmul %get3A_248, %get3A_245, %dot_general3A_249 {dimension_numbers = #tpu.dot_dimension_numbers<[1], [1], [0], [0], [0, 0, 1, 0], [], []>, transpose_lhs_hint = false} : vector<64x768xf32>, vector<128x768xf32>, vector<64x128xf32> -> vector<64x128xf32>
    %get3A_251 = arith.constant 0 : index
    %get3A_252 = arith.constant 0 : index
    %get3A_253 = vector.load %arg3[%get3A_251, %get3A_252] : memref<64x1xf32, #tpu.memory_space<vmem>>, vector<64x1xf32>
    %add3A_254 = vector.broadcast %get3A_253 : vector<64x1xf32> to vector<64x128xf32>
    %add3A_255 = arith.addf %dot_general3A_250, %add3A_254 : vector<64x128xf32>
    %swap3A_256 = arith.constant 13 : index
    %swap3A_257 = arith.constant 0 : index
    %swap3A_258 = arith.constant 0 : index
    %swap3A_259 = vector.load %arg4[%swap3A_256, %swap3A_257, %swap3A_258] : memref<32x64x128xf32, #tpu.memory_space<vmem>>, vector<1x64x128xf32>
    %swap3A_260 = vector.shape_cast %swap3A_259 : vector<1x64x128xf32> to vector<64x128xf32>
    %swap3A_261 = vector.shape_cast %add3A_255 : vector<64x128xf32> to vector<1x64x128xf32>
    tpu.vector_store %arg4[%swap3A_256, %swap3A_257, %swap3A_258], %swap3A_261 {strides = array<i32>} : memref<32x64x128xf32, #tpu.memory_space<vmem>>, vector<1x64x128xf32>,
    %get3A_262 = arith.constant 1792 : index
    %get3A_263 = arith.constant 0 : index
    %get3A_264 = vector.load %arg1[%get3A_262, %get3A_263] : memref<4096x768xf32, #tpu.memory_space<vmem>>, vector<128x768xf32>
    %get3A_265 = arith.constant 0 : index
    %get3A_266 = arith.constant 0 : index
    %get3A_267 = vector.load %arg2[%get3A_265, %get3A_266] : memref<64x768xf32, #tpu.memory_space<vmem>>, vector<64x768xf32>
    %dot_general3A_268 = arith.constant dense<0.000000e+00> : vector<64x128xf32>
    %dot_general3A_269 = tpu.matmul %get3A_267, %get3A_264, %dot_general3A_268 {dimension_numbers = #tpu.dot_dimension_numbers<[1], [1], [0], [0], [0, 0, 1, 0], [], []>, transpose_lhs_hint = false} : vector<64x768xf32>, vector<128x768xf32>, vector<64x128xf32> -> vector<64x128xf32>
    %get3A_270 = arith.constant 0 : index
    %get3A_271 = arith.constant 0 : index
    %get3A_272 = vector.load %arg3[%get3A_270, %get3A_271] : memref<64x1xf32, #tpu.memory_space<vmem>>, vector<64x1xf32>
    %add3A_273 = vector.broadcast %get3A_272 : vector<64x1xf32> to vector<64x128xf32>
    %add3A_274 = arith.addf %dot_general3A_269, %add3A_273 : vector<64x128xf32>
    %swap3A_275 = arith.constant 14 : index
    %swap3A_276 = arith.constant 0 : index
    %swap3A_277 = arith.constant 0 : index
    %swap3A_278 = vector.load %arg4[%swap3A_275, %swap3A_276, %swap3A_277] : memref<32x64x128xf32, #tpu.memory_space<vmem>>, vector<1x64x128xf32>
    %swap3A_279 = vector.shape_cast %swap3A_278 : vector<1x64x128xf32> to vector<64x128xf32>
    %swap3A_280 = vector.shape_cast %add3A_274 : vector<64x128xf32> to vector<1x64x128xf32>
    tpu.vector_store %arg4[%swap3A_275, %swap3A_276, %swap3A_277], %swap3A_280 {strides = array<i32>} : memref<32x64x128xf32, #tpu.memory_space<vmem>>, vector<1x64x128xf32>,
    %get3A_281 = arith.constant 1920 : index
    %get3A_282 = arith.constant 0 : index
    %get3A_283 = vector.load %arg1[%get3A_281, %get3A_282] : memref<4096x768xf32, #tpu.memory_space<vmem>>, vector<128x768xf32>
    %get3A_284 = arith.constant 0 : index
    %get3A_285 = arith.constant 0 : index
    %get3A_286 = vector.load %arg2[%get3A_284, %get3A_285] : memref<64x768xf32, #tpu.memory_space<vmem>>, vector<64x768xf32>
    %dot_general3A_287 = arith.constant dense<0.000000e+00> : vector<64x128xf32>
    %dot_general3A_288 = tpu.matmul %get3A_286, %get3A_283, %dot_general3A_287 {dimension_numbers = #tpu.dot_dimension_numbers<[1], [1], [0], [0], [0, 0, 1, 0], [], []>, transpose_lhs_hint = false} : vector<64x768xf32>, vector<128x768xf32>, vector<64x128xf32> -> vector<64x128xf32>
    %get3A_289 = arith.constant 0 : index
    %get3A_290 = arith.constant 0 : index
    %get3A_291 = vector.load %arg3[%get3A_289, %get3A_290] : memref<64x1xf32, #tpu.memory_space<vmem>>, vector<64x1xf32>
    %add3A_292 = vector.broadcast %get3A_291 : vector<64x1xf32> to vector<64x128xf32>
    %add3A_293 = arith.addf %dot_general3A_288, %add3A_292 : vector<64x128xf32>
    %swap3A_294 = arith.constant 15 : index
    %swap3A_295 = arith.constant 0 : index
    %swap3A_296 = arith.constant 0 : index
    %swap3A_297 = vector.load %arg4[%swap3A_294, %swap3A_295, %swap3A_296] : memref<32x64x128xf32, #tpu.memory_space<vmem>>, vector<1x64x128xf32>
    %swap3A_298 = vector.shape_cast %swap3A_297 : vector<1x64x128xf32> to vector<64x128xf32>
    %swap3A_299 = vector.shape_cast %add3A_293 : vector<64x128xf32> to vector<1x64x128xf32>
    tpu.vector_store %arg4[%swap3A_294, %swap3A_295, %swap3A_296], %swap3A_299 {strides = array<i32>} : memref<32x64x128xf32, #tpu.memory_space<vmem>>, vector<1x64x128xf32>,
    %get3A_300 = arith.constant 2048 : index
    %get3A_301 = arith.constant 0 : index
    %get3A_302 = vector.load %arg1[%get3A_300, %get3A_301] : memref<4096x768xf32, #tpu.memory_space<vmem>>, vector<128x768xf32>
    %get3A_303 = arith.constant 0 : index
    %get3A_304 = arith.constant 0 : index
    %get3A_305 = vector.load %arg2[%get3A_303, %get3A_304] : memref<64x768xf32, #tpu.memory_space<vmem>>, vector<64x768xf32>
    %dot_general3A_306 = arith.constant dense<0.000000e+00> : vector<64x128xf32>
    %dot_general3A_307 = tpu.matmul %get3A_305, %get3A_302, %dot_general3A_306 {dimension_numbers = #tpu.dot_dimension_numbers<[1], [1], [0], [0], [0, 0, 1, 0], [], []>, transpose_lhs_hint = false} : vector<64x768xf32>, vector<128x768xf32>, vector<64x128xf32> -> vector<64x128xf32>
    %get3A_308 = arith.constant 0 : index
    %get3A_309 = arith.constant 0 : index
    %get3A_310 = vector.load %arg3[%get3A_308, %get3A_309] : memref<64x1xf32, #tpu.memory_space<vmem>>, vector<64x1xf32>
    %add3A_311 = vector.broadcast %get3A_310 : vector<64x1xf32> to vector<64x128xf32>
    %add3A_312 = arith.addf %dot_general3A_307, %add3A_311 : vector<64x128xf32>
    %swap3A_313 = arith.constant 16 : index
    %swap3A_314 = arith.constant 0 : index
    %swap3A_315 = arith.constant 0 : index
    %swap3A_316 = vector.load %arg4[%swap3A_313, %swap3A_314, %swap3A_315] : memref<32x64x128xf32, #tpu.memory_space<vmem>>, vector<1x64x128xf32>
    %swap3A_317 = vector.shape_cast %swap3A_316 : vector<1x64x128xf32> to vector<64x128xf32>
    %swap3A_318 = vector.shape_cast %add3A_312 : vector<64x128xf32> to vector<1x64x128xf32>
    tpu.vector_store %arg4[%swap3A_313, %swap3A_314, %swap3A_315], %swap3A_318 {strides = array<i32>} : memref<32x64x128xf32, #tpu.memory_space<vmem>>, vector<1x64x128xf32>,
    %get3A_319 = arith.constant 2176 : index
    %get3A_320 = arith.constant 0 : index
    %get3A_321 = vector.load %arg1[%get3A_319, %get3A_320] : memref<4096x768xf32, #tpu.memory_space<vmem>>, vector<128x768xf32>
    %get3A_322 = arith.constant 0 : index
    %get3A_323 = arith.constant 0 : index
    %get3A_324 = vector.load %arg2[%get3A_322, %get3A_323] : memref<64x768xf32, #tpu.memory_space<vmem>>, vector<64x768xf32>
    %dot_general3A_325 = arith.constant dense<0.000000e+00> : vector<64x128xf32>
    %dot_general3A_326 = tpu.matmul %get3A_324, %get3A_321, %dot_general3A_325 {dimension_numbers = #tpu.dot_dimension_numbers<[1], [1], [0], [0], [0, 0, 1, 0], [], []>, transpose_lhs_hint = false} : vector<64x768xf32>, vector<128x768xf32>, vector<64x128xf32> -> vector<64x128xf32>
    %get3A_327 = arith.constant 0 : index
    %get3A_328 = arith.constant 0 : index
    %get3A_329 = vector.load %arg3[%get3A_327, %get3A_328] : memref<64x1xf32, #tpu.memory_space<vmem>>, vector<64x1xf32>
    %add3A_330 = vector.broadcast %get3A_329 : vector<64x1xf32> to vector<64x128xf32>
    %add3A_331 = arith.addf %dot_general3A_326, %add3A_330 : vector<64x128xf32>
    %swap3A_332 = arith.constant 17 : index
    %swap3A_333 = arith.constant 0 : index
    %swap3A_334 = arith.constant 0 : index
    %swap3A_335 = vector.load %arg4[%swap3A_332, %swap3A_333, %swap3A_334] : memref<32x64x128xf32, #tpu.memory_space<vmem>>, vector<1x64x128xf32>
    %swap3A_336 = vector.shape_cast %swap3A_335 : vector<1x64x128xf32> to vector<64x128xf32>
    %swap3A_337 = vector.shape_cast %add3A_331 : vector<64x128xf32> to vector<1x64x128xf32>
    tpu.vector_store %arg4[%swap3A_332, %swap3A_333, %swap3A_334], %swap3A_337 {strides = array<i32>} : memref<32x64x128xf32, #tpu.memory_space<vmem>>, vector<1x64x128xf32>,
    %get3A_338 = arith.constant 2304 : index
    %get3A_339 = arith.constant 0 : index
    %get3A_340 = vector.load %arg1[%get3A_338, %get3A_339] : memref<4096x768xf32, #tpu.memory_space<vmem>>, vector<128x768xf32>
    %get3A_341 = arith.constant 0 : index
    %get3A_342 = arith.constant 0 : index
    %get3A_343 = vector.load %arg2[%get3A_341, %get3A_342] : memref<64x768xf32, #tpu.memory_space<vmem>>, vector<64x768xf32>
    %dot_general3A_344 = arith.constant dense<0.000000e+00> : vector<64x128xf32>
    %dot_general3A_345 = tpu.matmul %get3A_343, %get3A_340, %dot_general3A_344 {dimension_numbers = #tpu.dot_dimension_numbers<[1], [1], [0], [0], [0, 0, 1, 0], [], []>, transpose_lhs_hint = false} : vector<64x768xf32>, vector<128x768xf32>, vector<64x128xf32> -> vector<64x128xf32>
    %get3A_346 = arith.constant 0 : index
    %get3A_347 = arith.constant 0 : index
    %get3A_348 = vector.load %arg3[%get3A_346, %get3A_347] : memref<64x1xf32, #tpu.memory_space<vmem>>, vector<64x1xf32>
    %add3A_349 = vector.broadcast %get3A_348 : vector<64x1xf32> to vector<64x128xf32>
    %add3A_350 = arith.addf %dot_general3A_345, %add3A_349 : vector<64x128xf32>
    %swap3A_351 = arith.constant 18 : index
    %swap3A_352 = arith.constant 0 : index
    %swap3A_353 = arith.constant 0 : index
    %swap3A_354 = vector.load %arg4[%swap3A_351, %swap3A_352, %swap3A_353] : memref<32x64x128xf32, #tpu.memory_space<vmem>>, vector<1x64x128xf32>
    %swap3A_355 = vector.shape_cast %swap3A_354 : vector<1x64x128xf32> to vector<64x128xf32>
    %swap3A_356 = vector.shape_cast %add3A_350 : vector<64x128xf32> to vector<1x64x128xf32>
    tpu.vector_store %arg4[%swap3A_351, %swap3A_352, %swap3A_353], %swap3A_356 {strides = array<i32>} : memref<32x64x128xf32, #tpu.memory_space<vmem>>, vector<1x64x128xf32>,
    %get3A_357 = arith.constant 2432 : index
    %get3A_358 = arith.constant 0 : index
    %get3A_359 = vector.load %arg1[%get3A_357, %get3A_358] : memref<4096x768xf32, #tpu.memory_space<vmem>>, vector<128x768xf32>
    %get3A_360 = arith.constant 0 : index
    %get3A_361 = arith.constant 0 : index
    %get3A_362 = vector.load %arg2[%get3A_360, %get3A_361] : memref<64x768xf32, #tpu.memory_space<vmem>>, vector<64x768xf32>
    %dot_general3A_363 = arith.constant dense<0.000000e+00> : vector<64x128xf32>
    %dot_general3A_364 = tpu.matmul %get3A_362, %get3A_359, %dot_general3A_363 {dimension_numbers = #tpu.dot_dimension_numbers<[1], [1], [0], [0], [0, 0, 1, 0], [], []>, transpose_lhs_hint = false} : vector<64x768xf32>, vector<128x768xf32>, vector<64x128xf32> -> vector<64x128xf32>
    %get3A_365 = arith.constant 0 : index
    %get3A_366 = arith.constant 0 : index
    %get3A_367 = vector.load %arg3[%get3A_365, %get3A_366] : memref<64x1xf32, #tpu.memory_space<vmem>>, vector<64x1xf32>
    %add3A_368 = vector.broadcast %get3A_367 : vector<64x1xf32> to vector<64x128xf32>
    %add3A_369 = arith.addf %dot_general3A_364, %add3A_368 : vector<64x128xf32>
    %swap3A_370 = arith.constant 19 : index
    %swap3A_371 = arith.constant 0 : index
    %swap3A_372 = arith.constant 0 : index
    %swap3A_373 = vector.load %arg4[%swap3A_370, %swap3A_371, %swap3A_372] : memref<32x64x128xf32, #tpu.memory_space<vmem>>, vector<1x64x128xf32>
    %swap3A_374 = vector.shape_cast %swap3A_373 : vector<1x64x128xf32> to vector<64x128xf32>
    %swap3A_375 = vector.shape_cast %add3A_369 : vector<64x128xf32> to vector<1x64x128xf32>
    tpu.vector_store %arg4[%swap3A_370, %swap3A_371, %swap3A_372], %swap3A_375 {strides = array<i32>} : memref<32x64x128xf32, #tpu.memory_space<vmem>>, vector<1x64x128xf32>,
    %get3A_376 = arith.constant 2560 : index
    %get3A_377 = arith.constant 0 : index
    %get3A_378 = vector.load %arg1[%get3A_376, %get3A_377] : memref<4096x768xf32, #tpu.memory_space<vmem>>, vector<128x768xf32>
    %get3A_379 = arith.constant 0 : index
    %get3A_380 = arith.constant 0 : index
    %get3A_381 = vector.load %arg2[%get3A_379, %get3A_380] : memref<64x768xf32, #tpu.memory_space<vmem>>, vector<64x768xf32>
    %dot_general3A_382 = arith.constant dense<0.000000e+00> : vector<64x128xf32>
    %dot_general3A_383 = tpu.matmul %get3A_381, %get3A_378, %dot_general3A_382 {dimension_numbers = #tpu.dot_dimension_numbers<[1], [1], [0], [0], [0, 0, 1, 0], [], []>, transpose_lhs_hint = false} : vector<64x768xf32>, vector<128x768xf32>, vector<64x128xf32> -> vector<64x128xf32>
    %get3A_384 = arith.constant 0 : index
    %get3A_385 = arith.constant 0 : index
    %get3A_386 = vector.load %arg3[%get3A_384, %get3A_385] : memref<64x1xf32, #tpu.memory_space<vmem>>, vector<64x1xf32>
    %add3A_387 = vector.broadcast %get3A_386 : vector<64x1xf32> to vector<64x128xf32>
    %add3A_388 = arith.addf %dot_general3A_383, %add3A_387 : vector<64x128xf32>
    %swap3A_389 = arith.constant 20 : index
    %swap3A_390 = arith.constant 0 : index
    %swap3A_391 = arith.constant 0 : index
    %swap3A_392 = vector.load %arg4[%swap3A_389, %swap3A_390, %swap3A_391] : memref<32x64x128xf32, #tpu.memory_space<vmem>>, vector<1x64x128xf32>
    %swap3A_393 = vector.shape_cast %swap3A_392 : vector<1x64x128xf32> to vector<64x128xf32>
    %swap3A_394 = vector.shape_cast %add3A_388 : vector<64x128xf32> to vector<1x64x128xf32>
    tpu.vector_store %arg4[%swap3A_389, %swap3A_390, %swap3A_391], %swap3A_394 {strides = array<i32>} : memref<32x64x128xf32, #tpu.memory_space<vmem>>, vector<1x64x128xf32>,
    %get3A_395 = arith.constant 2688 : index
    %get3A_396 = arith.constant 0 : index
    %get3A_397 = vector.load %arg1[%get3A_395, %get3A_396] : memref<4096x768xf32, #tpu.memory_space<vmem>>, vector<128x768xf32>
    %get3A_398 = arith.constant 0 : index
    %get3A_399 = arith.constant 0 : index
    %get3A_400 = vector.load %arg2[%get3A_398, %get3A_399] : memref<64x768xf32, #tpu.memory_space<vmem>>, vector<64x768xf32>
    %dot_general3A_401 = arith.constant dense<0.000000e+00> : vector<64x128xf32>
    %dot_general3A_402 = tpu.matmul %get3A_400, %get3A_397, %dot_general3A_401 {dimension_numbers = #tpu.dot_dimension_numbers<[1], [1], [0], [0], [0, 0, 1, 0], [], []>, transpose_lhs_hint = false} : vector<64x768xf32>, vector<128x768xf32>, vector<64x128xf32> -> vector<64x128xf32>
    %get3A_403 = arith.constant 0 : index
    %get3A_404 = arith.constant 0 : index
    %get3A_405 = vector.load %arg3[%get3A_403, %get3A_404] : memref<64x1xf32, #tpu.memory_space<vmem>>, vector<64x1xf32>
    %add3A_406 = vector.broadcast %get3A_405 : vector<64x1xf32> to vector<64x128xf32>
    %add3A_407 = arith.addf %dot_general3A_402, %add3A_406 : vector<64x128xf32>
    %swap3A_408 = arith.constant 21 : index
    %swap3A_409 = arith.constant 0 : index
    %swap3A_410 = arith.constant 0 : index
    %swap3A_411 = vector.load %arg4[%swap3A_408, %swap3A_409, %swap3A_410] : memref<32x64x128xf32, #tpu.memory_space<vmem>>, vector<1x64x128xf32>
    %swap3A_412 = vector.shape_cast %swap3A_411 : vector<1x64x128xf32> to vector<64x128xf32>
    %swap3A_413 = vector.shape_cast %add3A_407 : vector<64x128xf32> to vector<1x64x128xf32>
    tpu.vector_store %arg4[%swap3A_408, %swap3A_409, %swap3A_410], %swap3A_413 {strides = array<i32>} : memref<32x64x128xf32, #tpu.memory_space<vmem>>, vector<1x64x128xf32>,
    %get3A_414 = arith.constant 2816 : index
    %get3A_415 = arith.constant 0 : index
    %get3A_416 = vector.load %arg1[%get3A_414, %get3A_415] : memref<4096x768xf32, #tpu.memory_space<vmem>>, vector<128x768xf32>
    %get3A_417 = arith.constant 0 : index
    %get3A_418 = arith.constant 0 : index
    %get3A_419 = vector.load %arg2[%get3A_417, %get3A_418] : memref<64x768xf32, #tpu.memory_space<vmem>>, vector<64x768xf32>
    %dot_general3A_420 = arith.constant dense<0.000000e+00> : vector<64x128xf32>
    %dot_general3A_421 = tpu.matmul %get3A_419, %get3A_416, %dot_general3A_420 {dimension_numbers = #tpu.dot_dimension_numbers<[1], [1], [0], [0], [0, 0, 1, 0], [], []>, transpose_lhs_hint = false} : vector<64x768xf32>, vector<128x768xf32>, vector<64x128xf32> -> vector<64x128xf32>
    %get3A_422 = arith.constant 0 : index
    %get3A_423 = arith.constant 0 : index
    %get3A_424 = vector.load %arg3[%get3A_422, %get3A_423] : memref<64x1xf32, #tpu.memory_space<vmem>>, vector<64x1xf32>
    %add3A_425 = vector.broadcast %get3A_424 : vector<64x1xf32> to vector<64x128xf32>
    %add3A_426 = arith.addf %dot_general3A_421, %add3A_425 : vector<64x128xf32>
    %swap3A_427 = arith.constant 22 : index
    %swap3A_428 = arith.constant 0 : index
    %swap3A_429 = arith.constant 0 : index
    %swap3A_430 = vector.load %arg4[%swap3A_427, %swap3A_428, %swap3A_429] : memref<32x64x128xf32, #tpu.memory_space<vmem>>, vector<1x64x128xf32>
    %swap3A_431 = vector.shape_cast %swap3A_430 : vector<1x64x128xf32> to vector<64x128xf32>
    %swap3A_432 = vector.shape_cast %add3A_426 : vector<64x128xf32> to vector<1x64x128xf32>
    tpu.vector_store %arg4[%swap3A_427, %swap3A_428, %swap3A_429], %swap3A_432 {strides = array<i32>} : memref<32x64x128xf32, #tpu.memory_space<vmem>>, vector<1x64x128xf32>,
    %get3A_433 = arith.constant 2944 : index
    %get3A_434 = arith.constant 0 : index
    %get3A_435 = vector.load %arg1[%get3A_433, %get3A_434] : memref<4096x768xf32, #tpu.memory_space<vmem>>, vector<128x768xf32>
    %get3A_436 = arith.constant 0 : index
    %get3A_437 = arith.constant 0 : index
    %get3A_438 = vector.load %arg2[%get3A_436, %get3A_437] : memref<64x768xf32, #tpu.memory_space<vmem>>, vector<64x768xf32>
    %dot_general3A_439 = arith.constant dense<0.000000e+00> : vector<64x128xf32>
    %dot_general3A_440 = tpu.matmul %get3A_438, %get3A_435, %dot_general3A_439 {dimension_numbers = #tpu.dot_dimension_numbers<[1], [1], [0], [0], [0, 0, 1, 0], [], []>, transpose_lhs_hint = false} : vector<64x768xf32>, vector<128x768xf32>, vector<64x128xf32> -> vector<64x128xf32>
    %get3A_441 = arith.constant 0 : index
    %get3A_442 = arith.constant 0 : index
    %get3A_443 = vector.load %arg3[%get3A_441, %get3A_442] : memref<64x1xf32, #tpu.memory_space<vmem>>, vector<64x1xf32>
    %add3A_444 = vector.broadcast %get3A_443 : vector<64x1xf32> to vector<64x128xf32>
    %add3A_445 = arith.addf %dot_general3A_440, %add3A_444 : vector<64x128xf32>
    %swap3A_446 = arith.constant 23 : index
    %swap3A_447 = arith.constant 0 : index
    %swap3A_448 = arith.constant 0 : index
    %swap3A_449 = vector.load %arg4[%swap3A_446, %swap3A_447, %swap3A_448] : memref<32x64x128xf32, #tpu.memory_space<vmem>>, vector<1x64x128xf32>
    %swap3A_450 = vector.shape_cast %swap3A_449 : vector<1x64x128xf32> to vector<64x128xf32>
    %swap3A_451 = vector.shape_cast %add3A_445 : vector<64x128xf32> to vector<1x64x128xf32>
    tpu.vector_store %arg4[%swap3A_446, %swap3A_447, %swap3A_448], %swap3A_451 {strides = array<i32>} : memref<32x64x128xf32, #tpu.memory_space<vmem>>, vector<1x64x128xf32>,
    %get3A_452 = arith.constant 3072 : index
    %get3A_453 = arith.constant 0 : index
    %get3A_454 = vector.load %arg1[%get3A_452, %get3A_453] : memref<4096x768xf32, #tpu.memory_space<vmem>>, vector<128x768xf32>
    %get3A_455 = arith.constant 0 : index
    %get3A_456 = arith.constant 0 : index
    %get3A_457 = vector.load %arg2[%get3A_455, %get3A_456] : memref<64x768xf32, #tpu.memory_space<vmem>>, vector<64x768xf32>
    %dot_general3A_458 = arith.constant dense<0.000000e+00> : vector<64x128xf32>
    %dot_general3A_459 = tpu.matmul %get3A_457, %get3A_454, %dot_general3A_458 {dimension_numbers = #tpu.dot_dimension_numbers<[1], [1], [0], [0], [0, 0, 1, 0], [], []>, transpose_lhs_hint = false} : vector<64x768xf32>, vector<128x768xf32>, vector<64x128xf32> -> vector<64x128xf32>
    %get3A_460 = arith.constant 0 : index
    %get3A_461 = arith.constant 0 : index
    %get3A_462 = vector.load %arg3[%get3A_460, %get3A_461] : memref<64x1xf32, #tpu.memory_space<vmem>>, vector<64x1xf32>
    %add3A_463 = vector.broadcast %get3A_462 : vector<64x1xf32> to vector<64x128xf32>
    %add3A_464 = arith.addf %dot_general3A_459, %add3A_463 : vector<64x128xf32>
    %swap3A_465 = arith.constant 24 : index
    %swap3A_466 = arith.constant 0 : index
    %swap3A_467 = arith.constant 0 : index
    %swap3A_468 = vector.load %arg4[%swap3A_465, %swap3A_466, %swap3A_467] : memref<32x64x128xf32, #tpu.memory_space<vmem>>, vector<1x64x128xf32>
    %swap3A_469 = vector.shape_cast %swap3A_468 : vector<1x64x128xf32> to vector<64x128xf32>
    %swap3A_470 = vector.shape_cast %add3A_464 : vector<64x128xf32> to vector<1x64x128xf32>
    tpu.vector_store %arg4[%swap3A_465, %swap3A_466, %swap3A_467], %swap3A_470 {strides = array<i32>} : memref<32x64x128xf32, #tpu.memory_space<vmem>>, vector<1x64x128xf32>,
    %get3A_471 = arith.constant 3200 : index
    %get3A_472 = arith.constant 0 : index
    %get3A_473 = vector.load %arg1[%get3A_471, %get3A_472] : memref<4096x768xf32, #tpu.memory_space<vmem>>, vector<128x768xf32>
    %get3A_474 = arith.constant 0 : index
    %get3A_475 = arith.constant 0 : index
    %get3A_476 = vector.load %arg2[%get3A_474, %get3A_475] : memref<64x768xf32, #tpu.memory_space<vmem>>, vector<64x768xf32>
    %dot_general3A_477 = arith.constant dense<0.000000e+00> : vector<64x128xf32>
    %dot_general3A_478 = tpu.matmul %get3A_476, %get3A_473, %dot_general3A_477 {dimension_numbers = #tpu.dot_dimension_numbers<[1], [1], [0], [0], [0, 0, 1, 0], [], []>, transpose_lhs_hint = false} : vector<64x768xf32>, vector<128x768xf32>, vector<64x128xf32> -> vector<64x128xf32>
    %get3A_479 = arith.constant 0 : index
    %get3A_480 = arith.constant 0 : index
    %get3A_481 = vector.load %arg3[%get3A_479, %get3A_480] : memref<64x1xf32, #tpu.memory_space<vmem>>, vector<64x1xf32>
    %add3A_482 = vector.broadcast %get3A_481 : vector<64x1xf32> to vector<64x128xf32>
    %add3A_483 = arith.addf %dot_general3A_478, %add3A_482 : vector<64x128xf32>
    %swap3A_484 = arith.constant 25 : index
    %swap3A_485 = arith.constant 0 : index
    %swap3A_486 = arith.constant 0 : index
    %swap3A_487 = vector.load %arg4[%swap3A_484, %swap3A_485, %swap3A_486] : memref<32x64x128xf32, #tpu.memory_space<vmem>>, vector<1x64x128xf32>
    %swap3A_488 = vector.shape_cast %swap3A_487 : vector<1x64x128xf32> to vector<64x128xf32>
    %swap3A_489 = vector.shape_cast %add3A_483 : vector<64x128xf32> to vector<1x64x128xf32>
    tpu.vector_store %arg4[%swap3A_484, %swap3A_485, %swap3A_486], %swap3A_489 {strides = array<i32>} : memref<32x64x128xf32, #tpu.memory_space<vmem>>, vector<1x64x128xf32>,
    %get3A_490 = arith.constant 3328 : index
    %get3A_491 = arith.constant 0 : index
    %get3A_492 = vector.load %arg1[%get3A_490, %get3A_491] : memref<4096x768xf32, #tpu.memory_space<vmem>>, vector<128x768xf32>
    %get3A_493 = arith.constant 0 : index
    %get3A_494 = arith.constant 0 : index
    %get3A_495 = vector.load %arg2[%get3A_493, %get3A_494] : memref<64x768xf32, #tpu.memory_space<vmem>>, vector<64x768xf32>
    %dot_general3A_496 = arith.constant dense<0.000000e+00> : vector<64x128xf32>
    %dot_general3A_497 = tpu.matmul %get3A_495, %get3A_492, %dot_general3A_496 {dimension_numbers = #tpu.dot_dimension_numbers<[1], [1], [0], [0], [0, 0, 1, 0], [], []>, transpose_lhs_hint = false} : vector<64x768xf32>, vector<128x768xf32>, vector<64x128xf32> -> vector<64x128xf32>
    %get3A_498 = arith.constant 0 : index
    %get3A_499 = arith.constant 0 : index
    %get3A_500 = vector.load %arg3[%get3A_498, %get3A_499] : memref<64x1xf32, #tpu.memory_space<vmem>>, vector<64x1xf32>
    %add3A_501 = vector.broadcast %get3A_500 : vector<64x1xf32> to vector<64x128xf32>
    %add3A_502 = arith.addf %dot_general3A_497, %add3A_501 : vector<64x128xf32>
    %swap3A_503 = arith.constant 26 : index
    %swap3A_504 = arith.constant 0 : index
    %swap3A_505 = arith.constant 0 : index
    %swap3A_506 = vector.load %arg4[%swap3A_503, %swap3A_504, %swap3A_505] : memref<32x64x128xf32, #tpu.memory_space<vmem>>, vector<1x64x128xf32>
    %swap3A_507 = vector.shape_cast %swap3A_506 : vector<1x64x128xf32> to vector<64x128xf32>
    %swap3A_508 = vector.shape_cast %add3A_502 : vector<64x128xf32> to vector<1x64x128xf32>
    tpu.vector_store %arg4[%swap3A_503, %swap3A_504, %swap3A_505], %swap3A_508 {strides = array<i32>} : memref<32x64x128xf32, #tpu.memory_space<vmem>>, vector<1x64x128xf32>,
    %get3A_509 = arith.constant 3456 : index
    %get3A_510 = arith.constant 0 : index
    %get3A_511 = vector.load %arg1[%get3A_509, %get3A_510] : memref<4096x768xf32, #tpu.memory_space<vmem>>, vector<128x768xf32>
    %get3A_512 = arith.constant 0 : index
    %get3A_513 = arith.constant 0 : index
    %get3A_514 = vector.load %arg2[%get3A_512, %get3A_513] : memref<64x768xf32, #tpu.memory_space<vmem>>, vector<64x768xf32>
    %dot_general3A_515 = arith.constant dense<0.000000e+00> : vector<64x128xf32>
    %dot_general3A_516 = tpu.matmul %get3A_514, %get3A_511, %dot_general3A_515 {dimension_numbers = #tpu.dot_dimension_numbers<[1], [1], [0], [0], [0, 0, 1, 0], [], []>, transpose_lhs_hint = false} : vector<64x768xf32>, vector<128x768xf32>, vector<64x128xf32> -> vector<64x128xf32>
    %get3A_517 = arith.constant 0 : index
    %get3A_518 = arith.constant 0 : index
    %get3A_519 = vector.load %arg3[%get3A_517, %get3A_518] : memref<64x1xf32, #tpu.memory_space<vmem>>, vector<64x1xf32>
    %add3A_520 = vector.broadcast %get3A_519 : vector<64x1xf32> to vector<64x128xf32>
    %add3A_521 = arith.addf %dot_general3A_516, %add3A_520 : vector<64x128xf32>
    %swap3A_522 = arith.constant 27 : index
    %swap3A_523 = arith.constant 0 : index
    %swap3A_524 = arith.constant 0 : index
    %swap3A_525 = vector.load %arg4[%swap3A_522, %swap3A_523, %swap3A_524] : memref<32x64x128xf32, #tpu.memory_space<vmem>>, vector<1x64x128xf32>
    %swap3A_526 = vector.shape_cast %swap3A_525 : vector<1x64x128xf32> to vector<64x128xf32>
    %swap3A_527 = vector.shape_cast %add3A_521 : vector<64x128xf32> to vector<1x64x128xf32>
    tpu.vector_store %arg4[%swap3A_522, %swap3A_523, %swap3A_524], %swap3A_527 {strides = array<i32>} : memref<32x64x128xf32, #tpu.memory_space<vmem>>, vector<1x64x128xf32>,
    %get3A_528 = arith.constant 3584 : index
    %get3A_529 = arith.constant 0 : index
    %get3A_530 = vector.load %arg1[%get3A_528, %get3A_529] : memref<4096x768xf32, #tpu.memory_space<vmem>>, vector<128x768xf32>
    %get3A_531 = arith.constant 0 : index
    %get3A_532 = arith.constant 0 : index
    %get3A_533 = vector.load %arg2[%get3A_531, %get3A_532] : memref<64x768xf32, #tpu.memory_space<vmem>>, vector<64x768xf32>
    %dot_general3A_534 = arith.constant dense<0.000000e+00> : vector<64x128xf32>
    %dot_general3A_535 = tpu.matmul %get3A_533, %get3A_530, %dot_general3A_534 {dimension_numbers = #tpu.dot_dimension_numbers<[1], [1], [0], [0], [0, 0, 1, 0], [], []>, transpose_lhs_hint = false} : vector<64x768xf32>, vector<128x768xf32>, vector<64x128xf32> -> vector<64x128xf32>
    %get3A_536 = arith.constant 0 : index
    %get3A_537 = arith.constant 0 : index
    %get3A_538 = vector.load %arg3[%get3A_536, %get3A_537] : memref<64x1xf32, #tpu.memory_space<vmem>>, vector<64x1xf32>
    %add3A_539 = vector.broadcast %get3A_538 : vector<64x1xf32> to vector<64x128xf32>
    %add3A_540 = arith.addf %dot_general3A_535, %add3A_539 : vector<64x128xf32>
    %swap3A_541 = arith.constant 28 : index
    %swap3A_542 = arith.constant 0 : index
    %swap3A_543 = arith.constant 0 : index
    %swap3A_544 = vector.load %arg4[%swap3A_541, %swap3A_542, %swap3A_543] : memref<32x64x128xf32, #tpu.memory_space<vmem>>, vector<1x64x128xf32>
    %swap3A_545 = vector.shape_cast %swap3A_544 : vector<1x64x128xf32> to vector<64x128xf32>
    %swap3A_546 = vector.shape_cast %add3A_540 : vector<64x128xf32> to vector<1x64x128xf32>
    tpu.vector_store %arg4[%swap3A_541, %swap3A_542, %swap3A_543], %swap3A_546 {strides = array<i32>} : memref<32x64x128xf32, #tpu.memory_space<vmem>>, vector<1x64x128xf32>,
    %get3A_547 = arith.constant 3712 : index
    %get3A_548 = arith.constant 0 : index
    %get3A_549 = vector.load %arg1[%get3A_547, %get3A_548] : memref<4096x768xf32, #tpu.memory_space<vmem>>, vector<128x768xf32>
    %get3A_550 = arith.constant 0 : index
    %get3A_551 = arith.constant 0 : index
    %get3A_552 = vector.load %arg2[%get3A_550, %get3A_551] : memref<64x768xf32, #tpu.memory_space<vmem>>, vector<64x768xf32>
    %dot_general3A_553 = arith.constant dense<0.000000e+00> : vector<64x128xf32>
    %dot_general3A_554 = tpu.matmul %get3A_552, %get3A_549, %dot_general3A_553 {dimension_numbers = #tpu.dot_dimension_numbers<[1], [1], [0], [0], [0, 0, 1, 0], [], []>, transpose_lhs_hint = false} : vector<64x768xf32>, vector<128x768xf32>, vector<64x128xf32> -> vector<64x128xf32>
    %get3A_555 = arith.constant 0 : index
    %get3A_556 = arith.constant 0 : index
    %get3A_557 = vector.load %arg3[%get3A_555, %get3A_556] : memref<64x1xf32, #tpu.memory_space<vmem>>, vector<64x1xf32>
    %add3A_558 = vector.broadcast %get3A_557 : vector<64x1xf32> to vector<64x128xf32>
    %add3A_559 = arith.addf %dot_general3A_554, %add3A_558 : vector<64x128xf32>
    %swap3A_560 = arith.constant 29 : index
    %swap3A_561 = arith.constant 0 : index
    %swap3A_562 = arith.constant 0 : index
    %swap3A_563 = vector.load %arg4[%swap3A_560, %swap3A_561, %swap3A_562] : memref<32x64x128xf32, #tpu.memory_space<vmem>>, vector<1x64x128xf32>
    %swap3A_564 = vector.shape_cast %swap3A_563 : vector<1x64x128xf32> to vector<64x128xf32>
    %swap3A_565 = vector.shape_cast %add3A_559 : vector<64x128xf32> to vector<1x64x128xf32>
    tpu.vector_store %arg4[%swap3A_560, %swap3A_561, %swap3A_562], %swap3A_565 {strides = array<i32>} : memref<32x64x128xf32, #tpu.memory_space<vmem>>, vector<1x64x128xf32>,
    %get3A_566 = arith.constant 3840 : index
    %get3A_567 = arith.constant 0 : index
    %get3A_568 = vector.load %arg1[%get3A_566, %get3A_567] : memref<4096x768xf32, #tpu.memory_space<vmem>>, vector<128x768xf32>
    %get3A_569 = arith.constant 0 : index
    %get3A_570 = arith.constant 0 : index
    %get3A_571 = vector.load %arg2[%get3A_569, %get3A_570] : memref<64x768xf32, #tpu.memory_space<vmem>>, vector<64x768xf32>
    %dot_general3A_572 = arith.constant dense<0.000000e+00> : vector<64x128xf32>
    %dot_general3A_573 = tpu.matmul %get3A_571, %get3A_568, %dot_general3A_572 {dimension_numbers = #tpu.dot_dimension_numbers<[1], [1], [0], [0], [0, 0, 1, 0], [], []>, transpose_lhs_hint = false} : vector<64x768xf32>, vector<128x768xf32>, vector<64x128xf32> -> vector<64x128xf32>
    %get3A_574 = arith.constant 0 : index
    %get3A_575 = arith.constant 0 : index
    %get3A_576 = vector.load %arg3[%get3A_574, %get3A_575] : memref<64x1xf32, #tpu.memory_space<vmem>>, vector<64x1xf32>
    %add3A_577 = vector.broadcast %get3A_576 : vector<64x1xf32> to vector<64x128xf32>
    %add3A_578 = arith.addf %dot_general3A_573, %add3A_577 : vector<64x128xf32>
    %swap3A_579 = arith.constant 30 : index
    %swap3A_580 = arith.constant 0 : index
    %swap3A_581 = arith.constant 0 : index
    %swap3A_582 = vector.load %arg4[%swap3A_579, %swap3A_580, %swap3A_581] : memref<32x64x128xf32, #tpu.memory_space<vmem>>, vector<1x64x128xf32>
    %swap3A_583 = vector.shape_cast %swap3A_582 : vector<1x64x128xf32> to vector<64x128xf32>
    %swap3A_584 = vector.shape_cast %add3A_578 : vector<64x128xf32> to vector<1x64x128xf32>
    tpu.vector_store %arg4[%swap3A_579, %swap3A_580, %swap3A_581], %swap3A_584 {strides = array<i32>} : memref<32x64x128xf32, #tpu.memory_space<vmem>>, vector<1x64x128xf32>,
    %get3A_585 = arith.constant 3968 : index
    %get3A_586 = arith.constant 0 : index
    %get3A_587 = vector.load %arg1[%get3A_585, %get3A_586] : memref<4096x768xf32, #tpu.memory_space<vmem>>, vector<128x768xf32>
    %get3A_588 = arith.constant 0 : index
    %get3A_589 = arith.constant 0 : index
    %get3A_590 = vector.load %arg2[%get3A_588, %get3A_589] : memref<64x768xf32, #tpu.memory_space<vmem>>, vector<64x768xf32>
    %dot_general3A_591 = arith.constant dense<0.000000e+00> : vector<64x128xf32>
    %dot_general3A_592 = tpu.matmul %get3A_590, %get3A_587, %dot_general3A_591 {dimension_numbers = #tpu.dot_dimension_numbers<[1], [1], [0], [0], [0, 0, 1, 0], [], []>, transpose_lhs_hint = false} : vector<64x768xf32>, vector<128x768xf32>, vector<64x128xf32> -> vector<64x128xf32>
    %get3A_593 = arith.constant 0 : index
    %get3A_594 = arith.constant 0 : index
    %get3A_595 = vector.load %arg3[%get3A_593, %get3A_594] : memref<64x1xf32, #tpu.memory_space<vmem>>, vector<64x1xf32>
    %add3A_596 = vector.broadcast %get3A_595 : vector<64x1xf32> to vector<64x128xf32>
    %add3A_597 = arith.addf %dot_general3A_592, %add3A_596 : vector<64x128xf32>
    %swap3A_598 = arith.constant 31 : index
    %swap3A_599 = arith.constant 0 : index
    %swap3A_600 = arith.constant 0 : index
    %swap3A_601 = vector.load %arg4[%swap3A_598, %swap3A_599, %swap3A_600] : memref<32x64x128xf32, #tpu.memory_space<vmem>>, vector<1x64x128xf32>
    %swap3A_602 = vector.shape_cast %swap3A_601 : vector<1x64x128xf32> to vector<64x128xf32>
    %swap3A_603 = vector.shape_cast %add3A_597 : vector<64x128xf32> to vector<1x64x128xf32>
    tpu.vector_store %arg4[%swap3A_598, %swap3A_599, %swap3A_600], %swap3A_603 {strides = array<i32>} : memref<32x64x128xf32, #tpu.memory_space<vmem>>, vector<1x64x128xf32>,
    return
  }
  func.func @transform_0(%arg0: i32) -> (i32, i32) {
    %c0_i32 = arith.constant 0 : i32
    %c0_i32_0 = arith.constant 0 : i32
    return %arg0, %c0_i32 : i32, i32
  }
  func.func @transform_1(%arg0: i32) -> (i32, i32) {
    %c0_i32 = arith.constant 0 : i32
    %c0_i32_0 = arith.constant 0 : i32
    %c0_i32_1 = arith.constant 0 : i32
    return %c0_i32, %c0_i32_0 : i32, i32
  }
  func.func @transform_2(%arg0: i32) -> (i32, i32) {
    %c0_i32 = arith.constant 0 : i32
    %c0_i32_0 = arith.constant 0 : i32
    %c0_i32_1 = arith.constant 0 : i32
    return %c0_i32, %c0_i32_0 : i32, i32
  }
  func.func @transform_3(%arg0: i32) -> (i32, i32, i32) {
    %c0_i32 = arith.constant 0 : i32
    %c0_i32_0 = arith.constant 0 : i32
    %c0_i32_1 = arith.constant 0 : i32
    return %arg0, %c0_i32, %c0_i32_0 : i32, i32, i32
  }
}

</mosaic_0001>

<sc_bundles>
// kernel: kernel.4.cloned.1.call-start
scs
__scs_entry_jumppad:
0x0: {  	(pc) =	sbr.rel $0x88, $3  }
0x1: {  	(tag) =	ssettag $0x0;
	lr =	simm.s32 $0x1  }
0x2: {  	[smem:$0x3F9E] =	sst lr;
	_ =	strace $0xD0000000  }
0x3: {  	_ = 	snop  }
0x4: {  	_ = 	snop  }
0x5: {  	_ = 	snop  }
0x6: {  	_ = 	snop  }
0x7: {  	_ = 	snop  }
__scs_overlays_trampoline_lowered:
0x8: {  	[smem:$0x3FAD] =	sst s0  }
0x9: {  	[smem:$0x3FAE] =	sst s1  }
0xa: {  	[smem:$0x3FAF] =	sst s2  }
0xb: {  	[smem:$0x3FB0] =	sst s3  }
0xc: {  	[smem:$0x3FB1] =	sst s4  }
0xd: {  	[smem:$0x3FB2] =	sst s5  }
0xe: {  	[smem:$0x3FB3] =	sst s6  }
0xf: {  	[smem:$0x3FB4] =	sst s7  }
0x10: {  	[smem:$0x3FB5] =	sst s8  }
0x11: {  	[smem:$0x3FB6] =	sst s9;
	s0 =	simm.s32 @!p0 $0x0  }
0x12: {  	s1 =	sld [smem:$0x3F9C];
	s0 =	simm.s32 @p0 $0x1  }
0x13: {  	[smem:$0x3FB7] =	sst s0;
	s0 =	simm.s32 @!p1 $0x0  }
0x14: {  	s2 =	sld [smem:$0x3F9B];
	s0 =	simm.s32 @p1 $0x1  }
0x15: {  	[smem:$0x3FB8] =	sst s0;
	s0 =	simm.s32 @!p2 $0x0  }
0x16: {  	s3 =	sld [smem:$0x3FDB];
	s0 =	simm.s32 @p2 $0x1  }
0x17: {  	s4 =	simm.s32 $0x1BF5;
	[smem:$0x3FBA] =	sst s0  }
0x18: {  	s0 =	sld [smem:$0x3F9D];
	_ =	swait.ge [sflag:s4], $0x0  }
0x19: {  	s7 =	sld [smem:$0x3F9E]  }
0x1a: {  	s8 =	sadd.s32 $0xFFFFE003, lr  }
0x1b: {  	s9 =	sadd.s32 $0xFFFFFEF7, lr;
	s5 =	simm.s32 $0xFFFFFFFF;
	p2 =	slt.u32 s8, $0xFFFFF086  }
0x1c: {  	p1 =	slt.u32 s9, $0xF7A;
	s5 =	simm.s32 @!p2 $0x0  }
0x1d: {  	s5 =	simm.s32 @p1 $0x1;
	p0 =	seq.s32 s7, s2  }
0x1e: {  	s7 =	smul.u32 @!p0 $0xF7A, s2;
	p2 =	seq.s32 @!p0 s5, $0x0  }
0x1f: {  	s9 =	smul.u32 $0xF7A, s1;
	s8 =	simm.s32 @!p0 $0x1BF5;
	p2 =	por !p2, p0  }
0x20: {  	[sflag:s8] =	ssyncset.s32 @!p0 $0xFFFFF086;
	s6 =	sadd.s32 @!p0 s3, s7;
	s7 =	simm.s32 @!p0 $0x108  }
0x21: {  	s3 =	sadd.s32 s3, s9;
	s6 =	sadd.s32 @!p0 $0x88, s6;
	s7 =	simm.s32 @p2 $0x1082  }
0x22: {  	[simem:s7], [sflag:s8] =	dma.local @!p0 [hbm:s6], $0xF7A  }
0x23: {  	s9 =	sor.u32 $0xD0000000, s2;
	s6 =	simm.s32 $0x108;
	_ =	swait.ge @!p0 [sflag:s8], $0x0  }
0x24: {  	s3 =	sadd.s32 $0x88, s3;
	s6 =	simm.s32 @!p1 $0x1082;
	[sflag:s4] =	ssyncset.s32 $0xFFFFF086  }
0x25: {  	[simem:s6], [sflag:s4] =	dma.local [hbm:s3], $0xF7A  }
0x26: {  	[smem:$0x3F9E] =	sst s1;
	(tag) =	ssettag s2;
	_ =	strace s9  }
0x27: {  	s1 =	sld [smem:$0x3FAE]  }
0x28: {  	s2 =	sld [smem:$0x3FAF]  }
0x29: {  	s4 =	sld [smem:$0x3FB1]  }
0x2a: {  	p0 =	seq.s32 s5, $0x0;
	s5 =	sld [smem:$0x3FB2]  }
0x2b: {  	s6 =	sld [smem:$0x3FB3]  }
0x2c: {  	s7 =	sld [smem:$0x3FB4]  }
0x2d: {  	s3 =	simm.s32 $0x108;
	s8 =	sld [smem:$0x3FB5]  }
0x2e: {  	s3 =	simm.s32 @!p0 $0x1082;
	s9 =	sld [smem:$0x3FB6]  }
0x2f: {  	lr =	sadd.s32 s0, s3;
	s0 =	sld [smem:$0x3FAD]  }
0x30: {  	s3 =	sld [smem:$0x3FB0]  }
0x31: {  	[smem:$0x3FB9] =	sst s10  }
0x32: {  	s10 =	sld [smem:$0x3FB7];
	_ =	sdelay $0x3  }
0x33: {  	p0 =	seq.s32 s10, $0x1;
	s10 =	sld [smem:$0x3FB9];
	_ =	sdelay $0x3  }
0x34: {  	[smem:$0x3FB9] =	sst s10  }
0x35: {  	s10 =	sld [smem:$0x3FB8];
	_ =	sdelay $0x3  }
0x36: {  	p1 =	seq.s32 s10, $0x1;
	s10 =	sld [smem:$0x3FB9];
	_ =	sdelay $0x3  }
0x37: {  	[smem:$0x3FB9] =	sst s10  }
0x38: {  	s10 =	sld [smem:$0x3FBA]  }
0x39: {  	_ = 	snop;
	(pc) =	sbr.ind lr, $3  }
0x3a: {  	_ = 	snop  }
0x3b: {  	_ = 	snop  }
0x3c: {  	p2 =	seq.s32 s10, $0x1;
	s10 =	sld [smem:$0x3FB9]  }
0x3d: {  	_ =	shalt  }
0x3e: {  	_ =	shalt  }
0x3f: {  	_ =	shalt  }
0x40: {  	_ =	shalt  }
0x41: {  	_ =	shalt  }
0x42: {  	_ =	shalt  }
0x43: {  	_ =	shalt  }
0x44: {  	_ =	shalt  }
0x45: {  	_ =	shalt  }
0x46: {  	_ =	shalt  }
0x47: {  	_ =	shalt  }
0x48: {  	_ =	shalt  }
0x49: {  	_ =	shalt  }
0x4a: {  	_ =	shalt  }
0x4b: {  	_ =	shalt  }
0x4c: {  	_ =	shalt  }
0x4d: {  	_ =	shalt  }
0x4e: {  	_ =	shalt  }
0x4f: {  	_ =	shalt  }
0x50: {  	_ =	shalt  }
0x51: {  	_ =	shalt  }
0x52: {  	_ =	shalt  }
0x53: {  	_ =	shalt  }
0x54: {  	_ =	shalt  }
0x55: {  	_ =	shalt  }
0x56: {  	_ =	shalt  }
0x57: {  	_ =	shalt  }
0x58: {  	_ =	shalt  }
0x59: {  	_ =	shalt  }
0x5a: {  	_ =	shalt  }
0x5b: {  	_ =	shalt  }
0x5c: {  	_ =	shalt  }
0x5d: {  	_ =	shalt  }
0x5e: {  	_ =	shalt  }
0x5f: {  	_ =	shalt  }
0x60: {  	_ =	shalt  }
0x61: {  	_ =	shalt  }
0x62: {  	_ =	shalt  }
0x63: {  	_ =	shalt  }
0x64: {  	_ =	shalt  }
0x65: {  	_ =	shalt  }
0x66: {  	_ =	shalt  }
0x67: {  	_ =	shalt  }
0x68: {  	_ =	shalt  }
0x69: {  	_ =	shalt  }
0x6a: {  	_ =	shalt  }
0x6b: {  	_ =	shalt  }
0x6c: {  	_ =	shalt  }
0x6d: {  	_ =	shalt  }
0x6e: {  	_ =	shalt  }
0x6f: {  	_ =	shalt  }
0x70: {  	_ =	shalt  }
0x71: {  	_ =	shalt  }
0x72: {  	_ =	shalt  }
0x73: {  	_ =	shalt  }
0x74: {  	_ =	shalt  }
0x75: {  	_ =	shalt  }
0x76: {  	_ =	shalt  }
0x77: {  	_ =	shalt  }
0x78: {  	_ =	shalt  }
0x79: {  	_ =	shalt  }
0x7a: {  	_ =	shalt  }
0x7b: {  	_ =	shalt  }
0x7c: {  	_ =	shalt  }
0x7d: {  	_ =	shalt  }
0x7e: {  	_ =	shalt  }
0x7f: {  	_ =	shalt  }
0x80: {  	_ =	shalt  }
0x81: {  	_ =	shalt  }
0x82: {  	_ =	shalt  }
0x83: {  	_ =	shalt  }
0x84: {  	_ =	shalt  }
0x85: {  	_ =	shalt  }
0x86: {  	_ =	shalt  }
0x87: {  	_ =	shalt  }
.Lfunc_end0:
.L_simem_size_0:
called_computation_lowered:
.L_overlay_start_0:
0x88: {  	s2 =	sld [smem:$0x3FD9]  }
0x89: {  	s3 =	sld [smem:$0x3FFE];
	_ =	sdelay $0x1  }
0x8a: {  	s1 =	srdreg.scid  }
0x8b: {  	s0 =	sand.u32 $0x1, s1  }
0x8c: {  	s17 =	sshll.u32 s0, $0xA;
	s2 =	sadd.s32 s3, s2  }
0x8d: {  	s2 =	sadd.s32 s2, s17  }
0x8e: {  	[smem:$0x3FC5] =	sst s2  }
0x8f: {  	_ = 	snop  }
0x90: {  	s2 =	sld [smem:$0x3FD0];
	(tm) =	ssettm $0x1  }
0x91: {  	s18 =	sld [smem:$0x3FFB];
	_ =	sdelay $0x3  }
0x92: {  	_ =	strace s18  }
0x93: {  	s3 =	sld [smem:$0x3FFC];
	_ =	sdelay $0x3  }
0x94: {  	_ =	strace s3  }
0x95: {  	s3 =	sld [smem:$0x3FFD];
	_ =	sdelay $0x3  }
0x96: {  	_ =	strace s3  }
0x97: {  	_ =	strace $0x8FFFFFFF  }
0x98: {  	s19 =	sld [smem:$0x3FDB];
	_ =	sdelay $0x1  }
0x99: {  	s4 =	simm.s32 $_scs_section_size  }
0x9a: {  	s5 =	simm.s32 $_size__tile_overlayer_lowered;
	s6 =	simm.s32 $_tile_overlayer_lowered  }
0x9b: {  	s22 =	simm.s32 $0x1BFF;
	s21 =	sshll.u32 s6, $0x1;
	s3 =	sadd.s32 s4, s19  }
0x9c: {  	s7 =	simm.s32 $0x0;
	s20 =	sshll.u32 s5, $0x1;
	s5 =	sadd.s32 s21, s3  }
0x9d: {  	[timem:s7], [sflag:s22] =	dma.local [hbm:s5], s20  }
0x9e: {  	_ =	swait.ge [sflag:s22], s20  }
0x9f: {  	s4 =	ssub.s32 $0x0, s20;
	[sflag:s22] =	ssyncset.done $0x0  }
0xa0: {  	[sflag:s22] =	ssyncadd.s32 s4;
	_ =	sdelay $0x1  }
0xa1: {  	s23 =	simm.s32 $0x1B8B  }
0xa2: {  	_ =	swait.ge [sflag:s23], $0x1  }
0xa3: {  	[sflag:s23] =	ssyncset.done $0x0  }
0xa4: {  	s25 =	simm.s32 $0x1B8E;
	s24 =	sld [smem:$0x3FFE];
	[sflag:s23] =	ssyncadd.s32 $0xFFFFFFFF  }
0xa5: {  	s26 =	simm.s32 $execute0_lowered;
	[smem:$0x3FD2] =	sst s25  }
0xa6: {  	s5 =	sshll.u32 s26, $0x1;
	_ =	strace $0x80000046;
	[dreg:$0x1] =	wrdreg $0xFFFFFFFF  }
0xa7: {  	s28 =	simm.s32 $_size_execute0_lowered;
	s3 =	sadd.s32 s3, s5;
	[dreg:$0x0] =	wrdreg $0x0  }
0xa8: {  	s5 =	sshll.u32 s28, $0x1;
	[dreg:$0x2] =	wrdreg s3  }
0xa9: {  	[dreg:$0x3] =	wrdreg s5  }
0xaa: {  	[dreg:$0x4] =	wrdreg $0xC0  }
0xab: {  	_ =	task [dreg:s7], $0x5FFFF  }
0xac: {  	[dreg:$0x1] =	wrdreg $0xFFFFFFFF  }
0xad: {  	[dreg:$0x0] =	wrdreg $0x60  }
0xae: {  	[dreg:$0x2] =	wrdreg s2  }
0xaf: {  	[dreg:$0x3] =	wrdreg s24  }
0xb0: {  	[dreg:$0x4] =	wrdreg $0x9  }
0xb1: {  	_ =	task.clear_ibuf [dreg:s7], $0x5FFFF;
	_ =	strace $0x90000046  }
0xb2: {  	s29 =	simm.s32 $0x9;
	_ =	strace $0x80000048  }
0xb3: {  	_ =	swait.ge [sflag:s29], $0x1  }
0xb4: {  	[sflag:s29] =	ssyncadd.s32 $0xFFFFFFFF  }
0xb5: {  	_ =	strace $0x90000048  }
0xb6: {  	_ =	sfence  }
0xb7: {  	s30 =	sld [smem:$0x0];
	_ =	sdelay $0x2  }
0xb8: {  	s31 =	sshll.u32 s1, $0xD;
	s1 =	sshrl.u32 s1, $0x2  }
0xb9: {  	s3 =	sand.u32 $0x4000, s31;
	s1 =	sadd.s32 s1, s30  }
0xba: {  	s0 =	sor.u32 s3, s0;
	s1 =	sshll.u32 s1, $0x11  }
0xbb: {  	s0 =	sor.u32 s1, s0  }
0xbc: {  	s0 =	sadd.s32 $0x8F2B, s0  }
0xbd: {  	[sflag:s0] =	ssyncadd.remote.s32 $0x1  }
0xbe: {  	_ =	sfence.sel $0xFFFF  }
0xbf: {  	[dreg:$0x0] =	wrdreg $0xFFFFFFFF;
	(pc) =	sbr.abs _section_cstart, $3  }
0xc0: {  	[dreg:$0x1] =	wrdreg $0xFFFFFFFF  }
0xc1: {  	_ =	task.clear_ibuf [dreg:s7], $0x2FFFF;
	_ =	strace $0x9FFFFFFF  }
0xc2: {  	(tm) =	ssettm $0x7FFFFFFF  }
0xc3: {  	_ =	shalt  }
tec
execute0_lowered:
.L_overlay_start_1:
0x0: {  	(tag) =	ssettag $0x1  }
0x1: {  	s3 =	rddreg [dreg:$0x0]  }
0x2: {  	s4 =	rddreg [dreg:$0x1];
	s2 =	srdreg.scid  }
0x3: {  	s0 =	rddreg [dreg:$0x2];
	s1 =	stileid.u32;
	s12 =	simm.s32 $0x4000  }
0x4: {  	s13 =	simm.s32 $0x1;
	s14 =	simm.s32 $0x8000;
	s15 =	simm.s32 $0x2  }
0x5: {  	s16 =	simm.s32 $0xC000;
	s17 =	simm.s32 $0x3;
	s18 =	simm.s32 $0x4  }
0x6: {  	s19 =	simm.s32 $0x0;
	s5 =	sand.u32 $0x1, s2;
	s2 =	simm.s32 $0x0  }
0x7: {  	s6 =	sshll.u32 s1, $0xE;
	s7 =	sshll.u32 s5, $0xD;
	[smem:$0x7FF] =	sst s2  }
0x8: {  	s5 =	ssub.s32 $0x2, s5;
	s6 =	sor.u32 s7, s6;
	_ =	strace $0x80000047  }
0x9: {  	v0 =	vimm.f32 $0.0e+00;
	s31 =	sshrl.u32 s5, $0x1;
	s3 =	sadd.s32 s3, s6;
	s10 =	sadd.s32 s6, s4  }
0xa: {  	v1 =	vimm.s32 $0x0;
	v2 =	vimm.s32 $0x3;
	v3 =	vimm.s32 $0x2;
	s11 =	ssub.s32 s5, s31;
	s4 =	sadd.s32 $0x800, s3;
	s5 =	sadd.s32 $0x800, s10  }
0xb: {  	v4 =	vimm.s32 $0x5;
	v5 =	vimm.s32 $0x4;
	v8 =	vlaneseq.u32;
	s6 =	sadd.s32 $0x1000, s3;
	s7 =	sadd.s32 $0x1000, s10;
	s8 =	sadd.s32 $0x1800, s3  }
0xc: {  	v6 =	vimm.s32 $0x7;
	v7 =	vimm.s32 $0x6;
	v8 =	vmul.u32 $0x40, v8;
	s9 =	sadd.s32 $0x1800, s10;
	s10 =	sadd.s32 $0x2000, s10;
	s11 =	smax.u32 s11, $0x1  }
.LBB2_1:
0xd: {  	[tilespmem:s2], [sflag:$0x1] =	stream.linear.gather [hbm4b:s3+s2], $0x4000, $0x38;
	[tilespmem:$0x10400] =	vst v63  }
0xe: {  	s20 =	simm.s32 $0x0;
	s21 =	simm.s32 $0x200  }
0xf: {  	[tilespmem:s12], [sflag:$0x2] =	stream.linear.gather [hbm4b:s4+s2], $0x4000, $0x38;
	[tilespmem:$0x10400] =	vst v63  }
.LBB2_2:
0x10: {  	p0 =	sne.s32 s21, $0xFE00;
	[tilespmem:s20+$0xC070] =	vst v0  }
0x11: {  	[tilespmem:s20+$0x8000] =	vst v0  }
0x12: {  	[tilespmem:s20+$0xC000] =	vst v0  }
0x13: {  	[tilespmem:s20+$0x8010] =	vst v0  }
0x14: {  	[tilespmem:s20+$0xC010] =	vst v0  }
0x15: {  	[tilespmem:s20+$0x8020] =	vst v0  }
0x16: {  	[tilespmem:s20+$0xC020] =	vst v0  }
0x17: {  	[tilespmem:s20+$0x8030] =	vst v0  }
0x18: {  	[tilespmem:s20+$0xC030] =	vst v0  }
0x19: {  	[tilespmem:s20+$0x8040] =	vst v0  }
0x1a: {  	[tilespmem:s20+$0xC040] =	vst v0  }
.Ltmp0:
0x1b: {  	[tilespmem:s20+$0x8050] =	vst v0;
	(pc) =	sbr.rel @p0 .LBB2_2-.Ltmp0, $4  }
0x1c: {  	[tilespmem:s20+$0xC050] =	vst v0  }
0x1d: {  	[tilespmem:s20+$0x8060] =	vst v0  }
0x1e: {  	[tilespmem:s20+$0xC060] =	vst v0  }
0x1f: {  	[tilespmem:s20+$0x8070] =	vst v0;
	s20 =	sshra.s32 s21, $0x2;
	s21 =	sadd.s32 $0x200, s21  }
0x20: {  	[tilespmem:s20+$0xC070] =	vst v0  }
0x21: {  	[tilespmem:s20+$0x8000] =	vst v0  }
0x22: {  	[tilespmem:s20+$0xC000] =	vst v0  }
0x23: {  	[tilespmem:s20+$0x8010] =	vst v0  }
0x24: {  	[tilespmem:s20+$0xC010] =	vst v0  }
0x25: {  	[tilespmem:s20+$0x8020] =	vst v0  }
0x26: {  	[tilespmem:s20+$0xC020] =	vst v0  }
0x27: {  	[tilespmem:s20+$0x8030] =	vst v0  }
0x28: {  	[tilespmem:s20+$0xC030] =	vst v0  }
0x29: {  	[tilespmem:s20+$0x8040] =	vst v0  }
0x2a: {  	[tilespmem:s20+$0xC040] =	vst v0  }
0x2b: {  	[tilespmem:s20+$0x8050] =	vst v0  }
0x2c: {  	[tilespmem:s20+$0xC050] =	vst v0  }
0x2d: {  	[tilespmem:s20+$0x8060] =	vst v0  }
0x2e: {  	[tilespmem:s20+$0xC060] =	vst v0  }
0x2f: {  	[tilespmem:s20+$0x8070] =	vst v0  }
0x30: {  	_ =	swait.ge [sflag:s13], $0x4000  }
0x31: {  	s20 =	simm.s32 $0x0;
	s21 =	simm.s32 $0x0;
	[sflag:s13] =	ssyncset.done $0x0  }
0x32: {  	s22 =	simm.s32 $0x0;
	s23 =	simm.s32 $0x0;
	[sflag:s13] =	ssyncadd.s32 $0xFFFFC000  }
.LBB2_4:
0x33: {  	s24 =	sshll.u32 s22, $0x2;
	s25 =	sand.u32 $0x3, s21  }
0x34: {  	s24 =	sand.u32 $0xFFFF8000, s24;
	s25 =	sshll.u32 s25, $0x7  }
0x35: {  	s24 =	sor.u32 s25, s24  }
0x36: {  	s24 =	sshrl.u32 s24, $0x2  }
0x37: {  	s26 =	sor.u32 $0x200, s24  }
0x38: {  	v11 =	vld [tilespmem:s26+$0xFFFFFF80]  }
0x39: {  	v12 =	vld [tilespmem:s26+$0x180]  }
0x3a: {  	v13 =	vld [tilespmem:s26+$0x0]  }
0x3b: {  	v14 =	vld [tilespmem:s26+$0x80]  }
0x3c: {  	v18 =	vld [tilespmem:s26+$0xFFFFFE00]  }
0x3d: {  	v17 =	vld [tilespmem:s26+$0x90]  }
0x3e: {  	v19 =	vld [tilespmem:s26+$0xFFFFFF00]  }
0x3f: {  	v20 =	vld [tilespmem:s26+$0xFFFFFE80]  }
0x40: {  	v26 =	vld [tilespmem:s26+$0x10]  }
0x41: {  	v16 =	vld [tilespmem:s26+$0x100];
	_ =	sdelay $0x1  }
0x42: {  	v10 =	vimm.f32 $-3.402823470e+38;
	v9 =	vimm.s32 $0x0  }
0x43: {  	vm0 =	vge.f32 v13, v14;
	vm4 =	vge.f32 v19, v11;
	vm6 =	vge.f32 v18, v20  }
0x44: {  	vm5 =	vge.f32 v26, v17;
	v21 =	vsel vm0, v13, v14;
	v13 =	vsel vm0, v14, v13  }
0x45: {  	v22 =	vsel vm0, $0x4, v4;
	v23 =	vsel vm0, $0x5, v5;
	vm0 =	vge.f32 v16, v12  }
0x46: {  	v24 =	vld [tilespmem:s26+$0xFFFFFE90];
	vm8 =	vmneg vm6;
	v32 =	vsel vm5, $0x4, v4;
	v35 =	vsel vm5, $0x5, v5  }
0x47: {  	v28 =	vld [tilespmem:s26+$0xFFFFFE10];
	v25 =	vsel vm0, v16, v12;
	v12 =	vsel vm0, v12, v16;
	v16 =	vsel vm0, $0x7, v7  }
0x48: {  	v15 =	vld [tilespmem:s26+$0x190];
	v27 =	vsel vm0, $0x6, v6;
	v31 =	vsel vm8, v20, v18;
	v18 =	vsel vm8, v18, v20  }
0x49: {  	v14 =	vld [tilespmem:s26+$0x110];
	v20 =	vsel vm8, $0x1, v1;
	vm1 =	vge.f32 v21, v25;
	vm2 =	vge.f32 v13, v12  }
0x4a: {  	v29 =	vsel vm1, v22, v27;
	v16 =	vsel vm2, v23, v16;
	v23 =	vsel vm4, v11, v19  }
0x4b: {  	v22 =	vsel vm1, v27, v22;
	v11 =	vsel vm4, v19, v11;
	v19 =	vsel vm1, v21, v25  }
0x4c: {  	v12 =	vsel vm2, v13, v12;
	v21 =	vsel vm1, v25, v21;
	vm2 =	vge.f32 v28, v24  }
0x4d: {  	v25 =	vsel vm4, $0x2, v2;
	vm1 =	vge.f32 v21, v12;
	vm7 =	vmneg vm2  }
0x4e: {  	vm13 =	vge.f32 v31, v11;
	vm14 =	vge.f32 v18, v23;
	vm0 =	vge.f32 v14, v15  }
0x4f: {  	v16 =	vsel vm1, v22, v16;
	v30 =	vsel vm7, v24, v28;
	v24 =	vsel vm7, v28, v24  }
0x50: {  	v27 =	vld [tilespmem:s26+$0xFFFFFF10];
	v21 =	vsel vm1, v21, v12;
	v12 =	vsel vm5, v26, v17;
	v58 =	vsel vm7, $0x1, v1  }
0x51: {  	v22 =	vld [tilespmem:s26+$0xFFFFFF90];
	v18 =	vsel vm14, v18, v23;
	v59 =	vsel vm13, v11, v31;
	v11 =	vsel vm13, v31, v11  }
0x52: {  	v13 =	vsel vm0, v14, v15;
	v14 =	vsel vm0, v15, v14;
	v15 =	vsel vm5, v17, v26  }
0x53: {  	v61 =	vsel vm13, v25, v20;
	v20 =	vsel vm13, v20, v25;
	vm3 =	vge.f32 v15, v14  }
0x54: {  	v14 =	vsel vm3, v15, v14;
	v15 =	vsel vm4, $0x3, v3;
	vm4 =	vge.f32 v12, v13  }
0x55: {  	v26 =	vsel vm2, $0x1, v1;
	v17 =	vsel vm4, v12, v13;
	v12 =	vsel vm4, v13, v12  }
0x56: {  	v13 =	vsel vm6, $0x1, v1;
	vm1 =	vge.f32 v12, v14;
	vm12 =	vge.f32 v27, v22  }
0x57: {  	v13 =	vsel vm14, v13, v15;
	v33 =	vsel vm12, v27, v22;
	v34 =	vsel vm12, $0x3, v3  }
0x58: {  	v22 =	vsel vm12, v22, v27;
	v27 =	vsel vm0, $0x6, v6;
	v23 =	vsel vm12, $0x2, v2  }
0x59: {  	v14 =	vsel vm1, v12, v14;
	vm2 =	vge.f32 v30, v33;
	vm5 =	vge.f32 v24, v22  }
0x5a: {  	v60 =	vsel vm4, v32, v27;
	v27 =	vsel vm4, v27, v32;
	v36 =	vsel vm2, v33, v30  }
0x5b: {  	v22 =	vsel vm5, v24, v22;
	v24 =	vsel vm0, $0x7, v7;
	v15 =	vsel vm2, v23, v58  }
0x5c: {  	vm0 =	vge.f32 v59, v18;
	v26 =	vsel vm5, v26, v34;
	v23 =	vsel vm2, v58, v23  }
0x5d: {  	vm9 =	vge.f32 v36, v22;
	v24 =	vsel vm3, v35, v24;
	vm3 =	vge.f32 v11, v19  }
0x5e: {  	v13 =	vsel vm0, v61, v13;
	v18 =	vsel vm0, v59, v18;
	v22 =	vsel vm9, v36, v22  }
0x5f: {  	v62 =	vsel vm3, v11, v19;
	v63 =	vsel vm3, v29, v20;
	v11 =	vsel vm3, v19, v11  }
0x60: {  	vm5 =	vge.f32 v18, v21;
	v15 =	vsel vm9, v15, v26;
	v19 =	vsel vm1, v27, v24  }
0x61: {  	v24 =	vsel vm2, v30, v33;
	vm0 =	vge.f32 v10, v62;
	vm4 =	vge.f32 v22, v14  }
0x62: {  	v18 =	vsel vm5, v18, v21;
	v13 =	vsel vm5, v13, v16;
	v16 =	vimm.f32 $-3.402823470e+38  }
0x63: {  	v12 =	vsel vm0, v10, v62;
	v15 =	vsel vm4, v15, v19;
	v21 =	vsel vm0, v62, v10  }
0x64: {  	v19 =	vsel vm3, v20, v29;
	vm15 =	vge.f32 v11, v18;
	vm3 =	vge.f32 v24, v17  }
0x65: {  	v11 =	vsel vm15, v11, v18;
	v26 =	vsel vm3, v17, v24;
	v19 =	vor.u32 s20, v19  }
0x66: {  	v27 =	vsel vm3, v60, v23;
	v25 =	vsel vm3, v23, v60;
	vm1 =	vge.f32 v10, v11  }
0x67: {  	v23 =	vsel vm15, v63, v13;
	v18 =	vsel vm1, v10, v11;
	v11 =	vsel vm4, v22, v14  }
0x68: {  	v13 =	vimm.s32 $0x0;
	v20 =	vsel vm0, v19, v9;
	vm4 =	vge.f32 v26, v11  }
0x69: {  	s28 =	simm.s32 $0x8;
	s25 =	sshll.u32 s23, $0xB;
	v14 =	vimm.s32 $0x0;
	vm2 =	vge.f32 v21, v18;
	v26 =	vsel vm4, v26, v11  }
0x6a: {  	s24 =	sshll.u32 s23, $0x5;
	s29 =	sadd.s32 $0x400, s26;
	s26 =	simm.s32 $0x0;
	v22 =	vsel vm4, v27, v15;
	v11 =	vimm.s32 $0x0;
	v15 =	vimm.f32 $-3.402823470e+38  }
.LBB2_5:
0x6b: {  	v27 =	vld [tilespmem:s29+$0xFFFFFF80];
	p0 =	sne.s32 s28, $0x38;
	v17 =	vsel vm3, v24, v17;
	v9 =	vsel vm0, v9, v19;
	v18 =	vsel vm2, v21, v18;
	v19 =	vmovc v12;
	s30 =	smov.u32 s28;
	s28 =	sadd.s32 $0x8, s28  }
0x6c: {  	v24 =	vor.u32 s26, v25;
	v21 =	vld [tilespmem:s29+$0x180];
	vm0 =	vge.f32 v10, v17  }
0x6d: {  	v25 =	vld [tilespmem:s29+$0x0];
	v10 =	vsel vm0, v10, v17;
	v28 =	vsel vm0, v24, v11;
	v11 =	vsel vm0, v11, v24  }
0x6e: {  	v24 =	vld [tilespmem:s29+$0x80]  }
0x6f: {  	v22 =	vor.u32 s26, v22;
	vm3 =	vge.f32 v16, v26;
	v29 =	vld [tilespmem:s29+$0x190]  }
0x70: {  	v23 =	vor.u32 s26, v23;
	v16 =	vsel vm3, v16, v26;
	s26 =	smov.u32 s30;
	v17 =	vsel vm0, v17, v15;
	v15 =	vmovc v10;
	v30 =	vld [tilespmem:s29+$0x100]  }
0x71: {  	v14 =	vsel vm1, v14, v23;
	v13 =	vsel vm3, v13, v22;
	vm0 =	vge.f32 v17, v16;
	v26 =	vld [tilespmem:s29+$0xFFFFFE00]  }
0x72: {  	v14 =	vsel vm2, v20, v14;
	v16 =	vsel vm0, v17, v16;
	v13 =	vsel vm0, v28, v13;
	v22 =	vld [tilespmem:s29+$0x90]  }
0x73: {  	v17 =	vld [tilespmem:s29+$0xFFFFFF00];
	vm0 =	vge.f32 v25, v24  }
0x74: {  	v20 =	vld [tilespmem:s29+$0xFFFFFE80];
	v23 =	vsel vm0, v25, v24;
	v24 =	vsel vm0, v24, v25  }
0x75: {  	v28 =	vsel vm0, $0x4, v4;
	v31 =	vsel vm0, $0x5, v5;
	v25 =	vld [tilespmem:s29+$0x110];
	vm0 =	vge.f32 v30, v21  }
0x76: {  	v32 =	vld [tilespmem:s29+$0xFFFFFE90];
	v33 =	vsel vm0, v30, v21;
	v21 =	vsel vm0, v21, v30;
	v30 =	vsel vm0, $0x7, v7  }
0x77: {  	v35 =	vsel vm0, $0x6, v6;
	v34 =	vld [tilespmem:s29+$0x10];
	vm3 =	vge.f32 v23, v33;
	vm4 =	vge.f32 v24, v21  }
0x78: {  	v36 =	vld [tilespmem:s29+$0xFFFFFE10];
	vm2 =	vge.f32 v17, v27;
	v37 =	vsel vm3, v28, v35;
	v30 =	vsel vm4, v31, v30  }
0x79: {  	v28 =	vsel vm3, v35, v28;
	vm1 =	vge.f32 v26, v20;
	v31 =	vsel vm2, v27, v17  }
0x7a: {  	v35 =	vsel vm3, v23, v33;
	v27 =	vsel vm2, v17, v27;
	vm0 =	vge.f32 v25, v29  }
0x7b: {  	v17 =	vsel vm4, v24, v21;
	v21 =	vsel vm0, v25, v29  }
0x7c: {  	v23 =	vsel vm3, v33, v23;
	v24 =	vsel vm0, v29, v25;
	vm5 =	vge.f32 v34, v22  }
0x7d: {  	vm4 =	vge.f32 v23, v17;
	vm6 =	vge.f32 v36, v32;
	v25 =	vsel vm5, v22, v34  }
0x7e: {  	v28 =	vsel vm4, v28, v30;
	v29 =	vld [tilespmem:s29+$0xFFFFFF90];
	vm7 =	vmneg vm6;
	vm3 =	vge.f32 v25, v24  }
0x7f: {  	v33 =	vsel vm2, $0x2, v2;
	v30 =	vld [tilespmem:s29+$0xFFFFFF10];
	v38 =	vsel vm7, v32, v36;
	v32 =	vsel vm7, v36, v32  }
0x80: {  	v23 =	vsel vm4, v23, v17;
	v22 =	vsel vm5, v34, v22;
	v24 =	vsel vm3, v25, v24  }
0x81: {  	v34 =	vsel vm6, $0x1, v1;
	vm4 =	vge.f32 v22, v21;
	v25 =	vsel vm2, $0x3, v3  }
0x82: {  	vm8 =	vmneg vm1;
	v17 =	vsel vm4, v22, v21;
	v21 =	vsel vm4, v21, v22  }
0x83: {  	v22 =	vsel vm1, $0x1, v1;
	v36 =	vsel vm7, $0x1, v1;
	vm1 =	vge.f32 v21, v24  }
0x84: {  	v39 =	vsel vm8, v20, v26;
	v40 =	vsel vm5, $0x4, v4;
	vm7 =	vge.f32 v30, v29  }
0x85: {  	vm6 =	vge.f32 v39, v27;
	v41 =	vsel vm7, v30, v29;
	v42 =	vsel vm7, $0x3, v3  }
0x86: {  	v29 =	vsel vm7, v29, v30;
	v30 =	vsel vm0, $0x6, v6;
	vm2 =	vge.f32 v38, v41  }
0x87: {  	v43 =	vsel vm5, $0x5, v5;
	vm9 =	vge.f32 v32, v29;
	v44 =	vsel vm2, v41, v38  }
0x88: {  	v20 =	vsel vm8, v26, v20;
	v26 =	vsel vm8, $0x1, v1;
	v29 =	vsel vm9, v32, v29  }
0x89: {  	vm8 =	vge.f32 v20, v31;
	v32 =	vsel vm0, $0x7, v7;
	vm5 =	vge.f32 v44, v29  }
0x8a: {  	v20 =	vsel vm8, v20, v31;
	v31 =	vsel vm7, $0x2, v2;
	v32 =	vsel vm3, v43, v32  }
0x8b: {  	v22 =	vsel vm8, v22, v25;
	v25 =	vsel vm2, v31, v36;
	v43 =	vsel vm6, v27, v39  }
0x8c: {  	v27 =	vsel vm6, v39, v27;
	v39 =	vsel vm4, v40, v30;
	vm0 =	vge.f32 v43, v20  }
0x8d: {  	v30 =	vsel vm4, v30, v40;
	vm3 =	vge.f32 v27, v35;
	v29 =	vsel vm5, v44, v29  }
0x8e: {  	v34 =	vsel vm9, v34, v42;
	v40 =	vsel vm6, v33, v26;
	v44 =	vsel vm3, v27, v35  }
0x8f: {  	v26 =	vsel vm6, v26, v33;
	v33 =	vsel vm1, v21, v24;
	v22 =	vsel vm0, v40, v22  }
0x90: {  	v20 =	vsel vm0, v43, v20;
	v40 =	vsel vm3, v37, v26;
	vm0 =	vge.f32 v12, v44  }
0x91: {  	v27 =	vsel vm3, v35, v27;
	vm4 =	vge.f32 v29, v33;
	v12 =	vsel vm0, v12, v44  }
0x92: {  	v21 =	vsel vm5, v25, v34;
	v24 =	vsel vm1, v30, v32;
	vm6 =	vge.f32 v20, v23  }
0x93: {  	v30 =	vsel vm4, v21, v24;
	v20 =	vsel vm6, v20, v23;
	v21 =	vsel vm0, v44, v19  }
0x94: {  	v24 =	vsel vm2, v38, v41;
	v19 =	vsel vm3, v26, v37;
	vm5 =	vge.f32 v27, v20  }
0x95: {  	v25 =	vsel vm2, v36, v31;
	vm3 =	vge.f32 v24, v17;
	v23 =	vsel vm5, v27, v20  }
.Ltmp1:
0x96: {  	v26 =	vsel vm3, v17, v24;
	v19 =	vor.u32 s26, v19;
	vm1 =	vge.f32 v18, v23;
	(pc) =	sbr.rel @p0 .LBB2_5-.Ltmp1, $4  }
0x97: {  	v27 =	vsel vm3, v39, v25;
	v20 =	vsel vm0, v19, v9;
	v18 =	vsel vm1, v18, v23  }
0x98: {  	v22 =	vsel vm6, v22, v28;
	v28 =	vsel vm4, v29, v33;
	vm2 =	vge.f32 v21, v18  }
0x99: {  	v25 =	vsel vm3, v25, v39;
	vm4 =	vge.f32 v26, v28  }
0x9a: {  	s29 =	sadd.s32 $0x400, s29;
	v26 =	vsel vm4, v26, v28;
	v23 =	vsel vm5, v40, v22;
	v22 =	vsel vm4, v27, v30  }
0x9b: {  	v18 =	vsel vm2, v21, v18  }
0x9c: {  	v12 =	vsub.f32 v18, v12;
	_ =	sdelay $0x1  }
0x9d: {  	v12 =	vmul.f32 $1.442695020e+00, v12;
	_ =	sdelay $0x1  }
0x9e: {  	(erf) = vpow2.f32 v12;
	_ =	sdelay $0x3  }
0x9f: {  	v49 =	vsel vm3, v24, v17  }
0xa0: {  	vm4 =	vge.f32 v16, v26;
	vm3 =	vge.f32 v10, v49  }
0xa1: {  	v16 =	vsel vm4, v16, v26;
	v15 =	vsel vm3, v49, v15  }
0xa2: {  	vm5 =	vge.f32 v15, v16  }
0xa3: {  	v10 =	vsel vm3, v10, v49;
	v50 =	vsel vm5, v15, v16  }
0xa4: {  	v10 =	vsub.f32 v50, v10;
	v51 =	vpop (erf)  }
0xa5: {  	v52 =	vadd.f32 $1.000000000e+00, v51  }
0xa6: {  	v10 =	vmul.f32 $1.442695020e+00, v10  }
0xa7: {  	(erf) = vrcp.f32 v52  }
0xa8: {  	(erf) = vpow2.f32 v10;
	_ =	sdelay $0x7  }
0xa9: {  	v10 =	vpop (erf)  }
0xaa: {  	v53 =	vpop (erf)  }
0xab: {  	v54 =	vadd.f32 $1.000000000e+00, v53;
	_ =	sdelay $0x1  }
0xac: {  	v55 =	vor.u32 s26, v23;
	(erf) = vrcp.f32 v54  }
0xad: {  	v9 =	vsel vm0, v9, v19;
	v56 =	vor.u32 s25, v8;
	v14 =	vsel vm1, v14, v55  }
0xae: {  	v57 =	vadd.s32 v56, v9;
	v14 =	vsel vm2, v20, v14  }
0xaf: {  	v60 =	vor.u32 s26, v22;
	v14 =	vadd.s32 v56, v14  }
0xb0: {  	v58 =	vor.u32 s26, v25;
	v9 =	vor.u32 $0x400, v8;
	v13 =	vsel vm4, v13, v60  }
0xb1: {  	v59 =	vsel vm3, v11, v58;
	v11 =	vsel vm3, v58, v11;
	v61 =	vor.u32 s25, v9  }
0xb2: {  	v63 =	vadd.s32 v61, v59;
	v11 =	vsel vm5, v11, v13;
	v62 =	vmul.f32 v10, v51  }
0xb3: {  	[tilespmem:v57+s14+$0x0] =	vst.idx.msk $0xffff, v10;
	v10 =	vadd.s32 v61, v11  }
0xb4: {  	s23 =	sadd.s32 $0x1, s23;
	[tilespmem:v14+s14+$0x0] =	vst.idx.msk $0xffff, v62  }
0xb5: {  	p0 =	sne.s32 s23, $0x8;
	[tilespmem:s24+$0x10000] =	vst v57;
	v11 =	vpop (erf)  }
.Ltmp2:
0xb6: {  	[tilespmem:s24+$0x10200] =	vst v14;
	v12 =	vmul.f32 v11, v53;
	(pc) =	sbr.rel @p0 .LBB2_4-.Ltmp2, $4  }
0xb7: {  	[tilespmem:v63+s14+$0x0] =	vst.idx.msk $0xffff, v11  }
0xb8: {  	[tilespmem:v10+s14+$0x0] =	vst.idx.msk $0xffff, v12  }
0xb9: {  	[tilespmem:s24+$0x10010] =	vst v63  }
0xba: {  	s22 =	sadd.s32 $0x800, s22;
	s21 =	sadd.s32 $0x1, s21;
	[tilespmem:s24+$0x10210] =	vst v10  }
0xbb: {  	s20 =	simm.s32 $0x0  }
0xbc: {  	[hbm4b:s5+s20] =	stream.linear.scatter [tilespmem:s14], [sflag:$0x3], $0x4000, $0x38;
	[tilespmem:$0x10400] =	vst v63  }
0xbd: {  	_ = 	snop  }
0xbe: {  	[tilespmem:s20], [sflag:$0x1] =	stream.linear.gather [hbm4b:s6+s20], $0x4000, $0x38;
	[tilespmem:$0x10400] =	vst v63  }
0xbf: {  	_ =	swait.ge [sflag:s15], $0x4000  }
0xc0: {  	s21 =	simm.s32 $0x0;
	[sflag:s15] =	ssyncset.done $0x0  }
0xc1: {  	s22 =	simm.s32 $0x0;
	s23 =	simm.s32 $0x0;
	[sflag:s15] =	ssyncadd.s32 $0xFFFFC000  }
.LBB2_8:
0xc2: {  	s24 =	sshll.u32 s22, $0x2;
	s25 =	sand.u32 $0x3, s21  }
0xc3: {  	s24 =	sand.u32 $0xFFFF8000, s24;
	s25 =	sshll.u32 s25, $0x7  }
0xc4: {  	s24 =	sor.u32 s25, s24  }
0xc5: {  	s24 =	sshrl.u32 s24, $0x2  }
0xc6: {  	s26 =	sadd.s32 $0x4200, s24  }
0xc7: {  	v12 =	vld [tilespmem:s26+$0xFFFFFF80]  }
0xc8: {  	v13 =	vld [tilespmem:s26+$0x180]  }
0xc9: {  	v14 =	vld [tilespmem:s26+$0x0]  }
0xca: {  	v15 =	vld [tilespmem:s26+$0x80]  }
0xcb: {  	v19 =	vld [tilespmem:s26+$0xFFFFFE00]  }
0xcc: {  	v18 =	vld [tilespmem:s26+$0x90]  }
0xcd: {  	v20 =	vld [tilespmem:s26+$0xFFFFFF00]  }
0xce: {  	v21 =	vld [tilespmem:s26+$0xFFFFFE80]  }
0xcf: {  	v27 =	vld [tilespmem:s26+$0x10]  }
0xd0: {  	v17 =	vld [tilespmem:s26+$0x100];
	_ =	sdelay $0x1  }
0xd1: {  	v11 =	vimm.f32 $-3.402823470e+38;
	v10 =	vimm.s32 $0x0  }
0xd2: {  	vm0 =	vge.f32 v14, v15;
	vm4 =	vge.f32 v20, v12;
	vm6 =	vge.f32 v19, v21  }
0xd3: {  	vm5 =	vge.f32 v27, v18;
	v22 =	vsel vm0, v14, v15;
	v14 =	vsel vm0, v15, v14  }
0xd4: {  	v23 =	vsel vm0, $0x4, v4;
	v24 =	vsel vm0, $0x5, v5;
	vm0 =	vge.f32 v17, v13  }
0xd5: {  	v25 =	vld [tilespmem:s26+$0xFFFFFE90];
	vm8 =	vmneg vm6;
	v33 =	vsel vm5, $0x4, v4;
	v36 =	vsel vm5, $0x5, v5  }
0xd6: {  	v29 =	vld [tilespmem:s26+$0xFFFFFE10];
	v26 =	vsel vm0, v17, v13;
	v13 =	vsel vm0, v13, v17;
	v17 =	vsel vm0, $0x7, v7  }
0xd7: {  	v16 =	vld [tilespmem:s26+$0x190];
	v28 =	vsel vm0, $0x6, v6;
	v32 =	vsel vm8, v21, v19;
	v19 =	vsel vm8, v19, v21  }
0xd8: {  	v15 =	vld [tilespmem:s26+$0x110];
	v21 =	vsel vm8, $0x1, v1;
	vm1 =	vge.f32 v22, v26;
	vm2 =	vge.f32 v14, v13  }
0xd9: {  	v30 =	vsel vm1, v23, v28;
	v17 =	vsel vm2, v24, v17;
	v24 =	vsel vm4, v12, v20  }
0xda: {  	v23 =	vsel vm1, v28, v23;
	v12 =	vsel vm4, v20, v12;
	v20 =	vsel vm1, v22, v26  }
0xdb: {  	v13 =	vsel vm2, v14, v13;
	v22 =	vsel vm1, v26, v22;
	vm2 =	vge.f32 v29, v25  }
0xdc: {  	v26 =	vsel vm4, $0x2, v2;
	vm1 =	vge.f32 v22, v13;
	vm7 =	vmneg vm2  }
0xdd: {  	vm13 =	vge.f32 v32, v12;
	vm14 =	vge.f32 v19, v24;
	vm0 =	vge.f32 v15, v16  }
0xde: {  	v17 =	vsel vm1, v23, v17;
	v31 =	vsel vm7, v25, v29;
	v25 =	vsel vm7, v29, v25  }
0xdf: {  	v28 =	vld [tilespmem:s26+$0xFFFFFF10];
	v22 =	vsel vm1, v22, v13;
	v13 =	vsel vm5, v27, v18;
	v29 =	vsel vm7, $0x1, v1  }
0xe0: {  	v23 =	vld [tilespmem:s26+$0xFFFFFF90];
	v19 =	vsel vm14, v19, v24;
	v59 =	vsel vm13, v12, v32;
	v12 =	vsel vm13, v32, v12  }
0xe1: {  	v14 =	vsel vm0, v15, v16;
	v15 =	vsel vm0, v16, v15;
	v16 =	vsel vm5, v18, v27  }
0xe2: {  	v61 =	vsel vm13, v26, v21;
	v21 =	vsel vm13, v21, v26;
	vm3 =	vge.f32 v16, v15  }
0xe3: {  	v15 =	vsel vm3, v16, v15;
	v16 =	vsel vm4, $0x3, v3;
	vm4 =	vge.f32 v13, v14  }
0xe4: {  	v27 =	vsel vm2, $0x1, v1;
	v18 =	vsel vm4, v13, v14;
	v13 =	vsel vm4, v14, v13  }
0xe5: {  	v14 =	vsel vm6, $0x1, v1;
	vm1 =	vge.f32 v13, v15;
	vm12 =	vge.f32 v28, v23  }
0xe6: {  	v14 =	vsel vm14, v14, v16;
	v34 =	vsel vm12, v28, v23;
	v35 =	vsel vm12, $0x3, v3  }
0xe7: {  	v23 =	vsel vm12, v23, v28;
	v28 =	vsel vm0, $0x6, v6;
	v24 =	vsel vm12, $0x2, v2  }
0xe8: {  	v15 =	vsel vm1, v13, v15;
	vm2 =	vge.f32 v31, v34;
	vm5 =	vge.f32 v25, v23  }
0xe9: {  	v60 =	vsel vm4, v33, v28;
	v28 =	vsel vm4, v28, v33;
	v37 =	vsel vm2, v34, v31  }
0xea: {  	v23 =	vsel vm5, v25, v23;
	v25 =	vsel vm0, $0x7, v7;
	v16 =	vsel vm2, v24, v29  }
0xeb: {  	vm0 =	vge.f32 v59, v19;
	v27 =	vsel vm5, v27, v35;
	v24 =	vsel vm2, v29, v24  }
0xec: {  	vm9 =	vge.f32 v37, v23;
	v25 =	vsel vm3, v36, v25;
	vm3 =	vge.f32 v12, v20  }
0xed: {  	v14 =	vsel vm0, v61, v14;
	v19 =	vsel vm0, v59, v19;
	v23 =	vsel vm9, v37, v23  }
0xee: {  	v62 =	vsel vm3, v12, v20;
	v63 =	vsel vm3, v30, v21;
	v12 =	vsel vm3, v20, v12  }
0xef: {  	vm5 =	vge.f32 v19, v22;
	v16 =	vsel vm9, v16, v27;
	v20 =	vsel vm1, v28, v25  }
0xf0: {  	v25 =	vsel vm2, v31, v34;
	vm0 =	vge.f32 v11, v62;
	vm4 =	vge.f32 v23, v15  }
0xf1: {  	v19 =	vsel vm5, v19, v22;
	v14 =	vsel vm5, v14, v17;
	v17 =	vimm.f32 $-3.402823470e+38  }
0xf2: {  	v13 =	vsel vm0, v11, v62;
	v16 =	vsel vm4, v16, v20;
	v22 =	vsel vm0, v62, v11  }
0xf3: {  	v20 =	vsel vm3, v21, v30;
	vm15 =	vge.f32 v12, v19;
	vm3 =	vge.f32 v25, v18  }
0xf4: {  	v12 =	vsel vm15, v12, v19;
	v27 =	vsel vm3, v18, v25;
	v20 =	vor.u32 s20, v20  }
0xf5: {  	v28 =	vsel vm3, v60, v24;
	v26 =	vsel vm3, v24, v60;
	vm1 =	vge.f32 v11, v12  }
0xf6: {  	v24 =	vsel vm15, v63, v14;
	v19 =	vsel vm1, v11, v12;
	v12 =	vsel vm4, v23, v15  }
0xf7: {  	v14 =	vimm.s32 $0x0;
	v21 =	vsel vm0, v20, v10;
	vm4 =	vge.f32 v27, v12  }
0xf8: {  	s28 =	simm.s32 $0x8;
	s25 =	sshll.u32 s23, $0xB;
	v15 =	vimm.s32 $0x0;
	vm2 =	vge.f32 v22, v19;
	v27 =	vsel vm4, v27, v12  }
0xf9: {  	s24 =	sshll.u32 s23, $0x5;
	s29 =	sadd.s32 $0x400, s26;
	s26 =	simm.s32 $0x0;
	v23 =	vsel vm4, v28, v16;
	v12 =	vimm.s32 $0x0;
	v16 =	vimm.f32 $-3.402823470e+38  }
.LBB2_9:
0xfa: {  	v28 =	vld [tilespmem:s29+$0xFFFFFF80];
	p0 =	sne.s32 s28, $0x38;
	v18 =	vsel vm3, v25, v18;
	v10 =	vsel vm0, v10, v20;
	v19 =	vsel vm2, v22, v19;
	v20 =	vmovc v13;
	s30 =	smov.u32 s28;
	s28 =	sadd.s32 $0x8, s28  }
0xfb: {  	v25 =	vor.u32 s26, v26;
	v22 =	vld [tilespmem:s29+$0x180];
	vm0 =	vge.f32 v11, v18  }
0xfc: {  	v26 =	vld [tilespmem:s29+$0x0];
	v11 =	vsel vm0, v11, v18;
	v29 =	vsel vm0, v25, v12;
	v12 =	vsel vm0, v12, v25  }
0xfd: {  	v25 =	vld [tilespmem:s29+$0x80]  }
0xfe: {  	v23 =	vor.u32 s26, v23;
	vm3 =	vge.f32 v17, v27;
	v30 =	vld [tilespmem:s29+$0x190]  }
0xff: {  	v24 =	vor.u32 s26, v24;
	v17 =	vsel vm3, v17, v27;
	s26 =	smov.u32 s30;
	v18 =	vsel vm0, v18, v16;
	v16 =	vmovc v11;
	v31 =	vld [tilespmem:s29+$0x100]  }
0x100: {  	v15 =	vsel vm1, v15, v24;
	v14 =	vsel vm3, v14, v23;
	vm0 =	vge.f32 v18, v17;
	v27 =	vld [tilespmem:s29+$0xFFFFFE00]  }
0x101: {  	v15 =	vsel vm2, v21, v15;
	v17 =	vsel vm0, v18, v17;
	v14 =	vsel vm0, v29, v14;
	v23 =	vld [tilespmem:s29+$0x90]  }
0x102: {  	v18 =	vld [tilespmem:s29+$0xFFFFFF00];
	vm0 =	vge.f32 v26, v25  }
0x103: {  	v21 =	vld [tilespmem:s29+$0xFFFFFE80];
	v24 =	vsel vm0, v26, v25;
	v25 =	vsel vm0, v25, v26  }
0x104: {  	v29 =	vsel vm0, $0x4, v4;
	v32 =	vsel vm0, $0x5, v5;
	v26 =	vld [tilespmem:s29+$0x110];
	vm0 =	vge.f32 v31, v22  }
0x105: {  	v33 =	vld [tilespmem:s29+$0xFFFFFE90];
	v34 =	vsel vm0, v31, v22;
	v22 =	vsel vm0, v22, v31;
	v31 =	vsel vm0, $0x7, v7  }
0x106: {  	v36 =	vsel vm0, $0x6, v6;
	v35 =	vld [tilespmem:s29+$0x10];
	vm3 =	vge.f32 v24, v34;
	vm4 =	vge.f32 v25, v22  }
0x107: {  	v37 =	vld [tilespmem:s29+$0xFFFFFE10];
	vm2 =	vge.f32 v18, v28;
	v38 =	vsel vm3, v29, v36;
	v31 =	vsel vm4, v32, v31  }
0x108: {  	v29 =	vsel vm3, v36, v29;
	vm1 =	vge.f32 v27, v21;
	v32 =	vsel vm2, v28, v18  }
0x109: {  	v36 =	vsel vm3, v24, v34;
	v28 =	vsel vm2, v18, v28;
	vm0 =	vge.f32 v26, v30  }
0x10a: {  	v18 =	vsel vm4, v25, v22;
	v22 =	vsel vm0, v26, v30  }
0x10b: {  	v24 =	vsel vm3, v34, v24;
	v25 =	vsel vm0, v30, v26;
	vm5 =	vge.f32 v35, v23  }
0x10c: {  	vm4 =	vge.f32 v24, v18;
	vm6 =	vge.f32 v37, v33;
	v26 =	vsel vm5, v23, v35  }
0x10d: {  	v29 =	vsel vm4, v29, v31;
	v30 =	vld [tilespmem:s29+$0xFFFFFF90];
	vm7 =	vmneg vm6;
	vm3 =	vge.f32 v26, v25  }
0x10e: {  	v34 =	vsel vm2, $0x2, v2;
	v31 =	vld [tilespmem:s29+$0xFFFFFF10];
	v39 =	vsel vm7, v33, v37;
	v33 =	vsel vm7, v37, v33  }
0x10f: {  	v24 =	vsel vm4, v24, v18;
	v23 =	vsel vm5, v35, v23;
	v25 =	vsel vm3, v26, v25  }
0x110: {  	v35 =	vsel vm6, $0x1, v1;
	vm4 =	vge.f32 v23, v22;
	v26 =	vsel vm2, $0x3, v3  }
0x111: {  	vm8 =	vmneg vm1;
	v18 =	vsel vm4, v23, v22;
	v22 =	vsel vm4, v22, v23  }
0x112: {  	v23 =	vsel vm1, $0x1, v1;
	v37 =	vsel vm7, $0x1, v1;
	vm1 =	vge.f32 v22, v25  }
0x113: {  	v40 =	vsel vm8, v21, v27;
	v41 =	vsel vm5, $0x4, v4;
	vm7 =	vge.f32 v31, v30  }
0x114: {  	vm6 =	vge.f32 v40, v28;
	v42 =	vsel vm7, v31, v30;
	v43 =	vsel vm7, $0x3, v3  }
0x115: {  	v30 =	vsel vm7, v30, v31;
	v31 =	vsel vm0, $0x6, v6;
	vm2 =	vge.f32 v39, v42  }
0x116: {  	v44 =	vsel vm5, $0x5, v5;
	vm9 =	vge.f32 v33, v30;
	v45 =	vsel vm2, v42, v39  }
0x117: {  	v21 =	vsel vm8, v27, v21;
	v27 =	vsel vm8, $0x1, v1;
	v30 =	vsel vm9, v33, v30  }
0x118: {  	vm8 =	vge.f32 v21, v32;
	v33 =	vsel vm0, $0x7, v7;
	vm5 =	vge.f32 v45, v30  }
0x119: {  	v21 =	vsel vm8, v21, v32;
	v32 =	vsel vm7, $0x2, v2;
	v33 =	vsel vm3, v44, v33  }
0x11a: {  	v23 =	vsel vm8, v23, v26;
	v26 =	vsel vm2, v32, v37;
	v44 =	vsel vm6, v28, v40  }
0x11b: {  	v28 =	vsel vm6, v40, v28;
	v40 =	vsel vm4, v41, v31;
	vm0 =	vge.f32 v44, v21  }
0x11c: {  	v31 =	vsel vm4, v31, v41;
	vm3 =	vge.f32 v28, v36;
	v30 =	vsel vm5, v45, v30  }
0x11d: {  	v35 =	vsel vm9, v35, v43;
	v41 =	vsel vm6, v34, v27;
	v45 =	vsel vm3, v28, v36  }
0x11e: {  	v27 =	vsel vm6, v27, v34;
	v34 =	vsel vm1, v22, v25;
	v23 =	vsel vm0, v41, v23  }
0x11f: {  	v21 =	vsel vm0, v44, v21;
	v41 =	vsel vm3, v38, v27;
	vm0 =	vge.f32 v13, v45  }
0x120: {  	v28 =	vsel vm3, v36, v28;
	vm4 =	vge.f32 v30, v34;
	v13 =	vsel vm0, v13, v45  }
0x121: {  	v22 =	vsel vm5, v26, v35;
	v25 =	vsel vm1, v31, v33;
	vm6 =	vge.f32 v21, v24  }
0x122: {  	v31 =	vsel vm4, v22, v25;
	v21 =	vsel vm6, v21, v24;
	v22 =	vsel vm0, v45, v20  }
0x123: {  	v25 =	vsel vm2, v39, v42;
	v20 =	vsel vm3, v27, v38;
	vm5 =	vge.f32 v28, v21  }
0x124: {  	v26 =	vsel vm2, v37, v32;
	vm3 =	vge.f32 v25, v18;
	v24 =	vsel vm5, v28, v21  }
.Ltmp3:
0x125: {  	v27 =	vsel vm3, v18, v25;
	v20 =	vor.u32 s26, v20;
	vm1 =	vge.f32 v19, v24;
	(pc) =	sbr.rel @p0 .LBB2_9-.Ltmp3, $4  }
0x126: {  	v28 =	vsel vm3, v40, v26;
	v21 =	vsel vm0, v20, v10;
	v19 =	vsel vm1, v19, v24  }
0x127: {  	v23 =	vsel vm6, v23, v29;
	v29 =	vsel vm4, v30, v34;
	vm2 =	vge.f32 v22, v19  }
0x128: {  	v26 =	vsel vm3, v26, v40;
	vm4 =	vge.f32 v27, v29  }
0x129: {  	s29 =	sadd.s32 $0x400, s29;
	v27 =	vsel vm4, v27, v29;
	v24 =	vsel vm5, v41, v23;
	v23 =	vsel vm4, v28, v31  }
0x12a: {  	v19 =	vsel vm2, v22, v19  }
0x12b: {  	v13 =	vsub.f32 v19, v13;
	_ =	sdelay $0x1  }
0x12c: {  	v13 =	vmul.f32 $1.442695020e+00, v13;
	_ =	sdelay $0x1  }
0x12d: {  	(erf) = vpow2.f32 v13;
	_ =	sdelay $0x3  }
0x12e: {  	v48 =	vsel vm3, v25, v18  }
0x12f: {  	vm4 =	vge.f32 v17, v27;
	vm3 =	vge.f32 v11, v48  }
0x130: {  	v17 =	vsel vm4, v17, v27;
	v16 =	vsel vm3, v48, v16  }
0x131: {  	vm5 =	vge.f32 v16, v17  }
0x132: {  	v11 =	vsel vm3, v11, v48;
	v49 =	vsel vm5, v16, v17  }
0x133: {  	v11 =	vsub.f32 v49, v11;
	v50 =	vpop (erf)  }
0x134: {  	v51 =	vadd.f32 $1.000000000e+00, v50  }
0x135: {  	v11 =	vmul.f32 $1.442695020e+00, v11  }
0x136: {  	(erf) = vrcp.f32 v51  }
0x137: {  	(erf) = vpow2.f32 v11;
	_ =	sdelay $0x7  }
0x138: {  	v11 =	vpop (erf)  }
0x139: {  	v52 =	vpop (erf)  }
0x13a: {  	v53 =	vadd.f32 $1.000000000e+00, v52;
	_ =	sdelay $0x1  }
0x13b: {  	v54 =	vor.u32 s26, v24;
	(erf) = vrcp.f32 v53  }
0x13c: {  	v10 =	vsel vm0, v10, v20;
	v55 =	vor.u32 s25, v8;
	v15 =	vsel vm1, v15, v54  }
0x13d: {  	v10 =	vadd.s32 v55, v10;
	v15 =	vsel vm2, v21, v15  }
0x13e: {  	v15 =	vadd.s32 v55, v15  }
0x13f: {  	v56 =	vor.u32 s26, v26;
	v58 =	vor.u32 s26, v23;
	v60 =	vor.u32 s25, v9  }
0x140: {  	v14 =	vsel vm4, v14, v58;
	v57 =	vsel vm3, v12, v56;
	v59 =	vsel vm3, v56, v12  }
0x141: {  	v62 =	vadd.s32 v60, v57;
	v12 =	vsel vm5, v59, v14;
	v61 =	vmul.f32 v11, v50  }
0x142: {  	[tilespmem:v10+s16+$0x0] =	vst.idx.msk $0xffff, v11;
	v11 =	vadd.s32 v60, v12  }
0x143: {  	s23 =	sadd.s32 $0x1, s23;
	[tilespmem:v15+s16+$0x0] =	vst.idx.msk $0xffff, v61  }
0x144: {  	p0 =	sne.s32 s23, $0x8;
	[tilespmem:s24+$0x10100] =	vst v10;
	v10 =	vpop (erf)  }
.Ltmp4:
0x145: {  	[tilespmem:s24+$0x10300] =	vst v15;
	v63 =	vmul.f32 v10, v52;
	(pc) =	sbr.rel @p0 .LBB2_8-.Ltmp4, $4  }
0x146: {  	[tilespmem:v62+s16+$0x0] =	vst.idx.msk $0xffff, v10  }
0x147: {  	[tilespmem:v11+s16+$0x0] =	vst.idx.msk $0xffff, v63  }
0x148: {  	[tilespmem:s24+$0x10110] =	vst v62  }
0x149: {  	s22 =	sadd.s32 $0x800, s22;
	s21 =	sadd.s32 $0x1, s21;
	[tilespmem:s24+$0x10310] =	vst v11  }
0x14a: {  	s20 =	simm.s32 $0x0  }
0x14b: {  	[hbm4b:s7+s20] =	stream.linear.scatter [tilespmem:s16], [sflag:$0x4], $0x4000, $0x38;
	[tilespmem:$0x10400] =	vst v63  }
0x14c: {  	_ = 	snop  }
0x14d: {  	[tilespmem:s12], [sflag:$0x2] =	stream.linear.gather [hbm4b:s8+s20], $0x4000, $0x38;
	[tilespmem:$0x10400] =	vst v63  }
0x14e: {  	_ =	swait.ge [sflag:s13], $0x4000  }
0x14f: {  	[sflag:s13] =	ssyncset.done $0x0  }
0x150: {  	[sflag:s13] =	ssyncadd.s32 $0xFFFFC000  }
0x151: {  	_ =	swait.ge [sflag:s17], $0x4000  }
0x152: {  	[sflag:s17] =	ssyncset.done $0x0  }
0x153: {  	[sflag:s17] =	ssyncadd.s32 $0xFFFFC000  }
0x154: {  	v10 =	vld [tilespmem:$0x10000]  }
0x155: {  	v11 =	vld [tilespmem:$0x10200];
	_ =	sdelay $0x6  }
0x156: {  	[tilespmem:v10+s14+$0x0] =	vst.idx.msk $0xffff, v0  }
0x157: {  	[tilespmem:v11+s14+$0x0] =	vst.idx.msk $0xffff, v0  }
0x158: {  	v10 =	vld [tilespmem:$0x10010]  }
0x159: {  	v11 =	vld [tilespmem:$0x10210];
	_ =	sdelay $0x6  }
0x15a: {  	[tilespmem:v10+s14+$0x0] =	vst.idx.msk $0xffff, v0  }
0x15b: {  	[tilespmem:v11+s14+$0x0] =	vst.idx.msk $0xffff, v0  }
0x15c: {  	v10 =	vld [tilespmem:$0x10020]  }
0x15d: {  	v11 =	vld [tilespmem:$0x10220];
	_ =	sdelay $0x6  }
0x15e: {  	[tilespmem:v10+s14+$0x0] =	vst.idx.msk $0xffff, v0  }
0x15f: {  	[tilespmem:v11+s14+$0x0] =	vst.idx.msk $0xffff, v0  }
0x160: {  	v10 =	vld [tilespmem:$0x10030]  }
0x161: {  	v11 =	vld [tilespmem:$0x10230];
	_ =	sdelay $0x6  }
0x162: {  	[tilespmem:v10+s14+$0x0] =	vst.idx.msk $0xffff, v0  }
0x163: {  	[tilespmem:v11+s14+$0x0] =	vst.idx.msk $0xffff, v0  }
0x164: {  	v10 =	vld [tilespmem:$0x10040]  }
0x165: {  	v11 =	vld [tilespmem:$0x10240];
	_ =	sdelay $0x6  }
0x166: {  	[tilespmem:v10+s14+$0x0] =	vst.idx.msk $0xffff, v0  }
0x167: {  	[tilespmem:v11+s14+$0x0] =	vst.idx.msk $0xffff, v0  }
0x168: {  	v10 =	vld [tilespmem:$0x10050]  }
0x169: {  	v11 =	vld [tilespmem:$0x10250];
	_ =	sdelay $0x6  }
0x16a: {  	[tilespmem:v10+s14+$0x0] =	vst.idx.msk $0xffff, v0  }
0x16b: {  	[tilespmem:v11+s14+$0x0] =	vst.idx.msk $0xffff, v0  }
0x16c: {  	v10 =	vld [tilespmem:$0x10060]  }
0x16d: {  	v11 =	vld [tilespmem:$0x10260];
	_ =	sdelay $0x6  }
0x16e: {  	[tilespmem:v10+s14+$0x0] =	vst.idx.msk $0xffff, v0  }
0x16f: {  	[tilespmem:v11+s14+$0x0] =	vst.idx.msk $0xffff, v0  }
0x170: {  	v10 =	vld [tilespmem:$0x10070]  }
0x171: {  	v11 =	vld [tilespmem:$0x10270];
	_ =	sdelay $0x6  }
0x172: {  	[tilespmem:v10+s14+$0x0] =	vst.idx.msk $0xffff, v0  }
0x173: {  	[tilespmem:v11+s14+$0x0] =	vst.idx.msk $0xffff, v0  }
0x174: {  	v10 =	vld [tilespmem:$0x10080]  }
0x175: {  	v11 =	vld [tilespmem:$0x10280];
	_ =	sdelay $0x6  }
0x176: {  	[tilespmem:v10+s14+$0x0] =	vst.idx.msk $0xffff, v0  }
0x177: {  	[tilespmem:v11+s14+$0x0] =	vst.idx.msk $0xffff, v0  }
0x178: {  	v10 =	vld [tilespmem:$0x10090]  }
0x179: {  	v11 =	vld [tilespmem:$0x10290];
	_ =	sdelay $0x6  }
0x17a: {  	[tilespmem:v10+s14+$0x0] =	vst.idx.msk $0xffff, v0  }
0x17b: {  	[tilespmem:v11+s14+$0x0] =	vst.idx.msk $0xffff, v0  }
0x17c: {  	v10 =	vld [tilespmem:$0x100A0]  }
0x17d: {  	v11 =	vld [tilespmem:$0x102A0];
	_ =	sdelay $0x6  }
0x17e: {  	[tilespmem:v10+s14+$0x0] =	vst.idx.msk $0xffff, v0  }
0x17f: {  	[tilespmem:v11+s14+$0x0] =	vst.idx.msk $0xffff, v0  }
0x180: {  	v10 =	vld [tilespmem:$0x100B0]  }
0x181: {  	v11 =	vld [tilespmem:$0x102B0];
	_ =	sdelay $0x6  }
0x182: {  	[tilespmem:v10+s14+$0x0] =	vst.idx.msk $0xffff, v0  }
0x183: {  	[tilespmem:v11+s14+$0x0] =	vst.idx.msk $0xffff, v0  }
0x184: {  	v10 =	vld [tilespmem:$0x100C0]  }
0x185: {  	v11 =	vld [tilespmem:$0x102C0];
	_ =	sdelay $0x6  }
0x186: {  	[tilespmem:v10+s14+$0x0] =	vst.idx.msk $0xffff, v0  }
0x187: {  	[tilespmem:v11+s14+$0x0] =	vst.idx.msk $0xffff, v0  }
0x188: {  	v10 =	vld [tilespmem:$0x100D0]  }
0x189: {  	v11 =	vld [tilespmem:$0x102D0];
	_ =	sdelay $0x6  }
0x18a: {  	[tilespmem:v10+s14+$0x0] =	vst.idx.msk $0xffff, v0  }
0x18b: {  	[tilespmem:v11+s14+$0x0] =	vst.idx.msk $0xffff, v0  }
0x18c: {  	v10 =	vld [tilespmem:$0x100E0]  }
0x18d: {  	v11 =	vld [tilespmem:$0x102E0];
	_ =	sdelay $0x6  }
0x18e: {  	[tilespmem:v10+s14+$0x0] =	vst.idx.msk $0xffff, v0  }
0x18f: {  	[tilespmem:v11+s14+$0x0] =	vst.idx.msk $0xffff, v0  }
0x190: {  	v10 =	vld [tilespmem:$0x100F0]  }
0x191: {  	v11 =	vld [tilespmem:$0x102F0];
	_ =	sdelay $0x6  }
0x192: {  	[tilespmem:v10+s14+$0x0] =	vst.idx.msk $0xffff, v0  }
0x193: {  	s21 =	simm.s32 $0x0;
	s22 =	simm.s32 $0x0;
	s23 =	simm.s32 $0x0;
	[tilespmem:v11+s14+$0x0] =	vst.idx.msk $0xffff, v0  }
.LBB2_12:
0x194: {  	s24 =	sshll.u32 s22, $0x2;
	s25 =	sand.u32 $0x3, s21  }
0x195: {  	s24 =	sand.u32 $0xFFFF8000, s24;
	s25 =	sshll.u32 s25, $0x7  }
0x196: {  	s24 =	sor.u32 s25, s24  }
0x197: {  	s24 =	sshrl.u32 s24, $0x2  }
0x198: {  	s26 =	sor.u32 $0x200, s24  }
0x199: {  	v12 =	vld [tilespmem:s26+$0xFFFFFF80]  }
0x19a: {  	v13 =	vld [tilespmem:s26+$0x180]  }
0x19b: {  	v14 =	vld [tilespmem:s26+$0x0]  }
0x19c: {  	v15 =	vld [tilespmem:s26+$0x80]  }
0x19d: {  	v19 =	vld [tilespmem:s26+$0xFFFFFE00]  }
0x19e: {  	v18 =	vld [tilespmem:s26+$0x90]  }
0x19f: {  	v20 =	vld [tilespmem:s26+$0xFFFFFF00]  }
0x1a0: {  	v21 =	vld [tilespmem:s26+$0xFFFFFE80]  }
0x1a1: {  	v27 =	vld [tilespmem:s26+$0x10]  }
0x1a2: {  	v17 =	vld [tilespmem:s26+$0x100];
	_ =	sdelay $0x1  }
0x1a3: {  	v11 =	vimm.f32 $-3.402823470e+38;
	v10 =	vimm.s32 $0x0  }
0x1a4: {  	vm0 =	vge.f32 v14, v15;
	vm4 =	vge.f32 v20, v12;
	vm6 =	vge.f32 v19, v21  }
0x1a5: {  	vm5 =	vge.f32 v27, v18;
	v22 =	vsel vm0, v14, v15;
	v14 =	vsel vm0, v15, v14  }
0x1a6: {  	v23 =	vsel vm0, $0x4, v4;
	v24 =	vsel vm0, $0x5, v5;
	vm0 =	vge.f32 v17, v13  }
0x1a7: {  	v25 =	vld [tilespmem:s26+$0xFFFFFE90];
	vm8 =	vmneg vm6;
	v33 =	vsel vm5, $0x4, v4;
	v36 =	vsel vm5, $0x5, v5  }
0x1a8: {  	v29 =	vld [tilespmem:s26+$0xFFFFFE10];
	v26 =	vsel vm0, v17, v13;
	v13 =	vsel vm0, v13, v17;
	v17 =	vsel vm0, $0x7, v7  }
0x1a9: {  	v16 =	vld [tilespmem:s26+$0x190];
	v28 =	vsel vm0, $0x6, v6;
	v32 =	vsel vm8, v21, v19;
	v19 =	vsel vm8, v19, v21  }
0x1aa: {  	v15 =	vld [tilespmem:s26+$0x110];
	v21 =	vsel vm8, $0x1, v1;
	vm1 =	vge.f32 v22, v26;
	vm2 =	vge.f32 v14, v13  }
0x1ab: {  	v30 =	vsel vm1, v23, v28;
	v17 =	vsel vm2, v24, v17;
	v24 =	vsel vm4, v12, v20  }
0x1ac: {  	v23 =	vsel vm1, v28, v23;
	v12 =	vsel vm4, v20, v12;
	v20 =	vsel vm1, v22, v26  }
0x1ad: {  	v13 =	vsel vm2, v14, v13;
	v22 =	vsel vm1, v26, v22;
	vm2 =	vge.f32 v29, v25  }
0x1ae: {  	v26 =	vsel vm4, $0x2, v2;
	vm1 =	vge.f32 v22, v13;
	vm7 =	vmneg vm2  }
0x1af: {  	vm13 =	vge.f32 v32, v12;
	vm14 =	vge.f32 v19, v24;
	vm0 =	vge.f32 v15, v16  }
0x1b0: {  	v17 =	vsel vm1, v23, v17;
	v31 =	vsel vm7, v25, v29;
	v25 =	vsel vm7, v29, v25  }
0x1b1: {  	v28 =	vld [tilespmem:s26+$0xFFFFFF10];
	v22 =	vsel vm1, v22, v13;
	v13 =	vsel vm5, v27, v18;
	v29 =	vsel vm7, $0x1, v1  }
0x1b2: {  	v23 =	vld [tilespmem:s26+$0xFFFFFF90];
	v19 =	vsel vm14, v19, v24;
	v59 =	vsel vm13, v12, v32;
	v12 =	vsel vm13, v32, v12  }
0x1b3: {  	v14 =	vsel vm0, v15, v16;
	v15 =	vsel vm0, v16, v15;
	v16 =	vsel vm5, v18, v27  }
0x1b4: {  	v61 =	vsel vm13, v26, v21;
	v21 =	vsel vm13, v21, v26;
	vm3 =	vge.f32 v16, v15  }
0x1b5: {  	v15 =	vsel vm3, v16, v15;
	v16 =	vsel vm4, $0x3, v3;
	vm4 =	vge.f32 v13, v14  }
0x1b6: {  	v27 =	vsel vm2, $0x1, v1;
	v18 =	vsel vm4, v13, v14;
	v13 =	vsel vm4, v14, v13  }
0x1b7: {  	v14 =	vsel vm6, $0x1, v1;
	vm1 =	vge.f32 v13, v15;
	vm12 =	vge.f32 v28, v23  }
0x1b8: {  	v14 =	vsel vm14, v14, v16;
	v34 =	vsel vm12, v28, v23;
	v35 =	vsel vm12, $0x3, v3  }
0x1b9: {  	v23 =	vsel vm12, v23, v28;
	v28 =	vsel vm0, $0x6, v6;
	v24 =	vsel vm12, $0x2, v2  }
0x1ba: {  	v15 =	vsel vm1, v13, v15;
	vm2 =	vge.f32 v31, v34;
	vm5 =	vge.f32 v25, v23  }
0x1bb: {  	v60 =	vsel vm4, v33, v28;
	v28 =	vsel vm4, v28, v33;
	v37 =	vsel vm2, v34, v31  }
0x1bc: {  	v23 =	vsel vm5, v25, v23;
	v25 =	vsel vm0, $0x7, v7;
	v16 =	vsel vm2, v24, v29  }
0x1bd: {  	vm0 =	vge.f32 v59, v19;
	v27 =	vsel vm5, v27, v35;
	v24 =	vsel vm2, v29, v24  }
0x1be: {  	vm9 =	vge.f32 v37, v23;
	v25 =	vsel vm3, v36, v25;
	vm3 =	vge.f32 v12, v20  }
0x1bf: {  	v14 =	vsel vm0, v61, v14;
	v19 =	vsel vm0, v59, v19;
	v23 =	vsel vm9, v37, v23  }
0x1c0: {  	v62 =	vsel vm3, v12, v20;
	v63 =	vsel vm3, v30, v21;
	v12 =	vsel vm3, v20, v12  }
0x1c1: {  	vm5 =	vge.f32 v19, v22;
	v16 =	vsel vm9, v16, v27;
	v20 =	vsel vm1, v28, v25  }
0x1c2: {  	v25 =	vsel vm2, v31, v34;
	vm0 =	vge.f32 v11, v62;
	vm4 =	vge.f32 v23, v15  }
0x1c3: {  	v19 =	vsel vm5, v19, v22;
	v14 =	vsel vm5, v14, v17;
	v17 =	vimm.f32 $-3.402823470e+38  }
0x1c4: {  	v13 =	vsel vm0, v11, v62;
	v16 =	vsel vm4, v16, v20;
	v22 =	vsel vm0, v62, v11  }
0x1c5: {  	v20 =	vsel vm3, v21, v30;
	vm15 =	vge.f32 v12, v19;
	vm3 =	vge.f32 v25, v18  }
0x1c6: {  	v12 =	vsel vm15, v12, v19;
	v27 =	vsel vm3, v18, v25;
	v20 =	vor.u32 s20, v20  }
0x1c7: {  	v28 =	vsel vm3, v60, v24;
	v26 =	vsel vm3, v24, v60;
	vm1 =	vge.f32 v11, v12  }
0x1c8: {  	v24 =	vsel vm15, v63, v14;
	v19 =	vsel vm1, v11, v12;
	v12 =	vsel vm4, v23, v15  }
0x1c9: {  	v14 =	vimm.s32 $0x0;
	v21 =	vsel vm0, v20, v10;
	vm4 =	vge.f32 v27, v12  }
0x1ca: {  	s28 =	simm.s32 $0x8;
	s25 =	sshll.u32 s23, $0xB;
	v15 =	vimm.s32 $0x0;
	vm2 =	vge.f32 v22, v19;
	v27 =	vsel vm4, v27, v12  }
0x1cb: {  	s24 =	sshll.u32 s23, $0x5;
	s29 =	sadd.s32 $0x400, s26;
	s26 =	simm.s32 $0x0;
	v23 =	vsel vm4, v28, v16;
	v12 =	vimm.s32 $0x0;
	v16 =	vimm.f32 $-3.402823470e+38  }
.LBB2_13:
0x1cc: {  	v28 =	vld [tilespmem:s29+$0xFFFFFF80];
	p0 =	sne.s32 s28, $0x38;
	v18 =	vsel vm3, v25, v18;
	v10 =	vsel vm0, v10, v20;
	v19 =	vsel vm2, v22, v19;
	v20 =	vmovc v13;
	s30 =	smov.u32 s28;
	s28 =	sadd.s32 $0x8, s28  }
0x1cd: {  	v25 =	vor.u32 s26, v26;
	v22 =	vld [tilespmem:s29+$0x180];
	vm0 =	vge.f32 v11, v18  }
0x1ce: {  	v26 =	vld [tilespmem:s29+$0x0];
	v11 =	vsel vm0, v11, v18;
	v29 =	vsel vm0, v25, v12;
	v12 =	vsel vm0, v12, v25  }
0x1cf: {  	v25 =	vld [tilespmem:s29+$0x80]  }
0x1d0: {  	v23 =	vor.u32 s26, v23;
	vm3 =	vge.f32 v17, v27;
	v30 =	vld [tilespmem:s29+$0x190]  }
0x1d1: {  	v24 =	vor.u32 s26, v24;
	v17 =	vsel vm3, v17, v27;
	s26 =	smov.u32 s30;
	v18 =	vsel vm0, v18, v16;
	v16 =	vmovc v11;
	v31 =	vld [tilespmem:s29+$0x100]  }
0x1d2: {  	v15 =	vsel vm1, v15, v24;
	v14 =	vsel vm3, v14, v23;
	vm0 =	vge.f32 v18, v17;
	v27 =	vld [tilespmem:s29+$0xFFFFFE00]  }
0x1d3: {  	v15 =	vsel vm2, v21, v15;
	v17 =	vsel vm0, v18, v17;
	v14 =	vsel vm0, v29, v14;
	v23 =	vld [tilespmem:s29+$0x90]  }
0x1d4: {  	v18 =	vld [tilespmem:s29+$0xFFFFFF00];
	vm0 =	vge.f32 v26, v25  }
0x1d5: {  	v21 =	vld [tilespmem:s29+$0xFFFFFE80];
	v24 =	vsel vm0, v26, v25;
	v25 =	vsel vm0, v25, v26  }
0x1d6: {  	v29 =	vsel vm0, $0x4, v4;
	v32 =	vsel vm0, $0x5, v5;
	v26 =	vld [tilespmem:s29+$0x110];
	vm0 =	vge.f32 v31, v22  }
0x1d7: {  	v33 =	vld [tilespmem:s29+$0xFFFFFE90];
	v34 =	vsel vm0, v31, v22;
	v22 =	vsel vm0, v22, v31;
	v31 =	vsel vm0, $0x7, v7  }
0x1d8: {  	v36 =	vsel vm0, $0x6, v6;
	v35 =	vld [tilespmem:s29+$0x10];
	vm3 =	vge.f32 v24, v34;
	vm4 =	vge.f32 v25, v22  }
0x1d9: {  	v37 =	vld [tilespmem:s29+$0xFFFFFE10];
	vm2 =	vge.f32 v18, v28;
	v38 =	vsel vm3, v29, v36;
	v31 =	vsel vm4, v32, v31  }
0x1da: {  	v29 =	vsel vm3, v36, v29;
	vm1 =	vge.f32 v27, v21;
	v32 =	vsel vm2, v28, v18  }
0x1db: {  	v36 =	vsel vm3, v24, v34;
	v28 =	vsel vm2, v18, v28;
	vm0 =	vge.f32 v26, v30  }
0x1dc: {  	v18 =	vsel vm4, v25, v22;
	v22 =	vsel vm0, v26, v30  }
0x1dd: {  	v24 =	vsel vm3, v34, v24;
	v25 =	vsel vm0, v30, v26;
	vm5 =	vge.f32 v35, v23  }
0x1de: {  	vm4 =	vge.f32 v24, v18;
	vm6 =	vge.f32 v37, v33;
	v26 =	vsel vm5, v23, v35  }
0x1df: {  	v29 =	vsel vm4, v29, v31;
	v30 =	vld [tilespmem:s29+$0xFFFFFF90];
	vm7 =	vmneg vm6;
	vm3 =	vge.f32 v26, v25  }
0x1e0: {  	v34 =	vsel vm2, $0x2, v2;
	v31 =	vld [tilespmem:s29+$0xFFFFFF10];
	v39 =	vsel vm7, v33, v37;
	v33 =	vsel vm7, v37, v33  }
0x1e1: {  	v24 =	vsel vm4, v24, v18;
	v23 =	vsel vm5, v35, v23;
	v25 =	vsel vm3, v26, v25  }
0x1e2: {  	v35 =	vsel vm6, $0x1, v1;
	vm4 =	vge.f32 v23, v22;
	v26 =	vsel vm2, $0x3, v3  }
0x1e3: {  	vm8 =	vmneg vm1;
	v18 =	vsel vm4, v23, v22;
	v22 =	vsel vm4, v22, v23  }
0x1e4: {  	v23 =	vsel vm1, $0x1, v1;
	v37 =	vsel vm7, $0x1, v1;
	vm1 =	vge.f32 v22, v25  }
0x1e5: {  	v40 =	vsel vm8, v21, v27;
	v41 =	vsel vm5, $0x4, v4;
	vm7 =	vge.f32 v31, v30  }
0x1e6: {  	vm6 =	vge.f32 v40, v28;
	v42 =	vsel vm7, v31, v30;
	v43 =	vsel vm7, $0x3, v3  }
0x1e7: {  	v30 =	vsel vm7, v30, v31;
	v31 =	vsel vm0, $0x6, v6;
	vm2 =	vge.f32 v39, v42  }
0x1e8: {  	v44 =	vsel vm5, $0x5, v5;
	vm9 =	vge.f32 v33, v30;
	v45 =	vsel vm2, v42, v39  }
0x1e9: {  	v21 =	vsel vm8, v27, v21;
	v27 =	vsel vm8, $0x1, v1;
	v30 =	vsel vm9, v33, v30  }
0x1ea: {  	vm8 =	vge.f32 v21, v32;
	v33 =	vsel vm0, $0x7, v7;
	vm5 =	vge.f32 v45, v30  }
0x1eb: {  	v21 =	vsel vm8, v21, v32;
	v32 =	vsel vm7, $0x2, v2;
	v33 =	vsel vm3, v44, v33  }
0x1ec: {  	v23 =	vsel vm8, v23, v26;
	v26 =	vsel vm2, v32, v37;
	v44 =	vsel vm6, v28, v40  }
0x1ed: {  	v28 =	vsel vm6, v40, v28;
	v40 =	vsel vm4, v41, v31;
	vm0 =	vge.f32 v44, v21  }
0x1ee: {  	v31 =	vsel vm4, v31, v41;
	vm3 =	vge.f32 v28, v36;
	v30 =	vsel vm5, v45, v30  }
0x1ef: {  	v35 =	vsel vm9, v35, v43;
	v41 =	vsel vm6, v34, v27;
	v45 =	vsel vm3, v28, v36  }
0x1f0: {  	v27 =	vsel vm6, v27, v34;
	v34 =	vsel vm1, v22, v25;
	v23 =	vsel vm0, v41, v23  }
0x1f1: {  	v21 =	vsel vm0, v44, v21;
	v41 =	vsel vm3, v38, v27;
	vm0 =	vge.f32 v13, v45  }
0x1f2: {  	v28 =	vsel vm3, v36, v28;
	vm4 =	vge.f32 v30, v34;
	v13 =	vsel vm0, v13, v45  }
0x1f3: {  	v22 =	vsel vm5, v26, v35;
	v25 =	vsel vm1, v31, v33;
	vm6 =	vge.f32 v21, v24  }
0x1f4: {  	v31 =	vsel vm4, v22, v25;
	v21 =	vsel vm6, v21, v24;
	v22 =	vsel vm0, v45, v20  }
0x1f5: {  	v25 =	vsel vm2, v39, v42;
	v20 =	vsel vm3, v27, v38;
	vm5 =	vge.f32 v28, v21  }
0x1f6: {  	v26 =	vsel vm2, v37, v32;
	vm3 =	vge.f32 v25, v18;
	v24 =	vsel vm5, v28, v21  }
.Ltmp5:
0x1f7: {  	v27 =	vsel vm3, v18, v25;
	v20 =	vor.u32 s26, v20;
	vm1 =	vge.f32 v19, v24;
	(pc) =	sbr.rel @p0 .LBB2_13-.Ltmp5, $4  }
0x1f8: {  	v28 =	vsel vm3, v40, v26;
	v21 =	vsel vm0, v20, v10;
	v19 =	vsel vm1, v19, v24  }
0x1f9: {  	v23 =	vsel vm6, v23, v29;
	v29 =	vsel vm4, v30, v34;
	vm2 =	vge.f32 v22, v19  }
0x1fa: {  	v26 =	vsel vm3, v26, v40;
	vm4 =	vge.f32 v27, v29  }
0x1fb: {  	s29 =	sadd.s32 $0x400, s29;
	v27 =	vsel vm4, v27, v29;
	v24 =	vsel vm5, v41, v23;
	v23 =	vsel vm4, v28, v31  }
0x1fc: {  	v19 =	vsel vm2, v22, v19  }
0x1fd: {  	v13 =	vsub.f32 v19, v13;
	_ =	sdelay $0x1  }
0x1fe: {  	v13 =	vmul.f32 $1.442695020e+00, v13;
	_ =	sdelay $0x1  }
0x1ff: {  	(erf) = vpow2.f32 v13;
	_ =	sdelay $0x3  }
0x200: {  	v48 =	vsel vm3, v25, v18  }
0x201: {  	vm4 =	vge.f32 v17, v27;
	vm3 =	vge.f32 v11, v48  }
0x202: {  	v17 =	vsel vm4, v17, v27;
	v16 =	vsel vm3, v48, v16  }
0x203: {  	vm5 =	vge.f32 v16, v17  }
0x204: {  	v11 =	vsel vm3, v11, v48;
	v49 =	vsel vm5, v16, v17  }
0x205: {  	v11 =	vsub.f32 v49, v11;
	v50 =	vpop (erf)  }
0x206: {  	v51 =	vadd.f32 $1.000000000e+00, v50  }
0x207: {  	v11 =	vmul.f32 $1.442695020e+00, v11  }
0x208: {  	(erf) = vrcp.f32 v51  }
0x209: {  	(erf) = vpow2.f32 v11;
	_ =	sdelay $0x7  }
0x20a: {  	v11 =	vpop (erf)  }
0x20b: {  	v52 =	vpop (erf)  }
0x20c: {  	v53 =	vadd.f32 $1.000000000e+00, v52;
	_ =	sdelay $0x1  }
0x20d: {  	v54 =	vor.u32 s26, v24;
	(erf) = vrcp.f32 v53  }
0x20e: {  	v10 =	vsel vm0, v10, v20;
	v55 =	vor.u32 s25, v8;
	v15 =	vsel vm1, v15, v54  }
0x20f: {  	v10 =	vadd.s32 v55, v10;
	v15 =	vsel vm2, v21, v15  }
0x210: {  	v15 =	vadd.s32 v55, v15  }
0x211: {  	v56 =	vor.u32 s26, v26;
	v58 =	vor.u32 s26, v23;
	v60 =	vor.u32 s25, v9  }
0x212: {  	v14 =	vsel vm4, v14, v58;
	v57 =	vsel vm3, v12, v56;
	v59 =	vsel vm3, v56, v12  }
0x213: {  	v62 =	vadd.s32 v60, v57;
	v12 =	vsel vm5, v59, v14;
	v61 =	vmul.f32 v11, v50  }
0x214: {  	[tilespmem:v10+s14+$0x0] =	vst.idx.msk $0xffff, v11;
	v11 =	vadd.s32 v60, v12  }
0x215: {  	s23 =	sadd.s32 $0x1, s23;
	[tilespmem:v15+s14+$0x0] =	vst.idx.msk $0xffff, v61  }
0x216: {  	p0 =	sne.s32 s23, $0x8;
	[tilespmem:s24+$0x10000] =	vst v10;
	v10 =	vpop (erf)  }
.Ltmp6:
0x217: {  	[tilespmem:s24+$0x10200] =	vst v15;
	v63 =	vmul.f32 v10, v52;
	(pc) =	sbr.rel @p0 .LBB2_12-.Ltmp6, $4  }
0x218: {  	[tilespmem:v62+s14+$0x0] =	vst.idx.msk $0xffff, v10  }
0x219: {  	[tilespmem:v11+s14+$0x0] =	vst.idx.msk $0xffff, v63  }
0x21a: {  	[tilespmem:s24+$0x10010] =	vst v62  }
0x21b: {  	s22 =	sadd.s32 $0x800, s22;
	s21 =	sadd.s32 $0x1, s21;
	[tilespmem:s24+$0x10210] =	vst v11  }
0x21c: {  	s20 =	simm.s32 $0x0  }
0x21d: {  	[hbm4b:s9+s20] =	stream.linear.scatter [tilespmem:s14], [sflag:$0x3], $0x4000, $0x38;
	[tilespmem:$0x10400] =	vst v63  }
0x21e: {  	_ =	swait.ge [sflag:s15], $0x4000  }
0x21f: {  	[sflag:s15] =	ssyncset.done $0x0  }
0x220: {  	[sflag:s15] =	ssyncadd.s32 $0xFFFFC000  }
0x221: {  	_ =	swait.ge [sflag:s18], $0x4000  }
0x222: {  	[sflag:s18] =	ssyncset.done $0x0  }
0x223: {  	[sflag:s18] =	ssyncadd.s32 $0xFFFFC000  }
0x224: {  	v10 =	vld [tilespmem:$0x10100]  }
0x225: {  	v11 =	vld [tilespmem:$0x10300];
	_ =	sdelay $0x6  }
0x226: {  	[tilespmem:v10+s16+$0x0] =	vst.idx.msk $0xffff, v0  }
0x227: {  	[tilespmem:v11+s16+$0x0] =	vst.idx.msk $0xffff, v0  }
0x228: {  	v10 =	vld [tilespmem:$0x10110]  }
0x229: {  	v11 =	vld [tilespmem:$0x10310];
	_ =	sdelay $0x6  }
0x22a: {  	[tilespmem:v10+s16+$0x0] =	vst.idx.msk $0xffff, v0  }
0x22b: {  	[tilespmem:v11+s16+$0x0] =	vst.idx.msk $0xffff, v0  }
0x22c: {  	v10 =	vld [tilespmem:$0x10120]  }
0x22d: {  	v11 =	vld [tilespmem:$0x10320];
	_ =	sdelay $0x6  }
0x22e: {  	[tilespmem:v10+s16+$0x0] =	vst.idx.msk $0xffff, v0  }
0x22f: {  	[tilespmem:v11+s16+$0x0] =	vst.idx.msk $0xffff, v0  }
0x230: {  	v10 =	vld [tilespmem:$0x10130]  }
0x231: {  	v11 =	vld [tilespmem:$0x10330];
	_ =	sdelay $0x6  }
0x232: {  	[tilespmem:v10+s16+$0x0] =	vst.idx.msk $0xffff, v0  }
0x233: {  	[tilespmem:v11+s16+$0x0] =	vst.idx.msk $0xffff, v0  }
0x234: {  	v10 =	vld [tilespmem:$0x10140]  }
0x235: {  	v11 =	vld [tilespmem:$0x10340];
	_ =	sdelay $0x6  }
0x236: {  	[tilespmem:v10+s16+$0x0] =	vst.idx.msk $0xffff, v0  }
0x237: {  	[tilespmem:v11+s16+$0x0] =	vst.idx.msk $0xffff, v0  }
0x238: {  	v10 =	vld [tilespmem:$0x10150]  }
0x239: {  	v11 =	vld [tilespmem:$0x10350];
	_ =	sdelay $0x6  }
0x23a: {  	[tilespmem:v10+s16+$0x0] =	vst.idx.msk $0xffff, v0  }
0x23b: {  	[tilespmem:v11+s16+$0x0] =	vst.idx.msk $0xffff, v0  }
0x23c: {  	v10 =	vld [tilespmem:$0x10160]  }
0x23d: {  	v11 =	vld [tilespmem:$0x10360];
	_ =	sdelay $0x6  }
0x23e: {  	[tilespmem:v10+s16+$0x0] =	vst.idx.msk $0xffff, v0  }
0x23f: {  	[tilespmem:v11+s16+$0x0] =	vst.idx.msk $0xffff, v0  }
0x240: {  	v10 =	vld [tilespmem:$0x10170]  }
0x241: {  	v11 =	vld [tilespmem:$0x10370];
	_ =	sdelay $0x6  }
0x242: {  	[tilespmem:v10+s16+$0x0] =	vst.idx.msk $0xffff, v0  }
0x243: {  	[tilespmem:v11+s16+$0x0] =	vst.idx.msk $0xffff, v0  }
0x244: {  	v10 =	vld [tilespmem:$0x10180]  }
0x245: {  	v11 =	vld [tilespmem:$0x10380];
	_ =	sdelay $0x6  }
0x246: {  	[tilespmem:v10+s16+$0x0] =	vst.idx.msk $0xffff, v0  }
0x247: {  	[tilespmem:v11+s16+$0x0] =	vst.idx.msk $0xffff, v0  }
0x248: {  	v10 =	vld [tilespmem:$0x10190]  }
0x249: {  	v11 =	vld [tilespmem:$0x10390];
	_ =	sdelay $0x6  }
0x24a: {  	[tilespmem:v10+s16+$0x0] =	vst.idx.msk $0xffff, v0  }
0x24b: {  	[tilespmem:v11+s16+$0x0] =	vst.idx.msk $0xffff, v0  }
0x24c: {  	v10 =	vld [tilespmem:$0x101A0]  }
0x24d: {  	v11 =	vld [tilespmem:$0x103A0];
	_ =	sdelay $0x6  }
0x24e: {  	[tilespmem:v10+s16+$0x0] =	vst.idx.msk $0xffff, v0  }
0x24f: {  	[tilespmem:v11+s16+$0x0] =	vst.idx.msk $0xffff, v0  }
0x250: {  	v10 =	vld [tilespmem:$0x101B0]  }
0x251: {  	v11 =	vld [tilespmem:$0x103B0];
	_ =	sdelay $0x6  }
0x252: {  	[tilespmem:v10+s16+$0x0] =	vst.idx.msk $0xffff, v0  }
0x253: {  	[tilespmem:v11+s16+$0x0] =	vst.idx.msk $0xffff, v0  }
0x254: {  	v10 =	vld [tilespmem:$0x101C0]  }
0x255: {  	v11 =	vld [tilespmem:$0x103C0];
	_ =	sdelay $0x6  }
0x256: {  	[tilespmem:v10+s16+$0x0] =	vst.idx.msk $0xffff, v0  }
0x257: {  	[tilespmem:v11+s16+$0x0] =	vst.idx.msk $0xffff, v0  }
0x258: {  	v10 =	vld [tilespmem:$0x101D0]  }
0x259: {  	v11 =	vld [tilespmem:$0x103D0];
	_ =	sdelay $0x6  }
0x25a: {  	[tilespmem:v10+s16+$0x0] =	vst.idx.msk $0xffff, v0  }
0x25b: {  	[tilespmem:v11+s16+$0x0] =	vst.idx.msk $0xffff, v0  }
0x25c: {  	v10 =	vld [tilespmem:$0x101E0]  }
0x25d: {  	v11 =	vld [tilespmem:$0x103E0];
	_ =	sdelay $0x6  }
0x25e: {  	[tilespmem:v10+s16+$0x0] =	vst.idx.msk $0xffff, v0  }
0x25f: {  	[tilespmem:v11+s16+$0x0] =	vst.idx.msk $0xffff, v0  }
0x260: {  	v10 =	vld [tilespmem:$0x101F0]  }
0x261: {  	v11 =	vld [tilespmem:$0x103F0];
	_ =	sdelay $0x6  }
0x262: {  	[tilespmem:v10+s16+$0x0] =	vst.idx.msk $0xffff, v0  }
0x263: {  	s21 =	simm.s32 $0x0;
	s22 =	simm.s32 $0x0;
	s23 =	simm.s32 $0x0;
	[tilespmem:v11+s16+$0x0] =	vst.idx.msk $0xffff, v0  }
.LBB2_16:
0x264: {  	s24 =	sshll.u32 s22, $0x2;
	s25 =	sand.u32 $0x3, s21  }
0x265: {  	s24 =	sand.u32 $0xFFFF8000, s24;
	s25 =	sshll.u32 s25, $0x7  }
0x266: {  	s24 =	sor.u32 s25, s24  }
0x267: {  	s24 =	sshrl.u32 s24, $0x2  }
0x268: {  	s26 =	sadd.s32 $0x4200, s24  }
0x269: {  	v12 =	vld [tilespmem:s26+$0xFFFFFF80]  }
0x26a: {  	v13 =	vld [tilespmem:s26+$0x180]  }
0x26b: {  	v14 =	vld [tilespmem:s26+$0x0]  }
0x26c: {  	v15 =	vld [tilespmem:s26+$0x80]  }
0x26d: {  	v19 =	vld [tilespmem:s26+$0xFFFFFE00]  }
0x26e: {  	v18 =	vld [tilespmem:s26+$0x90]  }
0x26f: {  	v20 =	vld [tilespmem:s26+$0xFFFFFF00]  }
0x270: {  	v21 =	vld [tilespmem:s26+$0xFFFFFE80]  }
0x271: {  	v27 =	vld [tilespmem:s26+$0x10]  }
0x272: {  	v17 =	vld [tilespmem:s26+$0x100];
	_ =	sdelay $0x1  }
0x273: {  	v11 =	vimm.f32 $-3.402823470e+38;
	v10 =	vimm.s32 $0x0  }
0x274: {  	vm0 =	vge.f32 v14, v15;
	vm4 =	vge.f32 v20, v12;
	vm6 =	vge.f32 v19, v21  }
0x275: {  	vm5 =	vge.f32 v27, v18;
	v22 =	vsel vm0, v14, v15;
	v14 =	vsel vm0, v15, v14  }
0x276: {  	v23 =	vsel vm0, $0x4, v4;
	v24 =	vsel vm0, $0x5, v5;
	vm0 =	vge.f32 v17, v13  }
0x277: {  	v25 =	vld [tilespmem:s26+$0xFFFFFE90];
	vm8 =	vmneg vm6;
	v33 =	vsel vm5, $0x4, v4;
	v36 =	vsel vm5, $0x5, v5  }
0x278: {  	v29 =	vld [tilespmem:s26+$0xFFFFFE10];
	v26 =	vsel vm0, v17, v13;
	v13 =	vsel vm0, v13, v17;
	v17 =	vsel vm0, $0x7, v7  }
0x279: {  	v16 =	vld [tilespmem:s26+$0x190];
	v28 =	vsel vm0, $0x6, v6;
	v32 =	vsel vm8, v21, v19;
	v19 =	vsel vm8, v19, v21  }
0x27a: {  	v15 =	vld [tilespmem:s26+$0x110];
	v21 =	vsel vm8, $0x1, v1;
	vm1 =	vge.f32 v22, v26;
	vm2 =	vge.f32 v14, v13  }
0x27b: {  	v30 =	vsel vm1, v23, v28;
	v17 =	vsel vm2, v24, v17;
	v24 =	vsel vm4, v12, v20  }
0x27c: {  	v23 =	vsel vm1, v28, v23;
	v12 =	vsel vm4, v20, v12;
	v20 =	vsel vm1, v22, v26  }
0x27d: {  	v13 =	vsel vm2, v14, v13;
	v22 =	vsel vm1, v26, v22;
	vm2 =	vge.f32 v29, v25  }
0x27e: {  	v26 =	vsel vm4, $0x2, v2;
	vm1 =	vge.f32 v22, v13;
	vm7 =	vmneg vm2  }
0x27f: {  	vm13 =	vge.f32 v32, v12;
	vm14 =	vge.f32 v19, v24;
	vm0 =	vge.f32 v15, v16  }
0x280: {  	v17 =	vsel vm1, v23, v17;
	v31 =	vsel vm7, v25, v29;
	v25 =	vsel vm7, v29, v25  }
0x281: {  	v28 =	vld [tilespmem:s26+$0xFFFFFF10];
	v22 =	vsel vm1, v22, v13;
	v13 =	vsel vm5, v27, v18;
	v29 =	vsel vm7, $0x1, v1  }
0x282: {  	v23 =	vld [tilespmem:s26+$0xFFFFFF90];
	v19 =	vsel vm14, v19, v24;
	v59 =	vsel vm13, v12, v32;
	v12 =	vsel vm13, v32, v12  }
0x283: {  	v14 =	vsel vm0, v15, v16;
	v15 =	vsel vm0, v16, v15;
	v16 =	vsel vm5, v18, v27  }
0x284: {  	v61 =	vsel vm13, v26, v21;
	v21 =	vsel vm13, v21, v26;
	vm3 =	vge.f32 v16, v15  }
0x285: {  	v15 =	vsel vm3, v16, v15;
	v16 =	vsel vm4, $0x3, v3;
	vm4 =	vge.f32 v13, v14  }
0x286: {  	v27 =	vsel vm2, $0x1, v1;
	v18 =	vsel vm4, v13, v14;
	v13 =	vsel vm4, v14, v13  }
0x287: {  	v14 =	vsel vm6, $0x1, v1;
	vm1 =	vge.f32 v13, v15;
	vm12 =	vge.f32 v28, v23  }
0x288: {  	v14 =	vsel vm14, v14, v16;
	v34 =	vsel vm12, v28, v23;
	v35 =	vsel vm12, $0x3, v3  }
0x289: {  	v23 =	vsel vm12, v23, v28;
	v28 =	vsel vm0, $0x6, v6;
	v24 =	vsel vm12, $0x2, v2  }
0x28a: {  	v15 =	vsel vm1, v13, v15;
	vm2 =	vge.f32 v31, v34;
	vm5 =	vge.f32 v25, v23  }
0x28b: {  	v60 =	vsel vm4, v33, v28;
	v28 =	vsel vm4, v28, v33;
	v37 =	vsel vm2, v34, v31  }
0x28c: {  	v23 =	vsel vm5, v25, v23;
	v25 =	vsel vm0, $0x7, v7;
	v16 =	vsel vm2, v24, v29  }
0x28d: {  	vm0 =	vge.f32 v59, v19;
	v27 =	vsel vm5, v27, v35;
	v24 =	vsel vm2, v29, v24  }
0x28e: {  	vm9 =	vge.f32 v37, v23;
	v25 =	vsel vm3, v36, v25;
	vm3 =	vge.f32 v12, v20  }
0x28f: {  	v14 =	vsel vm0, v61, v14;
	v19 =	vsel vm0, v59, v19;
	v23 =	vsel vm9, v37, v23  }
0x290: {  	v62 =	vsel vm3, v12, v20;
	v63 =	vsel vm3, v30, v21;
	v12 =	vsel vm3, v20, v12  }
0x291: {  	vm5 =	vge.f32 v19, v22;
	v16 =	vsel vm9, v16, v27;
	v20 =	vsel vm1, v28, v25  }
0x292: {  	v25 =	vsel vm2, v31, v34;
	vm0 =	vge.f32 v11, v62;
	vm4 =	vge.f32 v23, v15  }
0x293: {  	v19 =	vsel vm5, v19, v22;
	v14 =	vsel vm5, v14, v17;
	v17 =	vimm.f32 $-3.402823470e+38  }
0x294: {  	v13 =	vsel vm0, v11, v62;
	v16 =	vsel vm4, v16, v20;
	v22 =	vsel vm0, v62, v11  }
0x295: {  	v20 =	vsel vm3, v21, v30;
	vm15 =	vge.f32 v12, v19;
	vm3 =	vge.f32 v25, v18  }
0x296: {  	v12 =	vsel vm15, v12, v19;
	v27 =	vsel vm3, v18, v25;
	v20 =	vor.u32 s20, v20  }
0x297: {  	v28 =	vsel vm3, v60, v24;
	v26 =	vsel vm3, v24, v60;
	vm1 =	vge.f32 v11, v12  }
0x298: {  	v24 =	vsel vm15, v63, v14;
	v19 =	vsel vm1, v11, v12;
	v12 =	vsel vm4, v23, v15  }
0x299: {  	v14 =	vimm.s32 $0x0;
	v21 =	vsel vm0, v20, v10;
	vm4 =	vge.f32 v27, v12  }
0x29a: {  	s28 =	simm.s32 $0x8;
	s25 =	sshll.u32 s23, $0xB;
	v15 =	vimm.s32 $0x0;
	vm2 =	vge.f32 v22, v19;
	v27 =	vsel vm4, v27, v12  }
0x29b: {  	s24 =	sshll.u32 s23, $0x5;
	s29 =	sadd.s32 $0x400, s26;
	s26 =	simm.s32 $0x0;
	v23 =	vsel vm4, v28, v16;
	v12 =	vimm.s32 $0x0;
	v16 =	vimm.f32 $-3.402823470e+38  }
.LBB2_17:
0x29c: {  	v28 =	vld [tilespmem:s29+$0xFFFFFF80];
	p0 =	sne.s32 s28, $0x38;
	v18 =	vsel vm3, v25, v18;
	v10 =	vsel vm0, v10, v20;
	v19 =	vsel vm2, v22, v19;
	v20 =	vmovc v13;
	s30 =	smov.u32 s28;
	s28 =	sadd.s32 $0x8, s28  }
0x29d: {  	v25 =	vor.u32 s26, v26;
	v22 =	vld [tilespmem:s29+$0x180];
	vm0 =	vge.f32 v11, v18  }
0x29e: {  	v26 =	vld [tilespmem:s29+$0x0];
	v11 =	vsel vm0, v11, v18;
	v29 =	vsel vm0, v25, v12;
	v12 =	vsel vm0, v12, v25  }
0x29f: {  	v25 =	vld [tilespmem:s29+$0x80]  }
0x2a0: {  	v23 =	vor.u32 s26, v23;
	vm3 =	vge.f32 v17, v27;
	v30 =	vld [tilespmem:s29+$0x190]  }
0x2a1: {  	v24 =	vor.u32 s26, v24;
	v17 =	vsel vm3, v17, v27;
	s26 =	smov.u32 s30;
	v18 =	vsel vm0, v18, v16;
	v16 =	vmovc v11;
	v31 =	vld [tilespmem:s29+$0x100]  }
0x2a2: {  	v15 =	vsel vm1, v15, v24;
	v14 =	vsel vm3, v14, v23;
	vm0 =	vge.f32 v18, v17;
	v27 =	vld [tilespmem:s29+$0xFFFFFE00]  }
0x2a3: {  	v15 =	vsel vm2, v21, v15;
	v17 =	vsel vm0, v18, v17;
	v14 =	vsel vm0, v29, v14;
	v23 =	vld [tilespmem:s29+$0x90]  }
0x2a4: {  	v18 =	vld [tilespmem:s29+$0xFFFFFF00];
	vm0 =	vge.f32 v26, v25  }
0x2a5: {  	v21 =	vld [tilespmem:s29+$0xFFFFFE80];
	v24 =	vsel vm0, v26, v25;
	v25 =	vsel vm0, v25, v26  }
0x2a6: {  	v29 =	vsel vm0, $0x4, v4;
	v32 =	vsel vm0, $0x5, v5;
	v26 =	vld [tilespmem:s29+$0x110];
	vm0 =	vge.f32 v31, v22  }
0x2a7: {  	v33 =	vld [tilespmem:s29+$0xFFFFFE90];
	v34 =	vsel vm0, v31, v22;
	v22 =	vsel vm0, v22, v31;
	v31 =	vsel vm0, $0x7, v7  }
0x2a8: {  	v36 =	vsel vm0, $0x6, v6;
	v35 =	vld [tilespmem:s29+$0x10];
	vm3 =	vge.f32 v24, v34;
	vm4 =	vge.f32 v25, v22  }
0x2a9: {  	v37 =	vld [tilespmem:s29+$0xFFFFFE10];
	vm2 =	vge.f32 v18, v28;
	v38 =	vsel vm3, v29, v36;
	v31 =	vsel vm4, v32, v31  }
0x2aa: {  	v29 =	vsel vm3, v36, v29;
	vm1 =	vge.f32 v27, v21;
	v32 =	vsel vm2, v28, v18  }
0x2ab: {  	v36 =	vsel vm3, v24, v34;
	v28 =	vsel vm2, v18, v28;
	vm0 =	vge.f32 v26, v30  }
0x2ac: {  	v18 =	vsel vm4, v25, v22;
	v22 =	vsel vm0, v26, v30  }
0x2ad: {  	v24 =	vsel vm3, v34, v24;
	v25 =	vsel vm0, v30, v26;
	vm5 =	vge.f32 v35, v23  }
0x2ae: {  	vm4 =	vge.f32 v24, v18;
	vm6 =	vge.f32 v37, v33;
	v26 =	vsel vm5, v23, v35  }
0x2af: {  	v29 =	vsel vm4, v29, v31;
	v30 =	vld [tilespmem:s29+$0xFFFFFF90];
	vm7 =	vmneg vm6;
	vm3 =	vge.f32 v26, v25  }
0x2b0: {  	v34 =	vsel vm2, $0x2, v2;
	v31 =	vld [tilespmem:s29+$0xFFFFFF10];
	v39 =	vsel vm7, v33, v37;
	v33 =	vsel vm7, v37, v33  }
0x2b1: {  	v24 =	vsel vm4, v24, v18;
	v23 =	vsel vm5, v35, v23;
	v25 =	vsel vm3, v26, v25  }
0x2b2: {  	v35 =	vsel vm6, $0x1, v1;
	vm4 =	vge.f32 v23, v22;
	v26 =	vsel vm2, $0x3, v3  }
0x2b3: {  	vm8 =	vmneg vm1;
	v18 =	vsel vm4, v23, v22;
	v22 =	vsel vm4, v22, v23  }
0x2b4: {  	v23 =	vsel vm1, $0x1, v1;
	v37 =	vsel vm7, $0x1, v1;
	vm1 =	vge.f32 v22, v25  }
0x2b5: {  	v40 =	vsel vm8, v21, v27;
	v41 =	vsel vm5, $0x4, v4;
	vm7 =	vge.f32 v31, v30  }
0x2b6: {  	vm6 =	vge.f32 v40, v28;
	v42 =	vsel vm7, v31, v30;
	v43 =	vsel vm7, $0x3, v3  }
0x2b7: {  	v30 =	vsel vm7, v30, v31;
	v31 =	vsel vm0, $0x6, v6;
	vm2 =	vge.f32 v39, v42  }
0x2b8: {  	v44 =	vsel vm5, $0x5, v5;
	vm9 =	vge.f32 v33, v30;
	v45 =	vsel vm2, v42, v39  }
0x2b9: {  	v21 =	vsel vm8, v27, v21;
	v27 =	vsel vm8, $0x1, v1;
	v30 =	vsel vm9, v33, v30  }
0x2ba: {  	vm8 =	vge.f32 v21, v32;
	v33 =	vsel vm0, $0x7, v7;
	vm5 =	vge.f32 v45, v30  }
0x2bb: {  	v21 =	vsel vm8, v21, v32;
	v32 =	vsel vm7, $0x2, v2;
	v33 =	vsel vm3, v44, v33  }
0x2bc: {  	v23 =	vsel vm8, v23, v26;
	v26 =	vsel vm2, v32, v37;
	v44 =	vsel vm6, v28, v40  }
0x2bd: {  	v28 =	vsel vm6, v40, v28;
	v40 =	vsel vm4, v41, v31;
	vm0 =	vge.f32 v44, v21  }
0x2be: {  	v31 =	vsel vm4, v31, v41;
	vm3 =	vge.f32 v28, v36;
	v30 =	vsel vm5, v45, v30  }
0x2bf: {  	v35 =	vsel vm9, v35, v43;
	v41 =	vsel vm6, v34, v27;
	v45 =	vsel vm3, v28, v36  }
0x2c0: {  	v27 =	vsel vm6, v27, v34;
	v34 =	vsel vm1, v22, v25;
	v23 =	vsel vm0, v41, v23  }
0x2c1: {  	v21 =	vsel vm0, v44, v21;
	v41 =	vsel vm3, v38, v27;
	vm0 =	vge.f32 v13, v45  }
0x2c2: {  	v28 =	vsel vm3, v36, v28;
	vm4 =	vge.f32 v30, v34;
	v13 =	vsel vm0, v13, v45  }
0x2c3: {  	v22 =	vsel vm5, v26, v35;
	v25 =	vsel vm1, v31, v33;
	vm6 =	vge.f32 v21, v24  }
0x2c4: {  	v31 =	vsel vm4, v22, v25;
	v21 =	vsel vm6, v21, v24;
	v22 =	vsel vm0, v45, v20  }
0x2c5: {  	v25 =	vsel vm2, v39, v42;
	v20 =	vsel vm3, v27, v38;
	vm5 =	vge.f32 v28, v21  }
0x2c6: {  	v26 =	vsel vm2, v37, v32;
	vm3 =	vge.f32 v25, v18;
	v24 =	vsel vm5, v28, v21  }
.Ltmp7:
0x2c7: {  	v27 =	vsel vm3, v18, v25;
	v20 =	vor.u32 s26, v20;
	vm1 =	vge.f32 v19, v24;
	(pc) =	sbr.rel @p0 .LBB2_17-.Ltmp7, $4  }
0x2c8: {  	v28 =	vsel vm3, v40, v26;
	v21 =	vsel vm0, v20, v10;
	v19 =	vsel vm1, v19, v24  }
0x2c9: {  	v23 =	vsel vm6, v23, v29;
	v29 =	vsel vm4, v30, v34;
	vm2 =	vge.f32 v22, v19  }
0x2ca: {  	v26 =	vsel vm3, v26, v40;
	vm4 =	vge.f32 v27, v29  }
0x2cb: {  	s29 =	sadd.s32 $0x400, s29;
	v27 =	vsel vm4, v27, v29;
	v24 =	vsel vm5, v41, v23;
	v23 =	vsel vm4, v28, v31  }
0x2cc: {  	v19 =	vsel vm2, v22, v19  }
0x2cd: {  	v13 =	vsub.f32 v19, v13;
	_ =	sdelay $0x1  }
0x2ce: {  	v13 =	vmul.f32 $1.442695020e+00, v13;
	_ =	sdelay $0x1  }
0x2cf: {  	(erf) = vpow2.f32 v13;
	_ =	sdelay $0x3  }
0x2d0: {  	v48 =	vsel vm3, v25, v18  }
0x2d1: {  	vm4 =	vge.f32 v17, v27;
	vm3 =	vge.f32 v11, v48  }
0x2d2: {  	v17 =	vsel vm4, v17, v27;
	v16 =	vsel vm3, v48, v16  }
0x2d3: {  	vm5 =	vge.f32 v16, v17  }
0x2d4: {  	v11 =	vsel vm3, v11, v48;
	v49 =	vsel vm5, v16, v17  }
0x2d5: {  	v11 =	vsub.f32 v49, v11;
	v50 =	vpop (erf)  }
0x2d6: {  	v51 =	vadd.f32 $1.000000000e+00, v50  }
0x2d7: {  	v11 =	vmul.f32 $1.442695020e+00, v11  }
0x2d8: {  	(erf) = vrcp.f32 v51  }
0x2d9: {  	(erf) = vpow2.f32 v11;
	_ =	sdelay $0x7  }
0x2da: {  	v11 =	vpop (erf)  }
0x2db: {  	v52 =	vpop (erf)  }
0x2dc: {  	v53 =	vadd.f32 $1.000000000e+00, v52;
	_ =	sdelay $0x1  }
0x2dd: {  	v54 =	vor.u32 s26, v24;
	(erf) = vrcp.f32 v53  }
0x2de: {  	v10 =	vsel vm0, v10, v20;
	v55 =	vor.u32 s25, v8;
	v15 =	vsel vm1, v15, v54  }
0x2df: {  	v10 =	vadd.s32 v55, v10;
	v15 =	vsel vm2, v21, v15  }
0x2e0: {  	v15 =	vadd.s32 v55, v15  }
0x2e1: {  	v56 =	vor.u32 s26, v26;
	v58 =	vor.u32 s26, v23;
	v60 =	vor.u32 s25, v9  }
0x2e2: {  	v14 =	vsel vm4, v14, v58;
	v57 =	vsel vm3, v12, v56;
	v59 =	vsel vm3, v56, v12  }
0x2e3: {  	v62 =	vadd.s32 v60, v57;
	v12 =	vsel vm5, v59, v14;
	v61 =	vmul.f32 v11, v50  }
0x2e4: {  	[tilespmem:v10+s16+$0x0] =	vst.idx.msk $0xffff, v11;
	v11 =	vadd.s32 v60, v12  }
0x2e5: {  	s23 =	sadd.s32 $0x1, s23;
	[tilespmem:v15+s16+$0x0] =	vst.idx.msk $0xffff, v61  }
0x2e6: {  	p0 =	sne.s32 s23, $0x8;
	[tilespmem:s24+$0x10100] =	vst v10;
	v10 =	vpop (erf)  }
.Ltmp8:
0x2e7: {  	[tilespmem:s24+$0x10300] =	vst v15;
	v63 =	vmul.f32 v10, v52;
	(pc) =	sbr.rel @p0 .LBB2_16-.Ltmp8, $4  }
0x2e8: {  	[tilespmem:v62+s16+$0x0] =	vst.idx.msk $0xffff, v10  }
0x2e9: {  	[tilespmem:v11+s16+$0x0] =	vst.idx.msk $0xffff, v63  }
0x2ea: {  	[tilespmem:s24+$0x10110] =	vst v62  }
0x2eb: {  	s22 =	sadd.s32 $0x800, s22;
	s21 =	sadd.s32 $0x1, s21;
	[tilespmem:s24+$0x10310] =	vst v11  }
0x2ec: {  	[hbm4b:s10+s2] =	stream.linear.scatter [tilespmem:s16], [sflag:$0x4], $0x4000, $0x38;
	[tilespmem:$0x10400] =	vst v63  }
0x2ed: {  	s19 =	sadd.s32 $0x1, s19  }
0x2ee: {  	_ =	swait.ge [sflag:s17], $0x4000;
	p0 =	sne.s32 s19, s11  }
.Ltmp9:
0x2ef: {  	[sflag:s17] =	ssyncset.done $0x0;
	(pc) =	sbr.rel @p0 .LBB2_1-.Ltmp9, $4  }
0x2f0: {  	[sflag:s17] =	ssyncadd.s32 $0xFFFFC000  }
0x2f1: {  	_ =	swait.ge [sflag:s18], $0x4000  }
0x2f2: {  	[sflag:s18] =	ssyncset.done $0x0  }
0x2f3: {  	[sflag:s18] =	ssyncadd.s32 $0xFFFFC000  }
0x2f4: {  	_ =	sfence.sel $0x180000  }
0x2f5: {  	[bflag:$0x0] =	sbarrier.arrive $0xFFFF  }
0x2f6: {  	p0 =	sne.s32 s1, $0x0;
	_ =	strace $0x90000047  }
0x2f7: {  	s0 =	sadd.s32 @!p0 $0x100000, s0;
	[bflag:$0x2] =	sbarrier.arrive $0xFFFF  }
0x2f8: {  	[sflag:s0] =	ssyncadd.tile.s32 @!p0 $0x1;
	_ =	shalt  }
.Lfunc_end2:
_tile_overlayer_lowered:
.L_overlay_start_2:
0x2f9: {  	(tag) =	ssettag $0x2  }
0x2fa: {  	s0 =	rddreg [dreg:$0x0];
	s2 =	stileid.u32  }
0x2fb: {  	s1 =	rddreg [dreg:$0x1];
	p0 =	sne.s32 s2, $0x0  }
0x2fc: {  	s3 =	rddreg [dreg:$0x2];
	[bflag:$0x3] =	sbarrier.arrive $0xFFFF;
	s2 =	simm.s32 @!p0 $0x1C05  }
0x2fd: {  	[timem:s3], [sflag:s2] =	dma.local @!p0 [hbm:s0], s1  }
0x2fe: {  	s0 =	simm.s32 @!p0 $0x5  }
0x2ff: {  	_ =	swait.ge @!p0 [sflag:s0], s1  }
0x300: {  	s1 =	ssub.s32 @!p0 $0x0, s1;
	[sflag:s0] =	ssyncset.done @!p0 $0x0  }
0x301: {  	[sflag:s0] =	ssyncadd.s32 @!p0 s1  }
0x302: {  	[bflag:$0x3] =	sbarrier.arrive $0xFFFF  }
0x303: {  	_ =	shalt  }

</sc_bundles>
